<compile_context>
chip_gen: v7x
topology: tpu7x:2x2x1
jax: 0.10.2.dev20260603
libtpu: 0.0.44.dev20260713+nightly
codegen_flags: <defaults>
</compile_context>

<pallas_src>
import functools

import jax
import jax.numpy as jnp
from jax import lax
from jax.experimental import pallas as pl
from jax.experimental.pallas import tpu as pltpu
from jax.experimental.pallas import tpu_sc as plsc

N_NODES = 10000
N_EDGES = 320000
DIM = 128
N_GRAPHS = 64
N_LAYERS = 3

NC = 2
NS = 16
NW = NC * NS

CHUNK = 128
E_PAD = 327680
N_CHUNKS = E_PAD // CHUNK
N_CHUNKS_ALLOC = N_CHUNKS + 8
CPW = N_CHUNKS // NW
UNROLL = 8
N_BODY = CPW // UNROLL
N_PAD = 10240
ROWS_PER_TILE = N_PAD // NS


def _sc_aggregate(h, src2d, dst2d, zeros_tile):
    mesh = plsc.VectorSubcoreMesh(
        core_axis_name="c", subcore_axis_name="s", num_cores=NC, num_subcores=NS
    )

    @functools.partial(
        pl.kernel,
        out_type=jax.ShapeDtypeStruct((NC, N_PAD, DIM), jnp.float32),
        mesh=mesh,
        scratch_types=[
            pltpu.VMEM((UNROLL, CHUNK), jnp.int32),
            pltpu.VMEM((UNROLL, CHUNK), jnp.int32),
            pltpu.VMEM((2 * CHUNK, DIM), jnp.float32),
            pltpu.VMEM_SHARED((N_PAD, DIM), jnp.float32),
            pltpu.SemaphoreType.DMA,
            pltpu.SemaphoreType.DMA,
        ],
    )
    def body(h_hbm, src_hbm, dst_hbm, zero_hbm, out_hbm, sidx, didx, rows,
             acc_sh, gsem, isem):
        c = lax.axis_index("c")
        s = lax.axis_index("s")
        w = s * NC + c
        base_chunk = w * CPW
        half_rows = UNROLL // 2

        def fire_gather(b, r):
            return pltpu.async_copy(h_hbm.at[sidx.at[r]],
                                    rows.at[pl.ds(b * CHUNK, CHUNK)], gsem)

        def scatter(b, r):
            pltpu.sync_copy(rows.at[pl.ds(b * CHUNK, CHUNK)],
                            acc_sh.at[didx.at[r]], add=True)

        def fire_idx(chunk0, r0):
            return (
                pltpu.async_copy(src_hbm.at[pl.ds(chunk0, half_rows)],
                                 sidx.at[pl.ds(r0, half_rows)], isem),
                pltpu.async_copy(dst_hbm.at[pl.ds(chunk0, half_rows)],
                                 didx.at[pl.ds(r0, half_rows)], isem),
            )

        def run4(r0):
            d0 = fire_gather(0, r0)
            d1 = fire_gather(1, r0 + 1)
            d0.wait()
            scatter(0, r0)
            d2 = fire_gather(0, r0 + 2)
            d1.wait()
            scatter(1, r0 + 1)
            d3 = fire_gather(1, r0 + 3)
            d2.wait()
            scatter(0, r0 + 2)
            d3.wait()
            scatter(1, r0 + 3)

        pltpu.sync_copy(zero_hbm,
                        acc_sh.at[pl.ds(s * ROWS_PER_TILE, ROWS_PER_TILE)])
        plsc.subcore_barrier()

        pltpu.sync_copy(src_hbm.at[pl.ds(base_chunk, half_rows)],
                        sidx.at[pl.ds(0, half_rows)])
        pltpu.sync_copy(dst_hbm.at[pl.ds(base_chunk, half_rows)],
                        didx.at[pl.ds(0, half_rows)])

        def body_t(t, carry):
            c0 = base_chunk + t * UNROLL
            ia, ib = fire_idx(c0 + 4, half_rows)
            run4(0)
            ia.wait()
            ib.wait()
            ic, id_ = fire_idx(c0 + UNROLL, 0)
            run4(half_rows)
            ic.wait()
            id_.wait()
            return carry

        lax.fori_loop(0, N_BODY, body_t, 0)
        plsc.subcore_barrier()

        pltpu.sync_copy(
            acc_sh.at[pl.ds(s * ROWS_PER_TILE, ROWS_PER_TILE)],
            out_hbm.at[c, pl.ds(s * ROWS_PER_TILE, ROWS_PER_TILE)],
        )

    return body(h, src2d, dst2d, zeros_tile)


def _tc_layer(h, acc, epsp1, W1, b1, g1, be1, W2, b2, go, bo, batch2d):

    def body(eps_ref, h_ref, a_ref, w1_ref, b1_ref, g1_ref, be1_ref,
             w2_ref, b2_ref, go_ref, bo_ref, batch_ref, out_ref, pool_ref):
        ep = eps_ref[0]
        z = ep * h_ref[...] + a_ref[0, :N_NODES] + a_ref[1, :N_NODES]
        z1 = lax.dot_general(z, w1_ref[...], (((1,), (0,)), ((), ())),
                             preferred_element_type=jnp.float32) + b1_ref[...]
        mu1 = jnp.mean(z1, axis=0, keepdims=True)
        d1 = z1 - mu1
        var1 = jnp.mean(d1 * d1, axis=0, keepdims=True)
        z1n = jnp.maximum(
            g1_ref[...] * d1 * lax.rsqrt(var1 + 1e-5) + be1_ref[...], 0.0)
        z2 = lax.dot_general(z1n, w2_ref[...], (((1,), (0,)), ((), ())),
                             preferred_element_type=jnp.float32) + b2_ref[...]
        mu2 = jnp.mean(z2, axis=0, keepdims=True)
        d2 = z2 - mu2
        var2 = jnp.mean(d2 * d2, axis=0, keepdims=True)
        h_out = jnp.maximum(
            go_ref[...] * d2 * lax.rsqrt(var2 + 1e-5) + bo_ref[...], 0.0)
        out_ref[...] = h_out

        gids = lax.broadcasted_iota(jnp.int32, (N_GRAPHS, N_NODES), 0)
        onehot = (gids == batch_ref[...]).astype(jnp.float32)
        pool_ref[...] = lax.dot_general(
            onehot, h_out, (((1,), (0,)), ((), ())),
            preferred_element_type=jnp.float32)

    return pl.pallas_call(
        body,
        out_shape=(
            jax.ShapeDtypeStruct((N_NODES, DIM), jnp.float32),
            jax.ShapeDtypeStruct((N_GRAPHS, DIM), jnp.float32),
        ),
        in_specs=[pl.BlockSpec(memory_space=pltpu.SMEM)]
        + [pl.BlockSpec(memory_space=pltpu.VMEM)] * 11,
    )(epsp1, h, acc, W1, b1, g1, be1, W2, b2, go, bo, batch2d)


def kernel(x, edge_index, batch, eps, W1, b1, g1, be1, W2, b2, go, bo):
    n_fill = N_CHUNKS_ALLOC * CHUNK - N_EDGES
    fill = jnp.arange(n_fill, dtype=jnp.int32)
    src_pad = jnp.concatenate([edge_index[0], fill % N_NODES])
    dst_pad = jnp.concatenate(
        [edge_index[1], N_NODES + fill % (N_PAD - N_NODES)])
    src2d = src_pad.reshape(N_CHUNKS_ALLOC, CHUNK)
    dst2d = dst_pad.reshape(N_CHUNKS_ALLOC, CHUNK)
    zeros_tile = jnp.zeros((ROWS_PER_TILE, DIM), jnp.float32)
    batch2d = batch.reshape(1, N_NODES)
    epsp1 = (1.0 + eps).astype(jnp.float32)

    h = x
    reps = []
    pooled = []
    for i in range(N_LAYERS):
        acc = _sc_aggregate(h, src2d, dst2d, zeros_tile)
        h, p = _tc_layer(
            h, acc, epsp1[i].reshape(1),
            W1[i], b1[i].reshape(1, DIM), g1[i].reshape(1, DIM),
            be1[i].reshape(1, DIM), W2[i], b2[i].reshape(1, DIM),
            go[i].reshape(1, DIM), bo[i].reshape(1, DIM), batch2d)
        reps.append(h)
        pooled.append(p)

    node_rep = jnp.concatenate(reps, axis=1)
    graph_rep = jnp.concatenate(pooled, axis=1)
    return (graph_rep, node_rep)

# --- scband reference (transcript-rebuilt; emitter-appended) ---
"""Pipeline reference for scband-encoder-18141941858832 (READ-ONLY COPY).

The authoritative reference and input builder live on the scoring server;
editing this copy changes nothing except your own understanding.
"""

import jax, jax.numpy as jnp
import numpy as np

N = 10000
E = 320000
D = 128
H = 128
L = 3
G = 64

def setup_inputs(seed: int = 0) -> dict:
    key = jax.random.key(seed)
    ks = jax.random.split(key, 8)
    x = jax.random.normal(ks[0], (N, D), dtype=jnp.float32)
    edge_index = jax.random.randint(ks[1], (2, E), 0, N, dtype=jnp.int32)
    batch = jnp.sort(jax.random.randint(ks[2], (N,), 0, G, dtype=jnp.int32))
    eps = jnp.zeros((L,), dtype=jnp.float32)
    W1 = jax.random.normal(ks[3], (L, D, H), dtype=jnp.float32) * (1.0 / np.sqrt(D))
    b1 = jnp.zeros((L, H), dtype=jnp.float32)
    g1 = jnp.ones((L, H), dtype=jnp.float32)
    be1 = jnp.zeros((L, H), dtype=jnp.float32)
    W2 = jax.random.normal(ks[4], (L, H, H), dtype=jnp.float32) * (1.0 / np.sqrt(H))
    b2 = jnp.zeros((L, H), dtype=jnp.float32)
    go = jnp.ones((L, H), dtype=jnp.float32)
    bo = jnp.zeros((L, H), dtype=jnp.float32)
    return {"x": x, "edge_index": edge_index, "batch": batch, "eps": eps,
            "W1": W1, "b1": b1, "g1": g1, "be1": be1,
            "W2": W2, "b2": b2, "go": go, "bo": bo}

def _bn(h, gamma, beta):
    mu = jnp.mean(h, axis=0)
    var = jnp.var(h, axis=0)
    return gamma * (h - mu) * jax.lax.rsqrt(var + 1e-5) + beta

def reference(x, edge_index, batch, eps, W1, b1, g1, be1, W2, b2, go, bo):
    src = edge_index[0]
    dst = edge_index[1]
    h = x
    reps = []
    for i in range(L):
        aggr = jax.ops.segment_sum(h[src], dst, num_segments=N)
        z = (1.0 + eps[i]) * h + aggr
        z = z @ W1[i] + b1[i]
        z = jax.nn.relu(_bn(z, g1[i], be1[i]))
        z = z @ W2[i] + b2[i]
        h = jax.nn.relu(_bn(z, go[i], bo[i]))
        reps.append(h)
    pooled = [jax.ops.segment_sum(r, batch, num_segments=G) for r in reps]
    node_rep = jnp.concatenate(reps, axis=1)
    graph_rep = jnp.concatenate(pooled, axis=1)
    return (graph_rep, node_rep)

if __name__ == "__main__":
    import jax
    _d = setup_inputs()
    print(jax.jit(kernel)(*tuple(_d.values())))

</pallas_src>

<mosaic_0001>
#map = affine_map<(d0, d1) -> (0, 0)>
#map1 = affine_map<(d0, d1) -> (0, 0, 0)>
module attributes {stable_mosaic.version = 14 : i64} {
  func.func @body(%arg0: i32, %arg1: i32, %arg2: memref<10000x128xf32, #tpu.memory_space<hbm>>, %arg3: memref<2568x128xi32, #tpu.memory_space<hbm>>, %arg4: memref<2568x128xi32, #tpu.memory_space<hbm>>, %arg5: memref<640x128xf32, #tpu.memory_space<hbm>>, %arg6: memref<2x10240x128xf32, #tpu.memory_space<hbm>>, %arg7: memref<8x128xi32, #tpu.memory_space<vmem>>, %arg8: memref<8x128xi32, #tpu.memory_space<vmem>>, %arg9: memref<256x128xf32, #tpu.memory_space<vmem>>, %arg10: memref<10240x128xf32, #tpu.memory_space<vmem_shared>>, %arg11: memref<!tpu.dma_semaphore, #tpu.memory_space<semaphore_mem>>, %arg12: memref<!tpu.dma_semaphore, #tpu.memory_space<semaphore_mem>>) attributes {dimension_semantics = [#tpu.dimension_semantics<core_parallel>, #tpu.dimension_semantics<subcore_parallel>], iteration_bounds = array<i64: 2, 16>, scalar_prefetch = 0 : i64, scratch_operands = 6 : i64, tpu.core_type = #tpu.core_type<sc_vector_subcore>, window_params = [{transform_indices = #map}, {transform_indices = #map}, {transform_indices = #map}, {transform_indices = #map}, {transform_indices = #map1}]} {
    %mul3A = arith.constant 2 : i32
    %mul3A_0 = arith.muli %arg1, %mul3A : i32
    %add3A = arith.addi %mul3A_0, %arg0 : i32
    %mul3A_1 = arith.constant 80 : i32
    %mul3A_2 = arith.muli %add3A, %mul3A_1 : i32
    %mul3A_3 = arith.constant 640 : i32
    %mul3A_4 = arith.muli %arg1, %mul3A_3 : i32
    "tpu.region"() ({
      %run_scoped3A = tpu.sem_alloc : memref<!tpu.dma_semaphore, #tpu.memory_space<semaphore_mem>>
      %dma_start3A = arith.constant 0 : i32
      %dma_start3A_15 = tpu.memref_slice %arg10[%mul3A_4, %dma_start3A] : memref<10240x128xf32, #tpu.memory_space<vmem_shared>> -> memref<640x128xf32, #tpu.memory_space<vmem_shared>>
      tpu.enqueue_dma source(%arg5 : memref<640x128xf32, #tpu.memory_space<hbm>>) target(%dma_start3A_15 : memref<640x128xf32, #tpu.memory_space<vmem_shared>>) target_semaphore(%run_scoped3A : memref<!tpu.dma_semaphore, #tpu.memory_space<semaphore_mem>>)
      %dma_wait3A = arith.constant 0 : i32
      %dma_wait3A_16 = tpu.memref_slice %arg10[%mul3A_4, %dma_wait3A] : memref<10240x128xf32, #tpu.memory_space<vmem_shared>> -> memref<640x128xf32, #tpu.memory_space<vmem_shared>>
      tpu.wait_dma2 semaphore(%run_scoped3A : memref<!tpu.dma_semaphore, #tpu.memory_space<semaphore_mem>>) src(%arg5 : memref<640x128xf32, #tpu.memory_space<hbm>>) dst(%dma_wait3A_16 : memref<640x128xf32, #tpu.memory_space<vmem_shared>>)
      tpu.yield
    }) : () -> ()
    %barrier3A = arith.constant 0 : index
    tpu.barrier barrier_id(%barrier3A)
    "tpu.region"() ({
      %run_scoped3A = tpu.sem_alloc : memref<!tpu.dma_semaphore, #tpu.memory_space<semaphore_mem>>
      %dma_start3A = arith.constant 0 : i32
      %dma_start3A_15 = arith.constant 0 : i32
      %dma_start3A_16 = tpu.memref_slice %arg7[%dma_start3A, %dma_start3A_15] : memref<8x128xi32, #tpu.memory_space<vmem>> -> memref<4x128xi32, #tpu.memory_space<vmem>>
      %dma_start3A_17 = arith.constant 0 : i32
      %dma_start3A_18 = tpu.memref_slice %arg3[%mul3A_2, %dma_start3A_17] : memref<2568x128xi32, #tpu.memory_space<hbm>> -> memref<4x128xi32, #tpu.memory_space<hbm>>
      %dma_start3A_19 = arith.constant 0 : i32
      %dma_start3A_20 = arith.constant 0 : i32
      %dma_start3A_21 = tpu.memref_slice %arg7[%dma_start3A_19, %dma_start3A_20] : memref<8x128xi32, #tpu.memory_space<vmem>> -> memref<4x128xi32, #tpu.memory_space<vmem>>
      %dma_start3A_22 = arith.constant 0 : i32
      %dma_start3A_23 = tpu.memref_slice %arg3[%mul3A_2, %dma_start3A_22] : memref<2568x128xi32, #tpu.memory_space<hbm>> -> memref<4x128xi32, #tpu.memory_space<hbm>>
      tpu.enqueue_dma source(%dma_start3A_23 : memref<4x128xi32, #tpu.memory_space<hbm>>) target(%dma_start3A_21 : memref<4x128xi32, #tpu.memory_space<vmem>>) target_semaphore(%run_scoped3A : memref<!tpu.dma_semaphore, #tpu.memory_space<semaphore_mem>>)
      %dma_wait3A = arith.constant 0 : i32
      %dma_wait3A_24 = arith.constant 0 : i32
      %dma_wait3A_25 = tpu.memref_slice %arg7[%dma_wait3A, %dma_wait3A_24] : memref<8x128xi32, #tpu.memory_space<vmem>> -> memref<4x128xi32, #tpu.memory_space<vmem>>
      %dma_wait3A_26 = arith.constant 0 : i32
      %dma_wait3A_27 = tpu.memref_slice %arg3[%mul3A_2, %dma_wait3A_26] : memref<2568x128xi32, #tpu.memory_space<hbm>> -> memref<4x128xi32, #tpu.memory_space<hbm>>
      %dma_wait3A_28 = arith.constant 0 : i32
      %dma_wait3A_29 = arith.constant 0 : i32
      %dma_wait3A_30 = tpu.memref_slice %arg7[%dma_wait3A_28, %dma_wait3A_29] : memref<8x128xi32, #tpu.memory_space<vmem>> -> memref<4x128xi32, #tpu.memory_space<vmem>>
      %dma_wait3A_31 = arith.constant 0 : i32
      %dma_wait3A_32 = tpu.memref_slice %arg3[%mul3A_2, %dma_wait3A_31] : memref<2568x128xi32, #tpu.memory_space<hbm>> -> memref<4x128xi32, #tpu.memory_space<hbm>>
      tpu.wait_dma2 semaphore(%run_scoped3A : memref<!tpu.dma_semaphore, #tpu.memory_space<semaphore_mem>>) src(%dma_wait3A_32 : memref<4x128xi32, #tpu.memory_space<hbm>>) dst(%dma_wait3A_30 : memref<4x128xi32, #tpu.memory_space<vmem>>)
      tpu.yield
    }) : () -> ()
    "tpu.region"() ({
      %run_scoped3A = tpu.sem_alloc : memref<!tpu.dma_semaphore, #tpu.memory_space<semaphore_mem>>
      %dma_start3A = arith.constant 0 : i32
      %dma_start3A_15 = arith.constant 0 : i32
      %dma_start3A_16 = tpu.memref_slice %arg8[%dma_start3A, %dma_start3A_15] : memref<8x128xi32, #tpu.memory_space<vmem>> -> memref<4x128xi32, #tpu.memory_space<vmem>>
      %dma_start3A_17 = arith.constant 0 : i32
      %dma_start3A_18 = tpu.memref_slice %arg4[%mul3A_2, %dma_start3A_17] : memref<2568x128xi32, #tpu.memory_space<hbm>> -> memref<4x128xi32, #tpu.memory_space<hbm>>
      %dma_start3A_19 = arith.constant 0 : i32
      %dma_start3A_20 = arith.constant 0 : i32
      %dma_start3A_21 = tpu.memref_slice %arg8[%dma_start3A_19, %dma_start3A_20] : memref<8x128xi32, #tpu.memory_space<vmem>> -> memref<4x128xi32, #tpu.memory_space<vmem>>
      %dma_start3A_22 = arith.constant 0 : i32
      %dma_start3A_23 = tpu.memref_slice %arg4[%mul3A_2, %dma_start3A_22] : memref<2568x128xi32, #tpu.memory_space<hbm>> -> memref<4x128xi32, #tpu.memory_space<hbm>>
      tpu.enqueue_dma source(%dma_start3A_23 : memref<4x128xi32, #tpu.memory_space<hbm>>) target(%dma_start3A_21 : memref<4x128xi32, #tpu.memory_space<vmem>>) target_semaphore(%run_scoped3A : memref<!tpu.dma_semaphore, #tpu.memory_space<semaphore_mem>>)
      %dma_wait3A = arith.constant 0 : i32
      %dma_wait3A_24 = arith.constant 0 : i32
      %dma_wait3A_25 = tpu.memref_slice %arg8[%dma_wait3A, %dma_wait3A_24] : memref<8x128xi32, #tpu.memory_space<vmem>> -> memref<4x128xi32, #tpu.memory_space<vmem>>
      %dma_wait3A_26 = arith.constant 0 : i32
      %dma_wait3A_27 = tpu.memref_slice %arg4[%mul3A_2, %dma_wait3A_26] : memref<2568x128xi32, #tpu.memory_space<hbm>> -> memref<4x128xi32, #tpu.memory_space<hbm>>
      %dma_wait3A_28 = arith.constant 0 : i32
      %dma_wait3A_29 = arith.constant 0 : i32
      %dma_wait3A_30 = tpu.memref_slice %arg8[%dma_wait3A_28, %dma_wait3A_29] : memref<8x128xi32, #tpu.memory_space<vmem>> -> memref<4x128xi32, #tpu.memory_space<vmem>>
      %dma_wait3A_31 = arith.constant 0 : i32
      %dma_wait3A_32 = tpu.memref_slice %arg4[%mul3A_2, %dma_wait3A_31] : memref<2568x128xi32, #tpu.memory_space<hbm>> -> memref<4x128xi32, #tpu.memory_space<hbm>>
      tpu.wait_dma2 semaphore(%run_scoped3A : memref<!tpu.dma_semaphore, #tpu.memory_space<semaphore_mem>>) src(%dma_wait3A_32 : memref<4x128xi32, #tpu.memory_space<hbm>>) dst(%dma_wait3A_30 : memref<4x128xi32, #tpu.memory_space<vmem>>)
      tpu.yield
    }) : () -> ()
    %scan3A = arith.constant 0 : i32
    %scan3A_5 = arith.constant 0 : i32
    %scan3A_6 = arith.constant 10 : i32
    %scan3A_7 = arith.addi %scan3A_5, %scan3A_6 : i32
    %scan3A_8 = arith.constant 1 : i32
    scf.for %scan3A_15 = %scan3A_5 to %scan3A_7 step %scan3A_8  : i32 {
      %mul3A_16 = arith.constant 8 : i32
      %mul3A_17 = arith.muli %scan3A_15, %mul3A_16 : i32
      %add3A_18 = arith.addi %mul3A_2, %mul3A_17 : i32
      %add3A_19 = arith.constant 4 : i32
      %add3A_20 = arith.addi %add3A_18, %add3A_19 : i32
      %dma_start3A = arith.constant 4 : i32
      %dma_start3A_21 = arith.constant 0 : i32
      %dma_start3A_22 = tpu.memref_slice %arg7[%dma_start3A, %dma_start3A_21] : memref<8x128xi32, #tpu.memory_space<vmem>> -> memref<4x128xi32, #tpu.memory_space<vmem>>
      %dma_start3A_23 = arith.constant 0 : i32
      %dma_start3A_24 = tpu.memref_slice %arg3[%add3A_20, %dma_start3A_23] : memref<2568x128xi32, #tpu.memory_space<hbm>> -> memref<4x128xi32, #tpu.memory_space<hbm>>
      %dma_start3A_25 = arith.constant 4 : i32
      %dma_start3A_26 = arith.constant 0 : i32
      %dma_start3A_27 = tpu.memref_slice %arg7[%dma_start3A_25, %dma_start3A_26] : memref<8x128xi32, #tpu.memory_space<vmem>> -> memref<4x128xi32, #tpu.memory_space<vmem>>
      %dma_start3A_28 = arith.constant 0 : i32
      %dma_start3A_29 = tpu.memref_slice %arg3[%add3A_20, %dma_start3A_28] : memref<2568x128xi32, #tpu.memory_space<hbm>> -> memref<4x128xi32, #tpu.memory_space<hbm>>
      tpu.enqueue_dma source(%dma_start3A_29 : memref<4x128xi32, #tpu.memory_space<hbm>>) target(%dma_start3A_27 : memref<4x128xi32, #tpu.memory_space<vmem>>) target_semaphore(%arg12 : memref<!tpu.dma_semaphore, #tpu.memory_space<semaphore_mem>>)
      %dma_start3A_30 = arith.constant 4 : i32
      %dma_start3A_31 = arith.constant 0 : i32
      %dma_start3A_32 = tpu.memref_slice %arg8[%dma_start3A_30, %dma_start3A_31] : memref<8x128xi32, #tpu.memory_space<vmem>> -> memref<4x128xi32, #tpu.memory_space<vmem>>
      %dma_start3A_33 = arith.constant 0 : i32
      %dma_start3A_34 = tpu.memref_slice %arg4[%add3A_20, %dma_start3A_33] : memref<2568x128xi32, #tpu.memory_space<hbm>> -> memref<4x128xi32, #tpu.memory_space<hbm>>
      %dma_start3A_35 = arith.constant 4 : i32
      %dma_start3A_36 = arith.constant 0 : i32
      %dma_start3A_37 = tpu.memref_slice %arg8[%dma_start3A_35, %dma_start3A_36] : memref<8x128xi32, #tpu.memory_space<vmem>> -> memref<4x128xi32, #tpu.memory_space<vmem>>
      %dma_start3A_38 = arith.constant 0 : i32
      %dma_start3A_39 = tpu.memref_slice %arg4[%add3A_20, %dma_start3A_38] : memref<2568x128xi32, #tpu.memory_space<hbm>> -> memref<4x128xi32, #tpu.memory_space<hbm>>
      tpu.enqueue_dma source(%dma_start3A_39 : memref<4x128xi32, #tpu.memory_space<hbm>>) target(%dma_start3A_37 : memref<4x128xi32, #tpu.memory_space<vmem>>) target_semaphore(%arg12 : memref<!tpu.dma_semaphore, #tpu.memory_space<semaphore_mem>>)
      %dma_start3A_40 = arith.constant 0 : i32
      %dma_start3A_41 = arith.constant 0 : i32
      %dma_start3A_42 = arith.constant 0 : i32
      %dma_start3A_43 = tpu.memref_slice %arg9[%dma_start3A_41, %dma_start3A_42] : memref<256x128xf32, #tpu.memory_space<vmem>> -> memref<128x128xf32, #tpu.memory_space<vmem>>
      %dma_start3A_44 = arith.constant 0 : i32
      %dma_start3A_45 = tpu.memref_slice %arg7[%dma_start3A_40, %dma_start3A_44] : memref<8x128xi32, #tpu.memory_space<vmem>> -> memref<1x128xi32, #tpu.memory_space<vmem>>
      %dma_start3A_46 = tpu.memref_squeeze %dma_start3A_45 : memref<1x128xi32, #tpu.memory_space<vmem>> -> memref<128xi32, #tpu.memory_space<vmem>>
      %dma_start3A_47 = arith.constant 0 : i32
      %dma_start3A_48 = arith.constant 0 : i32
      %dma_start3A_49 = tpu.memref_slice %arg2[%dma_start3A_47, %dma_start3A_48] : memref<10000x128xf32, #tpu.memory_space<hbm>> -> memref<10000x128xf32, #tpu.memory_space<hbm>>
      tpu.enqueue_indirect_dma source(%dma_start3A_49 : memref<10000x128xf32, #tpu.memory_space<hbm>>) target(%dma_start3A_43 : memref<128x128xf32, #tpu.memory_space<vmem>>) offsets(%dma_start3A_46 : memref<128xi32, #tpu.memory_space<vmem>>) semaphore(%arg11 : memref<!tpu.dma_semaphore, #tpu.memory_space<semaphore_mem>>)
      %dma_start3A_50 = arith.constant 1 : i32
      %dma_start3A_51 = arith.constant 128 : i32
      %dma_start3A_52 = arith.constant 0 : i32
      %dma_start3A_53 = tpu.memref_slice %arg9[%dma_start3A_51, %dma_start3A_52] : memref<256x128xf32, #tpu.memory_space<vmem>> -> memref<128x128xf32, #tpu.memory_space<vmem>>
      %dma_start3A_54 = arith.constant 0 : i32
      %dma_start3A_55 = tpu.memref_slice %arg7[%dma_start3A_50, %dma_start3A_54] : memref<8x128xi32, #tpu.memory_space<vmem>> -> memref<1x128xi32, #tpu.memory_space<vmem>>
      %dma_start3A_56 = tpu.memref_squeeze %dma_start3A_55 : memref<1x128xi32, #tpu.memory_space<vmem>> -> memref<128xi32, #tpu.memory_space<vmem>>
      %dma_start3A_57 = arith.constant 0 : i32
      %dma_start3A_58 = arith.constant 0 : i32
      %dma_start3A_59 = tpu.memref_slice %arg2[%dma_start3A_57, %dma_start3A_58] : memref<10000x128xf32, #tpu.memory_space<hbm>> -> memref<10000x128xf32, #tpu.memory_space<hbm>>
      tpu.enqueue_indirect_dma source(%dma_start3A_59 : memref<10000x128xf32, #tpu.memory_space<hbm>>) target(%dma_start3A_53 : memref<128x128xf32, #tpu.memory_space<vmem>>) offsets(%dma_start3A_56 : memref<128xi32, #tpu.memory_space<vmem>>) semaphore(%arg11 : memref<!tpu.dma_semaphore, #tpu.memory_space<semaphore_mem>>)
      %dma_wait3A = arith.constant 0 : i32
      %dma_wait3A_60 = arith.constant 0 : i32
      %dma_wait3A_61 = arith.constant 0 : i32
      %dma_wait3A_62 = tpu.memref_slice %arg9[%dma_wait3A_60, %dma_wait3A_61] : memref<256x128xf32, #tpu.memory_space<vmem>> -> memref<128x128xf32, #tpu.memory_space<vmem>>
      %dma_wait3A_63 = arith.constant 0 : i32
      %dma_wait3A_64 = tpu.memref_slice %arg7[%dma_wait3A, %dma_wait3A_63] : memref<8x128xi32, #tpu.memory_space<vmem>> -> memref<1x128xi32, #tpu.memory_space<vmem>>
      %dma_wait3A_65 = tpu.memref_squeeze %dma_wait3A_64 : memref<1x128xi32, #tpu.memory_space<vmem>> -> memref<128xi32, #tpu.memory_space<vmem>>
      %dma_wait3A_66 = arith.constant 0 : i32
      %dma_wait3A_67 = arith.constant 0 : i32
      %dma_wait3A_68 = tpu.memref_slice %arg2[%dma_wait3A_66, %dma_wait3A_67] : memref<10000x128xf32, #tpu.memory_space<hbm>> -> memref<10000x128xf32, #tpu.memory_space<hbm>>
      tpu.wait_indirect_dma semaphore(%arg11 : memref<!tpu.dma_semaphore, #tpu.memory_space<semaphore_mem>>) src(%dma_wait3A_68 : memref<10000x128xf32, #tpu.memory_space<hbm>>) dst(%dma_wait3A_62 : memref<128x128xf32, #tpu.memory_space<vmem>>)
      %run_scoped3A = arith.constant 0 : i32
      "tpu.region"() ({
        %run_scoped3A_268 = tpu.sem_alloc : memref<!tpu.dma_semaphore, #tpu.memory_space<semaphore_mem>>
        %dma_start3A_269 = arith.constant 0 : i32
        %dma_start3A_270 = arith.constant 0 : i32
        %dma_start3A_271 = tpu.memref_slice %arg9[%dma_start3A_269, %dma_start3A_270] : memref<256x128xf32, #tpu.memory_space<vmem>> -> memref<128x128xf32, #tpu.memory_space<vmem>>
        %dma_start3A_272 = arith.constant 0 : i32
        %dma_start3A_273 = tpu.memref_slice %arg8[%run_scoped3A, %dma_start3A_272] : memref<8x128xi32, #tpu.memory_space<vmem>> -> memref<1x128xi32, #tpu.memory_space<vmem>>
        %dma_start3A_274 = tpu.memref_squeeze %dma_start3A_273 : memref<1x128xi32, #tpu.memory_space<vmem>> -> memref<128xi32, #tpu.memory_space<vmem>>
        %dma_start3A_275 = arith.constant 0 : i32
        %dma_start3A_276 = arith.constant 0 : i32
        %dma_start3A_277 = tpu.memref_slice %arg10[%dma_start3A_275, %dma_start3A_276] : memref<10240x128xf32, #tpu.memory_space<vmem_shared>> -> memref<10240x128xf32, #tpu.memory_space<vmem_shared>>
        tpu.enqueue_indirect_dma source(%dma_start3A_271 : memref<128x128xf32, #tpu.memory_space<vmem>>) target(%dma_start3A_277 : memref<10240x128xf32, #tpu.memory_space<vmem_shared>>) offsets(%dma_start3A_274 : memref<128xi32, #tpu.memory_space<vmem>>) semaphore(%run_scoped3A_268 : memref<!tpu.dma_semaphore, #tpu.memory_space<semaphore_mem>>) {add = true}
        %dma_wait3A_278 = arith.constant 0 : i32
        %dma_wait3A_279 = arith.constant 0 : i32
        %dma_wait3A_280 = tpu.memref_slice %arg9[%dma_wait3A_278, %dma_wait3A_279] : memref<256x128xf32, #tpu.memory_space<vmem>> -> memref<128x128xf32, #tpu.memory_space<vmem>>
        %dma_wait3A_281 = arith.constant 0 : i32
        %dma_wait3A_282 = tpu.memref_slice %arg8[%run_scoped3A, %dma_wait3A_281] : memref<8x128xi32, #tpu.memory_space<vmem>> -> memref<1x128xi32, #tpu.memory_space<vmem>>
        %dma_wait3A_283 = tpu.memref_squeeze %dma_wait3A_282 : memref<1x128xi32, #tpu.memory_space<vmem>> -> memref<128xi32, #tpu.memory_space<vmem>>
        %dma_wait3A_284 = arith.constant 0 : i32
        %dma_wait3A_285 = arith.constant 0 : i32
        %dma_wait3A_286 = tpu.memref_slice %arg10[%dma_wait3A_284, %dma_wait3A_285] : memref<10240x128xf32, #tpu.memory_space<vmem_shared>> -> memref<10240x128xf32, #tpu.memory_space<vmem_shared>>
        tpu.wait_indirect_dma semaphore(%run_scoped3A_268 : memref<!tpu.dma_semaphore, #tpu.memory_space<semaphore_mem>>) src(%dma_wait3A_280 : memref<128x128xf32, #tpu.memory_space<vmem>>) dst(%dma_wait3A_286 : memref<10240x128xf32, #tpu.memory_space<vmem_shared>>)
        tpu.yield
      }) : () -> ()
      %dma_start3A_69 = arith.constant 2 : i32
      %dma_start3A_70 = arith.constant 0 : i32
      %dma_start3A_71 = arith.constant 0 : i32
      %dma_start3A_72 = tpu.memref_slice %arg9[%dma_start3A_70, %dma_start3A_71] : memref<256x128xf32, #tpu.memory_space<vmem>> -> memref<128x128xf32, #tpu.memory_space<vmem>>
      %dma_start3A_73 = arith.constant 0 : i32
      %dma_start3A_74 = tpu.memref_slice %arg7[%dma_start3A_69, %dma_start3A_73] : memref<8x128xi32, #tpu.memory_space<vmem>> -> memref<1x128xi32, #tpu.memory_space<vmem>>
      %dma_start3A_75 = tpu.memref_squeeze %dma_start3A_74 : memref<1x128xi32, #tpu.memory_space<vmem>> -> memref<128xi32, #tpu.memory_space<vmem>>
      %dma_start3A_76 = arith.constant 0 : i32
      %dma_start3A_77 = arith.constant 0 : i32
      %dma_start3A_78 = tpu.memref_slice %arg2[%dma_start3A_76, %dma_start3A_77] : memref<10000x128xf32, #tpu.memory_space<hbm>> -> memref<10000x128xf32, #tpu.memory_space<hbm>>
      tpu.enqueue_indirect_dma source(%dma_start3A_78 : memref<10000x128xf32, #tpu.memory_space<hbm>>) target(%dma_start3A_72 : memref<128x128xf32, #tpu.memory_space<vmem>>) offsets(%dma_start3A_75 : memref<128xi32, #tpu.memory_space<vmem>>) semaphore(%arg11 : memref<!tpu.dma_semaphore, #tpu.memory_space<semaphore_mem>>)
      %dma_wait3A_79 = arith.constant 1 : i32
      %dma_wait3A_80 = arith.constant 128 : i32
      %dma_wait3A_81 = arith.constant 0 : i32
      %dma_wait3A_82 = tpu.memref_slice %arg9[%dma_wait3A_80, %dma_wait3A_81] : memref<256x128xf32, #tpu.memory_space<vmem>> -> memref<128x128xf32, #tpu.memory_space<vmem>>
      %dma_wait3A_83 = arith.constant 0 : i32
      %dma_wait3A_84 = tpu.memref_slice %arg7[%dma_wait3A_79, %dma_wait3A_83] : memref<8x128xi32, #tpu.memory_space<vmem>> -> memref<1x128xi32, #tpu.memory_space<vmem>>
      %dma_wait3A_85 = tpu.memref_squeeze %dma_wait3A_84 : memref<1x128xi32, #tpu.memory_space<vmem>> -> memref<128xi32, #tpu.memory_space<vmem>>
      %dma_wait3A_86 = arith.constant 0 : i32
      %dma_wait3A_87 = arith.constant 0 : i32
      %dma_wait3A_88 = tpu.memref_slice %arg2[%dma_wait3A_86, %dma_wait3A_87] : memref<10000x128xf32, #tpu.memory_space<hbm>> -> memref<10000x128xf32, #tpu.memory_space<hbm>>
      tpu.wait_indirect_dma semaphore(%arg11 : memref<!tpu.dma_semaphore, #tpu.memory_space<semaphore_mem>>) src(%dma_wait3A_88 : memref<10000x128xf32, #tpu.memory_space<hbm>>) dst(%dma_wait3A_82 : memref<128x128xf32, #tpu.memory_space<vmem>>)
      %run_scoped3A_89 = arith.constant 1 : i32
      "tpu.region"() ({
        %run_scoped3A_268 = tpu.sem_alloc : memref<!tpu.dma_semaphore, #tpu.memory_space<semaphore_mem>>
        %dma_start3A_269 = arith.constant 128 : i32
        %dma_start3A_270 = arith.constant 0 : i32
        %dma_start3A_271 = tpu.memref_slice %arg9[%dma_start3A_269, %dma_start3A_270] : memref<256x128xf32, #tpu.memory_space<vmem>> -> memref<128x128xf32, #tpu.memory_space<vmem>>
        %dma_start3A_272 = arith.constant 0 : i32
        %dma_start3A_273 = tpu.memref_slice %arg8[%run_scoped3A_89, %dma_start3A_272] : memref<8x128xi32, #tpu.memory_space<vmem>> -> memref<1x128xi32, #tpu.memory_space<vmem>>
        %dma_start3A_274 = tpu.memref_squeeze %dma_start3A_273 : memref<1x128xi32, #tpu.memory_space<vmem>> -> memref<128xi32, #tpu.memory_space<vmem>>
        %dma_start3A_275 = arith.constant 0 : i32
        %dma_start3A_276 = arith.constant 0 : i32
        %dma_start3A_277 = tpu.memref_slice %arg10[%dma_start3A_275, %dma_start3A_276] : memref<10240x128xf32, #tpu.memory_space<vmem_shared>> -> memref<10240x128xf32, #tpu.memory_space<vmem_shared>>
        tpu.enqueue_indirect_dma source(%dma_start3A_271 : memref<128x128xf32, #tpu.memory_space<vmem>>) target(%dma_start3A_277 : memref<10240x128xf32, #tpu.memory_space<vmem_shared>>) offsets(%dma_start3A_274 : memref<128xi32, #tpu.memory_space<vmem>>) semaphore(%run_scoped3A_268 : memref<!tpu.dma_semaphore, #tpu.memory_space<semaphore_mem>>) {add = true}
        %dma_wait3A_278 = arith.constant 128 : i32
        %dma_wait3A_279 = arith.constant 0 : i32
        %dma_wait3A_280 = tpu.memref_slice %arg9[%dma_wait3A_278, %dma_wait3A_279] : memref<256x128xf32, #tpu.memory_space<vmem>> -> memref<128x128xf32, #tpu.memory_space<vmem>>
        %dma_wait3A_281 = arith.constant 0 : i32
        %dma_wait3A_282 = tpu.memref_slice %arg8[%run_scoped3A_89, %dma_wait3A_281] : memref<8x128xi32, #tpu.memory_space<vmem>> -> memref<1x128xi32, #tpu.memory_space<vmem>>
        %dma_wait3A_283 = tpu.memref_squeeze %dma_wait3A_282 : memref<1x128xi32, #tpu.memory_space<vmem>> -> memref<128xi32, #tpu.memory_space<vmem>>
        %dma_wait3A_284 = arith.constant 0 : i32
        %dma_wait3A_285 = arith.constant 0 : i32
        %dma_wait3A_286 = tpu.memref_slice %arg10[%dma_wait3A_284, %dma_wait3A_285] : memref<10240x128xf32, #tpu.memory_space<vmem_shared>> -> memref<10240x128xf32, #tpu.memory_space<vmem_shared>>
        tpu.wait_indirect_dma semaphore(%run_scoped3A_268 : memref<!tpu.dma_semaphore, #tpu.memory_space<semaphore_mem>>) src(%dma_wait3A_280 : memref<128x128xf32, #tpu.memory_space<vmem>>) dst(%dma_wait3A_286 : memref<10240x128xf32, #tpu.memory_space<vmem_shared>>)
        tpu.yield
      }) : () -> ()
      %dma_start3A_90 = arith.constant 3 : i32
      %dma_start3A_91 = arith.constant 128 : i32
      %dma_start3A_92 = arith.constant 0 : i32
      %dma_start3A_93 = tpu.memref_slice %arg9[%dma_start3A_91, %dma_start3A_92] : memref<256x128xf32, #tpu.memory_space<vmem>> -> memref<128x128xf32, #tpu.memory_space<vmem>>
      %dma_start3A_94 = arith.constant 0 : i32
      %dma_start3A_95 = tpu.memref_slice %arg7[%dma_start3A_90, %dma_start3A_94] : memref<8x128xi32, #tpu.memory_space<vmem>> -> memref<1x128xi32, #tpu.memory_space<vmem>>
      %dma_start3A_96 = tpu.memref_squeeze %dma_start3A_95 : memref<1x128xi32, #tpu.memory_space<vmem>> -> memref<128xi32, #tpu.memory_space<vmem>>
      %dma_start3A_97 = arith.constant 0 : i32
      %dma_start3A_98 = arith.constant 0 : i32
      %dma_start3A_99 = tpu.memref_slice %arg2[%dma_start3A_97, %dma_start3A_98] : memref<10000x128xf32, #tpu.memory_space<hbm>> -> memref<10000x128xf32, #tpu.memory_space<hbm>>
      tpu.enqueue_indirect_dma source(%dma_start3A_99 : memref<10000x128xf32, #tpu.memory_space<hbm>>) target(%dma_start3A_93 : memref<128x128xf32, #tpu.memory_space<vmem>>) offsets(%dma_start3A_96 : memref<128xi32, #tpu.memory_space<vmem>>) semaphore(%arg11 : memref<!tpu.dma_semaphore, #tpu.memory_space<semaphore_mem>>)
      %dma_wait3A_100 = arith.constant 2 : i32
      %dma_wait3A_101 = arith.constant 0 : i32
      %dma_wait3A_102 = arith.constant 0 : i32
      %dma_wait3A_103 = tpu.memref_slice %arg9[%dma_wait3A_101, %dma_wait3A_102] : memref<256x128xf32, #tpu.memory_space<vmem>> -> memref<128x128xf32, #tpu.memory_space<vmem>>
      %dma_wait3A_104 = arith.constant 0 : i32
      %dma_wait3A_105 = tpu.memref_slice %arg7[%dma_wait3A_100, %dma_wait3A_104] : memref<8x128xi32, #tpu.memory_space<vmem>> -> memref<1x128xi32, #tpu.memory_space<vmem>>
      %dma_wait3A_106 = tpu.memref_squeeze %dma_wait3A_105 : memref<1x128xi32, #tpu.memory_space<vmem>> -> memref<128xi32, #tpu.memory_space<vmem>>
      %dma_wait3A_107 = arith.constant 0 : i32
      %dma_wait3A_108 = arith.constant 0 : i32
      %dma_wait3A_109 = tpu.memref_slice %arg2[%dma_wait3A_107, %dma_wait3A_108] : memref<10000x128xf32, #tpu.memory_space<hbm>> -> memref<10000x128xf32, #tpu.memory_space<hbm>>
      tpu.wait_indirect_dma semaphore(%arg11 : memref<!tpu.dma_semaphore, #tpu.memory_space<semaphore_mem>>) src(%dma_wait3A_109 : memref<10000x128xf32, #tpu.memory_space<hbm>>) dst(%dma_wait3A_103 : memref<128x128xf32, #tpu.memory_space<vmem>>)
      %run_scoped3A_110 = arith.constant 2 : i32
      "tpu.region"() ({
        %run_scoped3A_268 = tpu.sem_alloc : memref<!tpu.dma_semaphore, #tpu.memory_space<semaphore_mem>>
        %dma_start3A_269 = arith.constant 0 : i32
        %dma_start3A_270 = arith.constant 0 : i32
        %dma_start3A_271 = tpu.memref_slice %arg9[%dma_start3A_269, %dma_start3A_270] : memref<256x128xf32, #tpu.memory_space<vmem>> -> memref<128x128xf32, #tpu.memory_space<vmem>>
        %dma_start3A_272 = arith.constant 0 : i32
        %dma_start3A_273 = tpu.memref_slice %arg8[%run_scoped3A_110, %dma_start3A_272] : memref<8x128xi32, #tpu.memory_space<vmem>> -> memref<1x128xi32, #tpu.memory_space<vmem>>
        %dma_start3A_274 = tpu.memref_squeeze %dma_start3A_273 : memref<1x128xi32, #tpu.memory_space<vmem>> -> memref<128xi32, #tpu.memory_space<vmem>>
        %dma_start3A_275 = arith.constant 0 : i32
        %dma_start3A_276 = arith.constant 0 : i32
        %dma_start3A_277 = tpu.memref_slice %arg10[%dma_start3A_275, %dma_start3A_276] : memref<10240x128xf32, #tpu.memory_space<vmem_shared>> -> memref<10240x128xf32, #tpu.memory_space<vmem_shared>>
        tpu.enqueue_indirect_dma source(%dma_start3A_271 : memref<128x128xf32, #tpu.memory_space<vmem>>) target(%dma_start3A_277 : memref<10240x128xf32, #tpu.memory_space<vmem_shared>>) offsets(%dma_start3A_274 : memref<128xi32, #tpu.memory_space<vmem>>) semaphore(%run_scoped3A_268 : memref<!tpu.dma_semaphore, #tpu.memory_space<semaphore_mem>>) {add = true}
        %dma_wait3A_278 = arith.constant 0 : i32
        %dma_wait3A_279 = arith.constant 0 : i32
        %dma_wait3A_280 = tpu.memref_slice %arg9[%dma_wait3A_278, %dma_wait3A_279] : memref<256x128xf32, #tpu.memory_space<vmem>> -> memref<128x128xf32, #tpu.memory_space<vmem>>
        %dma_wait3A_281 = arith.constant 0 : i32
        %dma_wait3A_282 = tpu.memref_slice %arg8[%run_scoped3A_110, %dma_wait3A_281] : memref<8x128xi32, #tpu.memory_space<vmem>> -> memref<1x128xi32, #tpu.memory_space<vmem>>
        %dma_wait3A_283 = tpu.memref_squeeze %dma_wait3A_282 : memref<1x128xi32, #tpu.memory_space<vmem>> -> memref<128xi32, #tpu.memory_space<vmem>>
        %dma_wait3A_284 = arith.constant 0 : i32
        %dma_wait3A_285 = arith.constant 0 : i32
        %dma_wait3A_286 = tpu.memref_slice %arg10[%dma_wait3A_284, %dma_wait3A_285] : memref<10240x128xf32, #tpu.memory_space<vmem_shared>> -> memref<10240x128xf32, #tpu.memory_space<vmem_shared>>
        tpu.wait_indirect_dma semaphore(%run_scoped3A_268 : memref<!tpu.dma_semaphore, #tpu.memory_space<semaphore_mem>>) src(%dma_wait3A_280 : memref<128x128xf32, #tpu.memory_space<vmem>>) dst(%dma_wait3A_286 : memref<10240x128xf32, #tpu.memory_space<vmem_shared>>)
        tpu.yield
      }) : () -> ()
      %dma_wait3A_111 = arith.constant 3 : i32
      %dma_wait3A_112 = arith.constant 128 : i32
      %dma_wait3A_113 = arith.constant 0 : i32
      %dma_wait3A_114 = tpu.memref_slice %arg9[%dma_wait3A_112, %dma_wait3A_113] : memref<256x128xf32, #tpu.memory_space<vmem>> -> memref<128x128xf32, #tpu.memory_space<vmem>>
      %dma_wait3A_115 = arith.constant 0 : i32
      %dma_wait3A_116 = tpu.memref_slice %arg7[%dma_wait3A_111, %dma_wait3A_115] : memref<8x128xi32, #tpu.memory_space<vmem>> -> memref<1x128xi32, #tpu.memory_space<vmem>>
      %dma_wait3A_117 = tpu.memref_squeeze %dma_wait3A_116 : memref<1x128xi32, #tpu.memory_space<vmem>> -> memref<128xi32, #tpu.memory_space<vmem>>
      %dma_wait3A_118 = arith.constant 0 : i32
      %dma_wait3A_119 = arith.constant 0 : i32
      %dma_wait3A_120 = tpu.memref_slice %arg2[%dma_wait3A_118, %dma_wait3A_119] : memref<10000x128xf32, #tpu.memory_space<hbm>> -> memref<10000x128xf32, #tpu.memory_space<hbm>>
      tpu.wait_indirect_dma semaphore(%arg11 : memref<!tpu.dma_semaphore, #tpu.memory_space<semaphore_mem>>) src(%dma_wait3A_120 : memref<10000x128xf32, #tpu.memory_space<hbm>>) dst(%dma_wait3A_114 : memref<128x128xf32, #tpu.memory_space<vmem>>)
      %run_scoped3A_121 = arith.constant 3 : i32
      "tpu.region"() ({
        %run_scoped3A_268 = tpu.sem_alloc : memref<!tpu.dma_semaphore, #tpu.memory_space<semaphore_mem>>
        %dma_start3A_269 = arith.constant 128 : i32
        %dma_start3A_270 = arith.constant 0 : i32
        %dma_start3A_271 = tpu.memref_slice %arg9[%dma_start3A_269, %dma_start3A_270] : memref<256x128xf32, #tpu.memory_space<vmem>> -> memref<128x128xf32, #tpu.memory_space<vmem>>
        %dma_start3A_272 = arith.constant 0 : i32
        %dma_start3A_273 = tpu.memref_slice %arg8[%run_scoped3A_121, %dma_start3A_272] : memref<8x128xi32, #tpu.memory_space<vmem>> -> memref<1x128xi32, #tpu.memory_space<vmem>>
        %dma_start3A_274 = tpu.memref_squeeze %dma_start3A_273 : memref<1x128xi32, #tpu.memory_space<vmem>> -> memref<128xi32, #tpu.memory_space<vmem>>
        %dma_start3A_275 = arith.constant 0 : i32
        %dma_start3A_276 = arith.constant 0 : i32
        %dma_start3A_277 = tpu.memref_slice %arg10[%dma_start3A_275, %dma_start3A_276] : memref<10240x128xf32, #tpu.memory_space<vmem_shared>> -> memref<10240x128xf32, #tpu.memory_space<vmem_shared>>
        tpu.enqueue_indirect_dma source(%dma_start3A_271 : memref<128x128xf32, #tpu.memory_space<vmem>>) target(%dma_start3A_277 : memref<10240x128xf32, #tpu.memory_space<vmem_shared>>) offsets(%dma_start3A_274 : memref<128xi32, #tpu.memory_space<vmem>>) semaphore(%run_scoped3A_268 : memref<!tpu.dma_semaphore, #tpu.memory_space<semaphore_mem>>) {add = true}
        %dma_wait3A_278 = arith.constant 128 : i32
        %dma_wait3A_279 = arith.constant 0 : i32
        %dma_wait3A_280 = tpu.memref_slice %arg9[%dma_wait3A_278, %dma_wait3A_279] : memref<256x128xf32, #tpu.memory_space<vmem>> -> memref<128x128xf32, #tpu.memory_space<vmem>>
        %dma_wait3A_281 = arith.constant 0 : i32
        %dma_wait3A_282 = tpu.memref_slice %arg8[%run_scoped3A_121, %dma_wait3A_281] : memref<8x128xi32, #tpu.memory_space<vmem>> -> memref<1x128xi32, #tpu.memory_space<vmem>>
        %dma_wait3A_283 = tpu.memref_squeeze %dma_wait3A_282 : memref<1x128xi32, #tpu.memory_space<vmem>> -> memref<128xi32, #tpu.memory_space<vmem>>
        %dma_wait3A_284 = arith.constant 0 : i32
        %dma_wait3A_285 = arith.constant 0 : i32
        %dma_wait3A_286 = tpu.memref_slice %arg10[%dma_wait3A_284, %dma_wait3A_285] : memref<10240x128xf32, #tpu.memory_space<vmem_shared>> -> memref<10240x128xf32, #tpu.memory_space<vmem_shared>>
        tpu.wait_indirect_dma semaphore(%run_scoped3A_268 : memref<!tpu.dma_semaphore, #tpu.memory_space<semaphore_mem>>) src(%dma_wait3A_280 : memref<128x128xf32, #tpu.memory_space<vmem>>) dst(%dma_wait3A_286 : memref<10240x128xf32, #tpu.memory_space<vmem_shared>>)
        tpu.yield
      }) : () -> ()
      %dma_wait3A_122 = arith.constant 4 : i32
      %dma_wait3A_123 = arith.constant 0 : i32
      %dma_wait3A_124 = tpu.memref_slice %arg7[%dma_wait3A_122, %dma_wait3A_123] : memref<8x128xi32, #tpu.memory_space<vmem>> -> memref<4x128xi32, #tpu.memory_space<vmem>>
      %dma_wait3A_125 = arith.constant 0 : i32
      %dma_wait3A_126 = tpu.memref_slice %arg3[%add3A_20, %dma_wait3A_125] : memref<2568x128xi32, #tpu.memory_space<hbm>> -> memref<4x128xi32, #tpu.memory_space<hbm>>
      %dma_wait3A_127 = arith.constant 4 : i32
      %dma_wait3A_128 = arith.constant 0 : i32
      %dma_wait3A_129 = tpu.memref_slice %arg7[%dma_wait3A_127, %dma_wait3A_128] : memref<8x128xi32, #tpu.memory_space<vmem>> -> memref<4x128xi32, #tpu.memory_space<vmem>>
      %dma_wait3A_130 = arith.constant 0 : i32
      %dma_wait3A_131 = tpu.memref_slice %arg3[%add3A_20, %dma_wait3A_130] : memref<2568x128xi32, #tpu.memory_space<hbm>> -> memref<4x128xi32, #tpu.memory_space<hbm>>
      tpu.wait_dma2 semaphore(%arg12 : memref<!tpu.dma_semaphore, #tpu.memory_space<semaphore_mem>>) src(%dma_wait3A_131 : memref<4x128xi32, #tpu.memory_space<hbm>>) dst(%dma_wait3A_129 : memref<4x128xi32, #tpu.memory_space<vmem>>)
      %dma_wait3A_132 = arith.constant 4 : i32
      %dma_wait3A_133 = arith.constant 0 : i32
      %dma_wait3A_134 = tpu.memref_slice %arg8[%dma_wait3A_132, %dma_wait3A_133] : memref<8x128xi32, #tpu.memory_space<vmem>> -> memref<4x128xi32, #tpu.memory_space<vmem>>
      %dma_wait3A_135 = arith.constant 0 : i32
      %dma_wait3A_136 = tpu.memref_slice %arg4[%add3A_20, %dma_wait3A_135] : memref<2568x128xi32, #tpu.memory_space<hbm>> -> memref<4x128xi32, #tpu.memory_space<hbm>>
      %dma_wait3A_137 = arith.constant 4 : i32
      %dma_wait3A_138 = arith.constant 0 : i32
      %dma_wait3A_139 = tpu.memref_slice %arg8[%dma_wait3A_137, %dma_wait3A_138] : memref<8x128xi32, #tpu.memory_space<vmem>> -> memref<4x128xi32, #tpu.memory_space<vmem>>
      %dma_wait3A_140 = arith.constant 0 : i32
      %dma_wait3A_141 = tpu.memref_slice %arg4[%add3A_20, %dma_wait3A_140] : memref<2568x128xi32, #tpu.memory_space<hbm>> -> memref<4x128xi32, #tpu.memory_space<hbm>>
      tpu.wait_dma2 semaphore(%arg12 : memref<!tpu.dma_semaphore, #tpu.memory_space<semaphore_mem>>) src(%dma_wait3A_141 : memref<4x128xi32, #tpu.memory_space<hbm>>) dst(%dma_wait3A_139 : memref<4x128xi32, #tpu.memory_space<vmem>>)
      %add3A_142 = arith.constant 8 : i32
      %add3A_143 = arith.addi %add3A_18, %add3A_142 : i32
      %dma_start3A_144 = arith.constant 0 : i32
      %dma_start3A_145 = arith.constant 0 : i32
      %dma_start3A_146 = tpu.memref_slice %arg7[%dma_start3A_144, %dma_start3A_145] : memref<8x128xi32, #tpu.memory_space<vmem>> -> memref<4x128xi32, #tpu.memory_space<vmem>>
      %dma_start3A_147 = arith.constant 0 : i32
      %dma_start3A_148 = tpu.memref_slice %arg3[%add3A_143, %dma_start3A_147] : memref<2568x128xi32, #tpu.memory_space<hbm>> -> memref<4x128xi32, #tpu.memory_space<hbm>>
      %dma_start3A_149 = arith.constant 0 : i32
      %dma_start3A_150 = arith.constant 0 : i32
      %dma_start3A_151 = tpu.memref_slice %arg7[%dma_start3A_149, %dma_start3A_150] : memref<8x128xi32, #tpu.memory_space<vmem>> -> memref<4x128xi32, #tpu.memory_space<vmem>>
      %dma_start3A_152 = arith.constant 0 : i32
      %dma_start3A_153 = tpu.memref_slice %arg3[%add3A_143, %dma_start3A_152] : memref<2568x128xi32, #tpu.memory_space<hbm>> -> memref<4x128xi32, #tpu.memory_space<hbm>>
      tpu.enqueue_dma source(%dma_start3A_153 : memref<4x128xi32, #tpu.memory_space<hbm>>) target(%dma_start3A_151 : memref<4x128xi32, #tpu.memory_space<vmem>>) target_semaphore(%arg12 : memref<!tpu.dma_semaphore, #tpu.memory_space<semaphore_mem>>)
      %dma_start3A_154 = arith.constant 0 : i32
      %dma_start3A_155 = arith.constant 0 : i32
      %dma_start3A_156 = tpu.memref_slice %arg8[%dma_start3A_154, %dma_start3A_155] : memref<8x128xi32, #tpu.memory_space<vmem>> -> memref<4x128xi32, #tpu.memory_space<vmem>>
      %dma_start3A_157 = arith.constant 0 : i32
      %dma_start3A_158 = tpu.memref_slice %arg4[%add3A_143, %dma_start3A_157] : memref<2568x128xi32, #tpu.memory_space<hbm>> -> memref<4x128xi32, #tpu.memory_space<hbm>>
      %dma_start3A_159 = arith.constant 0 : i32
      %dma_start3A_160 = arith.constant 0 : i32
      %dma_start3A_161 = tpu.memref_slice %arg8[%dma_start3A_159, %dma_start3A_160] : memref<8x128xi32, #tpu.memory_space<vmem>> -> memref<4x128xi32, #tpu.memory_space<vmem>>
      %dma_start3A_162 = arith.constant 0 : i32
      %dma_start3A_163 = tpu.memref_slice %arg4[%add3A_143, %dma_start3A_162] : memref<2568x128xi32, #tpu.memory_space<hbm>> -> memref<4x128xi32, #tpu.memory_space<hbm>>
      tpu.enqueue_dma source(%dma_start3A_163 : memref<4x128xi32, #tpu.memory_space<hbm>>) target(%dma_start3A_161 : memref<4x128xi32, #tpu.memory_space<vmem>>) target_semaphore(%arg12 : memref<!tpu.dma_semaphore, #tpu.memory_space<semaphore_mem>>)
      %dma_start3A_164 = arith.constant 4 : i32
      %dma_start3A_165 = arith.constant 0 : i32
      %dma_start3A_166 = arith.constant 0 : i32
      %dma_start3A_167 = tpu.memref_slice %arg9[%dma_start3A_165, %dma_start3A_166] : memref<256x128xf32, #tpu.memory_space<vmem>> -> memref<128x128xf32, #tpu.memory_space<vmem>>
      %dma_start3A_168 = arith.constant 0 : i32
      %dma_start3A_169 = tpu.memref_slice %arg7[%dma_start3A_164, %dma_start3A_168] : memref<8x128xi32, #tpu.memory_space<vmem>> -> memref<1x128xi32, #tpu.memory_space<vmem>>
      %dma_start3A_170 = tpu.memref_squeeze %dma_start3A_169 : memref<1x128xi32, #tpu.memory_space<vmem>> -> memref<128xi32, #tpu.memory_space<vmem>>
      %dma_start3A_171 = arith.constant 0 : i32
      %dma_start3A_172 = arith.constant 0 : i32
      %dma_start3A_173 = tpu.memref_slice %arg2[%dma_start3A_171, %dma_start3A_172] : memref<10000x128xf32, #tpu.memory_space<hbm>> -> memref<10000x128xf32, #tpu.memory_space<hbm>>
      tpu.enqueue_indirect_dma source(%dma_start3A_173 : memref<10000x128xf32, #tpu.memory_space<hbm>>) target(%dma_start3A_167 : memref<128x128xf32, #tpu.memory_space<vmem>>) offsets(%dma_start3A_170 : memref<128xi32, #tpu.memory_space<vmem>>) semaphore(%arg11 : memref<!tpu.dma_semaphore, #tpu.memory_space<semaphore_mem>>)
      %dma_start3A_174 = arith.constant 5 : i32
      %dma_start3A_175 = arith.constant 128 : i32
      %dma_start3A_176 = arith.constant 0 : i32
      %dma_start3A_177 = tpu.memref_slice %arg9[%dma_start3A_175, %dma_start3A_176] : memref<256x128xf32, #tpu.memory_space<vmem>> -> memref<128x128xf32, #tpu.memory_space<vmem>>
      %dma_start3A_178 = arith.constant 0 : i32
      %dma_start3A_179 = tpu.memref_slice %arg7[%dma_start3A_174, %dma_start3A_178] : memref<8x128xi32, #tpu.memory_space<vmem>> -> memref<1x128xi32, #tpu.memory_space<vmem>>
      %dma_start3A_180 = tpu.memref_squeeze %dma_start3A_179 : memref<1x128xi32, #tpu.memory_space<vmem>> -> memref<128xi32, #tpu.memory_space<vmem>>
      %dma_start3A_181 = arith.constant 0 : i32
      %dma_start3A_182 = arith.constant 0 : i32
      %dma_start3A_183 = tpu.memref_slice %arg2[%dma_start3A_181, %dma_start3A_182] : memref<10000x128xf32, #tpu.memory_space<hbm>> -> memref<10000x128xf32, #tpu.memory_space<hbm>>
      tpu.enqueue_indirect_dma source(%dma_start3A_183 : memref<10000x128xf32, #tpu.memory_space<hbm>>) target(%dma_start3A_177 : memref<128x128xf32, #tpu.memory_space<vmem>>) offsets(%dma_start3A_180 : memref<128xi32, #tpu.memory_space<vmem>>) semaphore(%arg11 : memref<!tpu.dma_semaphore, #tpu.memory_space<semaphore_mem>>)
      %dma_wait3A_184 = arith.constant 4 : i32
      %dma_wait3A_185 = arith.constant 0 : i32
      %dma_wait3A_186 = arith.constant 0 : i32
      %dma_wait3A_187 = tpu.memref_slice %arg9[%dma_wait3A_185, %dma_wait3A_186] : memref<256x128xf32, #tpu.memory_space<vmem>> -> memref<128x128xf32, #tpu.memory_space<vmem>>
      %dma_wait3A_188 = arith.constant 0 : i32
      %dma_wait3A_189 = tpu.memref_slice %arg7[%dma_wait3A_184, %dma_wait3A_188] : memref<8x128xi32, #tpu.memory_space<vmem>> -> memref<1x128xi32, #tpu.memory_space<vmem>>
      %dma_wait3A_190 = tpu.memref_squeeze %dma_wait3A_189 : memref<1x128xi32, #tpu.memory_space<vmem>> -> memref<128xi32, #tpu.memory_space<vmem>>
      %dma_wait3A_191 = arith.constant 0 : i32
      %dma_wait3A_192 = arith.constant 0 : i32
      %dma_wait3A_193 = tpu.memref_slice %arg2[%dma_wait3A_191, %dma_wait3A_192] : memref<10000x128xf32, #tpu.memory_space<hbm>> -> memref<10000x128xf32, #tpu.memory_space<hbm>>
      tpu.wait_indirect_dma semaphore(%arg11 : memref<!tpu.dma_semaphore, #tpu.memory_space<semaphore_mem>>) src(%dma_wait3A_193 : memref<10000x128xf32, #tpu.memory_space<hbm>>) dst(%dma_wait3A_187 : memref<128x128xf32, #tpu.memory_space<vmem>>)
      %run_scoped3A_194 = arith.constant 4 : i32
      "tpu.region"() ({
        %run_scoped3A_268 = tpu.sem_alloc : memref<!tpu.dma_semaphore, #tpu.memory_space<semaphore_mem>>
        %dma_start3A_269 = arith.constant 0 : i32
        %dma_start3A_270 = arith.constant 0 : i32
        %dma_start3A_271 = tpu.memref_slice %arg9[%dma_start3A_269, %dma_start3A_270] : memref<256x128xf32, #tpu.memory_space<vmem>> -> memref<128x128xf32, #tpu.memory_space<vmem>>
        %dma_start3A_272 = arith.constant 0 : i32
        %dma_start3A_273 = tpu.memref_slice %arg8[%run_scoped3A_194, %dma_start3A_272] : memref<8x128xi32, #tpu.memory_space<vmem>> -> memref<1x128xi32, #tpu.memory_space<vmem>>
        %dma_start3A_274 = tpu.memref_squeeze %dma_start3A_273 : memref<1x128xi32, #tpu.memory_space<vmem>> -> memref<128xi32, #tpu.memory_space<vmem>>
        %dma_start3A_275 = arith.constant 0 : i32
        %dma_start3A_276 = arith.constant 0 : i32
        %dma_start3A_277 = tpu.memref_slice %arg10[%dma_start3A_275, %dma_start3A_276] : memref<10240x128xf32, #tpu.memory_space<vmem_shared>> -> memref<10240x128xf32, #tpu.memory_space<vmem_shared>>
        tpu.enqueue_indirect_dma source(%dma_start3A_271 : memref<128x128xf32, #tpu.memory_space<vmem>>) target(%dma_start3A_277 : memref<10240x128xf32, #tpu.memory_space<vmem_shared>>) offsets(%dma_start3A_274 : memref<128xi32, #tpu.memory_space<vmem>>) semaphore(%run_scoped3A_268 : memref<!tpu.dma_semaphore, #tpu.memory_space<semaphore_mem>>) {add = true}
        %dma_wait3A_278 = arith.constant 0 : i32
        %dma_wait3A_279 = arith.constant 0 : i32
        %dma_wait3A_280 = tpu.memref_slice %arg9[%dma_wait3A_278, %dma_wait3A_279] : memref<256x128xf32, #tpu.memory_space<vmem>> -> memref<128x128xf32, #tpu.memory_space<vmem>>
        %dma_wait3A_281 = arith.constant 0 : i32
        %dma_wait3A_282 = tpu.memref_slice %arg8[%run_scoped3A_194, %dma_wait3A_281] : memref<8x128xi32, #tpu.memory_space<vmem>> -> memref<1x128xi32, #tpu.memory_space<vmem>>
        %dma_wait3A_283 = tpu.memref_squeeze %dma_wait3A_282 : memref<1x128xi32, #tpu.memory_space<vmem>> -> memref<128xi32, #tpu.memory_space<vmem>>
        %dma_wait3A_284 = arith.constant 0 : i32
        %dma_wait3A_285 = arith.constant 0 : i32
        %dma_wait3A_286 = tpu.memref_slice %arg10[%dma_wait3A_284, %dma_wait3A_285] : memref<10240x128xf32, #tpu.memory_space<vmem_shared>> -> memref<10240x128xf32, #tpu.memory_space<vmem_shared>>
        tpu.wait_indirect_dma semaphore(%run_scoped3A_268 : memref<!tpu.dma_semaphore, #tpu.memory_space<semaphore_mem>>) src(%dma_wait3A_280 : memref<128x128xf32, #tpu.memory_space<vmem>>) dst(%dma_wait3A_286 : memref<10240x128xf32, #tpu.memory_space<vmem_shared>>)
        tpu.yield
      }) : () -> ()
      %dma_start3A_195 = arith.constant 6 : i32
      %dma_start3A_196 = arith.constant 0 : i32
      %dma_start3A_197 = arith.constant 0 : i32
      %dma_start3A_198 = tpu.memref_slice %arg9[%dma_start3A_196, %dma_start3A_197] : memref<256x128xf32, #tpu.memory_space<vmem>> -> memref<128x128xf32, #tpu.memory_space<vmem>>
      %dma_start3A_199 = arith.constant 0 : i32
      %dma_start3A_200 = tpu.memref_slice %arg7[%dma_start3A_195, %dma_start3A_199] : memref<8x128xi32, #tpu.memory_space<vmem>> -> memref<1x128xi32, #tpu.memory_space<vmem>>
      %dma_start3A_201 = tpu.memref_squeeze %dma_start3A_200 : memref<1x128xi32, #tpu.memory_space<vmem>> -> memref<128xi32, #tpu.memory_space<vmem>>
      %dma_start3A_202 = arith.constant 0 : i32
      %dma_start3A_203 = arith.constant 0 : i32
      %dma_start3A_204 = tpu.memref_slice %arg2[%dma_start3A_202, %dma_start3A_203] : memref<10000x128xf32, #tpu.memory_space<hbm>> -> memref<10000x128xf32, #tpu.memory_space<hbm>>
      tpu.enqueue_indirect_dma source(%dma_start3A_204 : memref<10000x128xf32, #tpu.memory_space<hbm>>) target(%dma_start3A_198 : memref<128x128xf32, #tpu.memory_space<vmem>>) offsets(%dma_start3A_201 : memref<128xi32, #tpu.memory_space<vmem>>) semaphore(%arg11 : memref<!tpu.dma_semaphore, #tpu.memory_space<semaphore_mem>>)
      %dma_wait3A_205 = arith.constant 5 : i32
      %dma_wait3A_206 = arith.constant 128 : i32
      %dma_wait3A_207 = arith.constant 0 : i32
      %dma_wait3A_208 = tpu.memref_slice %arg9[%dma_wait3A_206, %dma_wait3A_207] : memref<256x128xf32, #tpu.memory_space<vmem>> -> memref<128x128xf32, #tpu.memory_space<vmem>>
      %dma_wait3A_209 = arith.constant 0 : i32
      %dma_wait3A_210 = tpu.memref_slice %arg7[%dma_wait3A_205, %dma_wait3A_209] : memref<8x128xi32, #tpu.memory_space<vmem>> -> memref<1x128xi32, #tpu.memory_space<vmem>>
      %dma_wait3A_211 = tpu.memref_squeeze %dma_wait3A_210 : memref<1x128xi32, #tpu.memory_space<vmem>> -> memref<128xi32, #tpu.memory_space<vmem>>
      %dma_wait3A_212 = arith.constant 0 : i32
      %dma_wait3A_213 = arith.constant 0 : i32
      %dma_wait3A_214 = tpu.memref_slice %arg2[%dma_wait3A_212, %dma_wait3A_213] : memref<10000x128xf32, #tpu.memory_space<hbm>> -> memref<10000x128xf32, #tpu.memory_space<hbm>>
      tpu.wait_indirect_dma semaphore(%arg11 : memref<!tpu.dma_semaphore, #tpu.memory_space<semaphore_mem>>) src(%dma_wait3A_214 : memref<10000x128xf32, #tpu.memory_space<hbm>>) dst(%dma_wait3A_208 : memref<128x128xf32, #tpu.memory_space<vmem>>)
      %run_scoped3A_215 = arith.constant 5 : i32
      "tpu.region"() ({
        %run_scoped3A_268 = tpu.sem_alloc : memref<!tpu.dma_semaphore, #tpu.memory_space<semaphore_mem>>
        %dma_start3A_269 = arith.constant 128 : i32
        %dma_start3A_270 = arith.constant 0 : i32
        %dma_start3A_271 = tpu.memref_slice %arg9[%dma_start3A_269, %dma_start3A_270] : memref<256x128xf32, #tpu.memory_space<vmem>> -> memref<128x128xf32, #tpu.memory_space<vmem>>
        %dma_start3A_272 = arith.constant 0 : i32
        %dma_start3A_273 = tpu.memref_slice %arg8[%run_scoped3A_215, %dma_start3A_272] : memref<8x128xi32, #tpu.memory_space<vmem>> -> memref<1x128xi32, #tpu.memory_space<vmem>>
        %dma_start3A_274 = tpu.memref_squeeze %dma_start3A_273 : memref<1x128xi32, #tpu.memory_space<vmem>> -> memref<128xi32, #tpu.memory_space<vmem>>
        %dma_start3A_275 = arith.constant 0 : i32
        %dma_start3A_276 = arith.constant 0 : i32
        %dma_start3A_277 = tpu.memref_slice %arg10[%dma_start3A_275, %dma_start3A_276] : memref<10240x128xf32, #tpu.memory_space<vmem_shared>> -> memref<10240x128xf32, #tpu.memory_space<vmem_shared>>
        tpu.enqueue_indirect_dma source(%dma_start3A_271 : memref<128x128xf32, #tpu.memory_space<vmem>>) target(%dma_start3A_277 : memref<10240x128xf32, #tpu.memory_space<vmem_shared>>) offsets(%dma_start3A_274 : memref<128xi32, #tpu.memory_space<vmem>>) semaphore(%run_scoped3A_268 : memref<!tpu.dma_semaphore, #tpu.memory_space<semaphore_mem>>) {add = true}
        %dma_wait3A_278 = arith.constant 128 : i32
        %dma_wait3A_279 = arith.constant 0 : i32
        %dma_wait3A_280 = tpu.memref_slice %arg9[%dma_wait3A_278, %dma_wait3A_279] : memref<256x128xf32, #tpu.memory_space<vmem>> -> memref<128x128xf32, #tpu.memory_space<vmem>>
        %dma_wait3A_281 = arith.constant 0 : i32
        %dma_wait3A_282 = tpu.memref_slice %arg8[%run_scoped3A_215, %dma_wait3A_281] : memref<8x128xi32, #tpu.memory_space<vmem>> -> memref<1x128xi32, #tpu.memory_space<vmem>>
        %dma_wait3A_283 = tpu.memref_squeeze %dma_wait3A_282 : memref<1x128xi32, #tpu.memory_space<vmem>> -> memref<128xi32, #tpu.memory_space<vmem>>
        %dma_wait3A_284 = arith.constant 0 : i32
        %dma_wait3A_285 = arith.constant 0 : i32
        %dma_wait3A_286 = tpu.memref_slice %arg10[%dma_wait3A_284, %dma_wait3A_285] : memref<10240x128xf32, #tpu.memory_space<vmem_shared>> -> memref<10240x128xf32, #tpu.memory_space<vmem_shared>>
        tpu.wait_indirect_dma semaphore(%run_scoped3A_268 : memref<!tpu.dma_semaphore, #tpu.memory_space<semaphore_mem>>) src(%dma_wait3A_280 : memref<128x128xf32, #tpu.memory_space<vmem>>) dst(%dma_wait3A_286 : memref<10240x128xf32, #tpu.memory_space<vmem_shared>>)
        tpu.yield
      }) : () -> ()
      %dma_start3A_216 = arith.constant 7 : i32
      %dma_start3A_217 = arith.constant 128 : i32
      %dma_start3A_218 = arith.constant 0 : i32
      %dma_start3A_219 = tpu.memref_slice %arg9[%dma_start3A_217, %dma_start3A_218] : memref<256x128xf32, #tpu.memory_space<vmem>> -> memref<128x128xf32, #tpu.memory_space<vmem>>
      %dma_start3A_220 = arith.constant 0 : i32
      %dma_start3A_221 = tpu.memref_slice %arg7[%dma_start3A_216, %dma_start3A_220] : memref<8x128xi32, #tpu.memory_space<vmem>> -> memref<1x128xi32, #tpu.memory_space<vmem>>
      %dma_start3A_222 = tpu.memref_squeeze %dma_start3A_221 : memref<1x128xi32, #tpu.memory_space<vmem>> -> memref<128xi32, #tpu.memory_space<vmem>>
      %dma_start3A_223 = arith.constant 0 : i32
      %dma_start3A_224 = arith.constant 0 : i32
      %dma_start3A_225 = tpu.memref_slice %arg2[%dma_start3A_223, %dma_start3A_224] : memref<10000x128xf32, #tpu.memory_space<hbm>> -> memref<10000x128xf32, #tpu.memory_space<hbm>>
      tpu.enqueue_indirect_dma source(%dma_start3A_225 : memref<10000x128xf32, #tpu.memory_space<hbm>>) target(%dma_start3A_219 : memref<128x128xf32, #tpu.memory_space<vmem>>) offsets(%dma_start3A_222 : memref<128xi32, #tpu.memory_space<vmem>>) semaphore(%arg11 : memref<!tpu.dma_semaphore, #tpu.memory_space<semaphore_mem>>)
      %dma_wait3A_226 = arith.constant 6 : i32
      %dma_wait3A_227 = arith.constant 0 : i32
      %dma_wait3A_228 = arith.constant 0 : i32
      %dma_wait3A_229 = tpu.memref_slice %arg9[%dma_wait3A_227, %dma_wait3A_228] : memref<256x128xf32, #tpu.memory_space<vmem>> -> memref<128x128xf32, #tpu.memory_space<vmem>>
      %dma_wait3A_230 = arith.constant 0 : i32
      %dma_wait3A_231 = tpu.memref_slice %arg7[%dma_wait3A_226, %dma_wait3A_230] : memref<8x128xi32, #tpu.memory_space<vmem>> -> memref<1x128xi32, #tpu.memory_space<vmem>>
      %dma_wait3A_232 = tpu.memref_squeeze %dma_wait3A_231 : memref<1x128xi32, #tpu.memory_space<vmem>> -> memref<128xi32, #tpu.memory_space<vmem>>
      %dma_wait3A_233 = arith.constant 0 : i32
      %dma_wait3A_234 = arith.constant 0 : i32
      %dma_wait3A_235 = tpu.memref_slice %arg2[%dma_wait3A_233, %dma_wait3A_234] : memref<10000x128xf32, #tpu.memory_space<hbm>> -> memref<10000x128xf32, #tpu.memory_space<hbm>>
      tpu.wait_indirect_dma semaphore(%arg11 : memref<!tpu.dma_semaphore, #tpu.memory_space<semaphore_mem>>) src(%dma_wait3A_235 : memref<10000x128xf32, #tpu.memory_space<hbm>>) dst(%dma_wait3A_229 : memref<128x128xf32, #tpu.memory_space<vmem>>)
      %run_scoped3A_236 = arith.constant 6 : i32
      "tpu.region"() ({
        %run_scoped3A_268 = tpu.sem_alloc : memref<!tpu.dma_semaphore, #tpu.memory_space<semaphore_mem>>
        %dma_start3A_269 = arith.constant 0 : i32
        %dma_start3A_270 = arith.constant 0 : i32
        %dma_start3A_271 = tpu.memref_slice %arg9[%dma_start3A_269, %dma_start3A_270] : memref<256x128xf32, #tpu.memory_space<vmem>> -> memref<128x128xf32, #tpu.memory_space<vmem>>
        %dma_start3A_272 = arith.constant 0 : i32
        %dma_start3A_273 = tpu.memref_slice %arg8[%run_scoped3A_236, %dma_start3A_272] : memref<8x128xi32, #tpu.memory_space<vmem>> -> memref<1x128xi32, #tpu.memory_space<vmem>>
        %dma_start3A_274 = tpu.memref_squeeze %dma_start3A_273 : memref<1x128xi32, #tpu.memory_space<vmem>> -> memref<128xi32, #tpu.memory_space<vmem>>
        %dma_start3A_275 = arith.constant 0 : i32
        %dma_start3A_276 = arith.constant 0 : i32
        %dma_start3A_277 = tpu.memref_slice %arg10[%dma_start3A_275, %dma_start3A_276] : memref<10240x128xf32, #tpu.memory_space<vmem_shared>> -> memref<10240x128xf32, #tpu.memory_space<vmem_shared>>
        tpu.enqueue_indirect_dma source(%dma_start3A_271 : memref<128x128xf32, #tpu.memory_space<vmem>>) target(%dma_start3A_277 : memref<10240x128xf32, #tpu.memory_space<vmem_shared>>) offsets(%dma_start3A_274 : memref<128xi32, #tpu.memory_space<vmem>>) semaphore(%run_scoped3A_268 : memref<!tpu.dma_semaphore, #tpu.memory_space<semaphore_mem>>) {add = true}
        %dma_wait3A_278 = arith.constant 0 : i32
        %dma_wait3A_279 = arith.constant 0 : i32
        %dma_wait3A_280 = tpu.memref_slice %arg9[%dma_wait3A_278, %dma_wait3A_279] : memref<256x128xf32, #tpu.memory_space<vmem>> -> memref<128x128xf32, #tpu.memory_space<vmem>>
        %dma_wait3A_281 = arith.constant 0 : i32
        %dma_wait3A_282 = tpu.memref_slice %arg8[%run_scoped3A_236, %dma_wait3A_281] : memref<8x128xi32, #tpu.memory_space<vmem>> -> memref<1x128xi32, #tpu.memory_space<vmem>>
        %dma_wait3A_283 = tpu.memref_squeeze %dma_wait3A_282 : memref<1x128xi32, #tpu.memory_space<vmem>> -> memref<128xi32, #tpu.memory_space<vmem>>
        %dma_wait3A_284 = arith.constant 0 : i32
        %dma_wait3A_285 = arith.constant 0 : i32
        %dma_wait3A_286 = tpu.memref_slice %arg10[%dma_wait3A_284, %dma_wait3A_285] : memref<10240x128xf32, #tpu.memory_space<vmem_shared>> -> memref<10240x128xf32, #tpu.memory_space<vmem_shared>>
        tpu.wait_indirect_dma semaphore(%run_scoped3A_268 : memref<!tpu.dma_semaphore, #tpu.memory_space<semaphore_mem>>) src(%dma_wait3A_280 : memref<128x128xf32, #tpu.memory_space<vmem>>) dst(%dma_wait3A_286 : memref<10240x128xf32, #tpu.memory_space<vmem_shared>>)
        tpu.yield
      }) : () -> ()
      %dma_wait3A_237 = arith.constant 7 : i32
      %dma_wait3A_238 = arith.constant 128 : i32
      %dma_wait3A_239 = arith.constant 0 : i32
      %dma_wait3A_240 = tpu.memref_slice %arg9[%dma_wait3A_238, %dma_wait3A_239] : memref<256x128xf32, #tpu.memory_space<vmem>> -> memref<128x128xf32, #tpu.memory_space<vmem>>
      %dma_wait3A_241 = arith.constant 0 : i32
      %dma_wait3A_242 = tpu.memref_slice %arg7[%dma_wait3A_237, %dma_wait3A_241] : memref<8x128xi32, #tpu.memory_space<vmem>> -> memref<1x128xi32, #tpu.memory_space<vmem>>
      %dma_wait3A_243 = tpu.memref_squeeze %dma_wait3A_242 : memref<1x128xi32, #tpu.memory_space<vmem>> -> memref<128xi32, #tpu.memory_space<vmem>>
      %dma_wait3A_244 = arith.constant 0 : i32
      %dma_wait3A_245 = arith.constant 0 : i32
      %dma_wait3A_246 = tpu.memref_slice %arg2[%dma_wait3A_244, %dma_wait3A_245] : memref<10000x128xf32, #tpu.memory_space<hbm>> -> memref<10000x128xf32, #tpu.memory_space<hbm>>
      tpu.wait_indirect_dma semaphore(%arg11 : memref<!tpu.dma_semaphore, #tpu.memory_space<semaphore_mem>>) src(%dma_wait3A_246 : memref<10000x128xf32, #tpu.memory_space<hbm>>) dst(%dma_wait3A_240 : memref<128x128xf32, #tpu.memory_space<vmem>>)
      %run_scoped3A_247 = arith.constant 7 : i32
      "tpu.region"() ({
        %run_scoped3A_268 = tpu.sem_alloc : memref<!tpu.dma_semaphore, #tpu.memory_space<semaphore_mem>>
        %dma_start3A_269 = arith.constant 128 : i32
        %dma_start3A_270 = arith.constant 0 : i32
        %dma_start3A_271 = tpu.memref_slice %arg9[%dma_start3A_269, %dma_start3A_270] : memref<256x128xf32, #tpu.memory_space<vmem>> -> memref<128x128xf32, #tpu.memory_space<vmem>>
        %dma_start3A_272 = arith.constant 0 : i32
        %dma_start3A_273 = tpu.memref_slice %arg8[%run_scoped3A_247, %dma_start3A_272] : memref<8x128xi32, #tpu.memory_space<vmem>> -> memref<1x128xi32, #tpu.memory_space<vmem>>
        %dma_start3A_274 = tpu.memref_squeeze %dma_start3A_273 : memref<1x128xi32, #tpu.memory_space<vmem>> -> memref<128xi32, #tpu.memory_space<vmem>>
        %dma_start3A_275 = arith.constant 0 : i32
        %dma_start3A_276 = arith.constant 0 : i32
        %dma_start3A_277 = tpu.memref_slice %arg10[%dma_start3A_275, %dma_start3A_276] : memref<10240x128xf32, #tpu.memory_space<vmem_shared>> -> memref<10240x128xf32, #tpu.memory_space<vmem_shared>>
        tpu.enqueue_indirect_dma source(%dma_start3A_271 : memref<128x128xf32, #tpu.memory_space<vmem>>) target(%dma_start3A_277 : memref<10240x128xf32, #tpu.memory_space<vmem_shared>>) offsets(%dma_start3A_274 : memref<128xi32, #tpu.memory_space<vmem>>) semaphore(%run_scoped3A_268 : memref<!tpu.dma_semaphore, #tpu.memory_space<semaphore_mem>>) {add = true}
        %dma_wait3A_278 = arith.constant 128 : i32
        %dma_wait3A_279 = arith.constant 0 : i32
        %dma_wait3A_280 = tpu.memref_slice %arg9[%dma_wait3A_278, %dma_wait3A_279] : memref<256x128xf32, #tpu.memory_space<vmem>> -> memref<128x128xf32, #tpu.memory_space<vmem>>
        %dma_wait3A_281 = arith.constant 0 : i32
        %dma_wait3A_282 = tpu.memref_slice %arg8[%run_scoped3A_247, %dma_wait3A_281] : memref<8x128xi32, #tpu.memory_space<vmem>> -> memref<1x128xi32, #tpu.memory_space<vmem>>
        %dma_wait3A_283 = tpu.memref_squeeze %dma_wait3A_282 : memref<1x128xi32, #tpu.memory_space<vmem>> -> memref<128xi32, #tpu.memory_space<vmem>>
        %dma_wait3A_284 = arith.constant 0 : i32
        %dma_wait3A_285 = arith.constant 0 : i32
        %dma_wait3A_286 = tpu.memref_slice %arg10[%dma_wait3A_284, %dma_wait3A_285] : memref<10240x128xf32, #tpu.memory_space<vmem_shared>> -> memref<10240x128xf32, #tpu.memory_space<vmem_shared>>
        tpu.wait_indirect_dma semaphore(%run_scoped3A_268 : memref<!tpu.dma_semaphore, #tpu.memory_space<semaphore_mem>>) src(%dma_wait3A_280 : memref<128x128xf32, #tpu.memory_space<vmem>>) dst(%dma_wait3A_286 : memref<10240x128xf32, #tpu.memory_space<vmem_shared>>)
        tpu.yield
      }) : () -> ()
      %dma_wait3A_248 = arith.constant 0 : i32
      %dma_wait3A_249 = arith.constant 0 : i32
      %dma_wait3A_250 = tpu.memref_slice %arg7[%dma_wait3A_248, %dma_wait3A_249] : memref<8x128xi32, #tpu.memory_space<vmem>> -> memref<4x128xi32, #tpu.memory_space<vmem>>
      %dma_wait3A_251 = arith.constant 0 : i32
      %dma_wait3A_252 = tpu.memref_slice %arg3[%add3A_143, %dma_wait3A_251] : memref<2568x128xi32, #tpu.memory_space<hbm>> -> memref<4x128xi32, #tpu.memory_space<hbm>>
      %dma_wait3A_253 = arith.constant 0 : i32
      %dma_wait3A_254 = arith.constant 0 : i32
      %dma_wait3A_255 = tpu.memref_slice %arg7[%dma_wait3A_253, %dma_wait3A_254] : memref<8x128xi32, #tpu.memory_space<vmem>> -> memref<4x128xi32, #tpu.memory_space<vmem>>
      %dma_wait3A_256 = arith.constant 0 : i32
      %dma_wait3A_257 = tpu.memref_slice %arg3[%add3A_143, %dma_wait3A_256] : memref<2568x128xi32, #tpu.memory_space<hbm>> -> memref<4x128xi32, #tpu.memory_space<hbm>>
      tpu.wait_dma2 semaphore(%arg12 : memref<!tpu.dma_semaphore, #tpu.memory_space<semaphore_mem>>) src(%dma_wait3A_257 : memref<4x128xi32, #tpu.memory_space<hbm>>) dst(%dma_wait3A_255 : memref<4x128xi32, #tpu.memory_space<vmem>>)
      %dma_wait3A_258 = arith.constant 0 : i32
      %dma_wait3A_259 = arith.constant 0 : i32
      %dma_wait3A_260 = tpu.memref_slice %arg8[%dma_wait3A_258, %dma_wait3A_259] : memref<8x128xi32, #tpu.memory_space<vmem>> -> memref<4x128xi32, #tpu.memory_space<vmem>>
      %dma_wait3A_261 = arith.constant 0 : i32
      %dma_wait3A_262 = tpu.memref_slice %arg4[%add3A_143, %dma_wait3A_261] : memref<2568x128xi32, #tpu.memory_space<hbm>> -> memref<4x128xi32, #tpu.memory_space<hbm>>
      %dma_wait3A_263 = arith.constant 0 : i32
      %dma_wait3A_264 = arith.constant 0 : i32
      %dma_wait3A_265 = tpu.memref_slice %arg8[%dma_wait3A_263, %dma_wait3A_264] : memref<8x128xi32, #tpu.memory_space<vmem>> -> memref<4x128xi32, #tpu.memory_space<vmem>>
      %dma_wait3A_266 = arith.constant 0 : i32
      %dma_wait3A_267 = tpu.memref_slice %arg4[%add3A_143, %dma_wait3A_266] : memref<2568x128xi32, #tpu.memory_space<hbm>> -> memref<4x128xi32, #tpu.memory_space<hbm>>
      tpu.wait_dma2 semaphore(%arg12 : memref<!tpu.dma_semaphore, #tpu.memory_space<semaphore_mem>>) src(%dma_wait3A_267 : memref<4x128xi32, #tpu.memory_space<hbm>>) dst(%dma_wait3A_265 : memref<4x128xi32, #tpu.memory_space<vmem>>)
    }
    %scan3A_9 = arith.constant 10 : i32
    %barrier3A_10 = arith.constant 0 : index
    tpu.barrier barrier_id(%barrier3A_10)
    %mul3A_11 = arith.constant 640 : i32
    %mul3A_12 = arith.muli %arg1, %mul3A_11 : i32
    %mul3A_13 = arith.constant 640 : i32
    %mul3A_14 = arith.muli %arg1, %mul3A_13 : i32
    "tpu.region"() ({
      %run_scoped3A = tpu.sem_alloc : memref<!tpu.dma_semaphore, #tpu.memory_space<semaphore_mem>>
      %dma_start3A = arith.constant 0 : i32
      %dma_start3A_15 = tpu.memref_slice %arg6[%arg0, %mul3A_14, %dma_start3A] : memref<2x10240x128xf32, #tpu.memory_space<hbm>> -> memref<1x640x128xf32, #tpu.memory_space<hbm>>
      %dma_start3A_16 = tpu.memref_squeeze %dma_start3A_15 : memref<1x640x128xf32, #tpu.memory_space<hbm>> -> memref<640x128xf32, #tpu.memory_space<hbm>>
      %dma_start3A_17 = arith.constant 0 : i32
      %dma_start3A_18 = tpu.memref_slice %arg10[%mul3A_12, %dma_start3A_17] : memref<10240x128xf32, #tpu.memory_space<vmem_shared>> -> memref<640x128xf32, #tpu.memory_space<vmem_shared>>
      tpu.enqueue_dma source(%dma_start3A_18 : memref<640x128xf32, #tpu.memory_space<vmem_shared>>) target(%dma_start3A_16 : memref<640x128xf32, #tpu.memory_space<hbm>>) target_semaphore(%run_scoped3A : memref<!tpu.dma_semaphore, #tpu.memory_space<semaphore_mem>>)
      %dma_wait3A = arith.constant 0 : i32
      %dma_wait3A_19 = tpu.memref_slice %arg6[%arg0, %mul3A_14, %dma_wait3A] : memref<2x10240x128xf32, #tpu.memory_space<hbm>> -> memref<1x640x128xf32, #tpu.memory_space<hbm>>
      %dma_wait3A_20 = tpu.memref_squeeze %dma_wait3A_19 : memref<1x640x128xf32, #tpu.memory_space<hbm>> -> memref<640x128xf32, #tpu.memory_space<hbm>>
      %dma_wait3A_21 = arith.constant 0 : i32
      %dma_wait3A_22 = tpu.memref_slice %arg10[%mul3A_12, %dma_wait3A_21] : memref<10240x128xf32, #tpu.memory_space<vmem_shared>> -> memref<640x128xf32, #tpu.memory_space<vmem_shared>>
      tpu.wait_dma2 semaphore(%run_scoped3A : memref<!tpu.dma_semaphore, #tpu.memory_space<semaphore_mem>>) src(%dma_wait3A_22 : memref<640x128xf32, #tpu.memory_space<vmem_shared>>) dst(%dma_wait3A_20 : memref<640x128xf32, #tpu.memory_space<hbm>>)
      tpu.yield
    }) : () -> ()
    return
  }
}

#map = affine_map<(d0, d1) -> (0, 0)>
#map1 = affine_map<(d0, d1) -> (0, 0, 0)>
module attributes {stable_mosaic.version = 14 : i64} {
  func.func @body(%arg0: i32, %arg1: i32, %arg2: memref<10000x128xf32, #tpu.memory_space<hbm>>, %arg3: memref<2568x128xi32, #tpu.memory_space<hbm>>, %arg4: memref<2568x128xi32, #tpu.memory_space<hbm>>, %arg5: memref<640x128xf32, #tpu.memory_space<hbm>>, %arg6: memref<2x10240x128xf32, #tpu.memory_space<hbm>>, %arg7: memref<8x128xi32, #tpu.memory_space<vmem>>, %arg8: memref<8x128xi32, #tpu.memory_space<vmem>>, %arg9: memref<256x128xf32, #tpu.memory_space<vmem>>, %arg10: memref<10240x128xf32, #tpu.memory_space<vmem_shared>>, %arg11: memref<!tpu.dma_semaphore, #tpu.memory_space<semaphore_mem>>, %arg12: memref<!tpu.dma_semaphore, #tpu.memory_space<semaphore_mem>>) attributes {dimension_semantics = [#tpu.dimension_semantics<core_parallel>, #tpu.dimension_semantics<subcore_parallel>], iteration_bounds = array<i64: 2, 16>, scalar_prefetch = 0 : i64, scratch_operands = 6 : i64, tpu.core_type = #tpu.core_type<sc_vector_subcore>, window_params = [{transform_indices = #map}, {transform_indices = #map}, {transform_indices = #map}, {transform_indices = #map}, {transform_indices = #map1}]} {
    %mul3A = arith.constant 2 : i32
    %mul3A_0 = arith.muli %arg1, %mul3A : i32
    %add3A = arith.addi %mul3A_0, %arg0 : i32
    %mul3A_1 = arith.constant 80 : i32
    %mul3A_2 = arith.muli %add3A, %mul3A_1 : i32
    %mul3A_3 = arith.constant 640 : i32
    %mul3A_4 = arith.muli %arg1, %mul3A_3 : i32
    "tpu.region"() ({
      %run_scoped3A = tpu.sem_alloc : memref<!tpu.dma_semaphore, #tpu.memory_space<semaphore_mem>>
      %dma_start3A = arith.constant 0 : i32
      %dma_start3A_15 = tpu.memref_slice %arg10[%mul3A_4, %dma_start3A] : memref<10240x128xf32, #tpu.memory_space<vmem_shared>> -> memref<640x128xf32, #tpu.memory_space<vmem_shared>>
      tpu.enqueue_dma source(%arg5 : memref<640x128xf32, #tpu.memory_space<hbm>>) target(%dma_start3A_15 : memref<640x128xf32, #tpu.memory_space<vmem_shared>>) target_semaphore(%run_scoped3A : memref<!tpu.dma_semaphore, #tpu.memory_space<semaphore_mem>>)
      %dma_wait3A = arith.constant 0 : i32
      %dma_wait3A_16 = tpu.memref_slice %arg10[%mul3A_4, %dma_wait3A] : memref<10240x128xf32, #tpu.memory_space<vmem_shared>> -> memref<640x128xf32, #tpu.memory_space<vmem_shared>>
      tpu.wait_dma2 semaphore(%run_scoped3A : memref<!tpu.dma_semaphore, #tpu.memory_space<semaphore_mem>>) src(%arg5 : memref<640x128xf32, #tpu.memory_space<hbm>>) dst(%dma_wait3A_16 : memref<640x128xf32, #tpu.memory_space<vmem_shared>>)
      tpu.yield
    }) : () -> ()
    %barrier3A = arith.constant 0 : index
    tpu.barrier barrier_id(%barrier3A)
    "tpu.region"() ({
      %run_scoped3A = tpu.sem_alloc : memref<!tpu.dma_semaphore, #tpu.memory_space<semaphore_mem>>
      %dma_start3A = arith.constant 0 : i32
      %dma_start3A_15 = arith.constant 0 : i32
      %dma_start3A_16 = tpu.memref_slice %arg7[%dma_start3A, %dma_start3A_15] : memref<8x128xi32, #tpu.memory_space<vmem>> -> memref<4x128xi32, #tpu.memory_space<vmem>>
      %dma_start3A_17 = arith.constant 0 : i32
      %dma_start3A_18 = tpu.memref_slice %arg3[%mul3A_2, %dma_start3A_17] : memref<2568x128xi32, #tpu.memory_space<hbm>> -> memref<4x128xi32, #tpu.memory_space<hbm>>
      %dma_start3A_19 = arith.constant 0 : i32
      %dma_start3A_20 = arith.constant 0 : i32
      %dma_start3A_21 = tpu.memref_slice %arg7[%dma_start3A_19, %dma_start3A_20] : memref<8x128xi32, #tpu.memory_space<vmem>> -> memref<4x128xi32, #tpu.memory_space<vmem>>
      %dma_start3A_22 = arith.constant 0 : i32
      %dma_start3A_23 = tpu.memref_slice %arg3[%mul3A_2, %dma_start3A_22] : memref<2568x128xi32, #tpu.memory_space<hbm>> -> memref<4x128xi32, #tpu.memory_space<hbm>>
      tpu.enqueue_dma source(%dma_start3A_23 : memref<4x128xi32, #tpu.memory_space<hbm>>) target(%dma_start3A_21 : memref<4x128xi32, #tpu.memory_space<vmem>>) target_semaphore(%run_scoped3A : memref<!tpu.dma_semaphore, #tpu.memory_space<semaphore_mem>>)
      %dma_wait3A = arith.constant 0 : i32
      %dma_wait3A_24 = arith.constant 0 : i32
      %dma_wait3A_25 = tpu.memref_slice %arg7[%dma_wait3A, %dma_wait3A_24] : memref<8x128xi32, #tpu.memory_space<vmem>> -> memref<4x128xi32, #tpu.memory_space<vmem>>
      %dma_wait3A_26 = arith.constant 0 : i32
      %dma_wait3A_27 = tpu.memref_slice %arg3[%mul3A_2, %dma_wait3A_26] : memref<2568x128xi32, #tpu.memory_space<hbm>> -> memref<4x128xi32, #tpu.memory_space<hbm>>
      %dma_wait3A_28 = arith.constant 0 : i32
      %dma_wait3A_29 = arith.constant 0 : i32
      %dma_wait3A_30 = tpu.memref_slice %arg7[%dma_wait3A_28, %dma_wait3A_29] : memref<8x128xi32, #tpu.memory_space<vmem>> -> memref<4x128xi32, #tpu.memory_space<vmem>>
      %dma_wait3A_31 = arith.constant 0 : i32
      %dma_wait3A_32 = tpu.memref_slice %arg3[%mul3A_2, %dma_wait3A_31] : memref<2568x128xi32, #tpu.memory_space<hbm>> -> memref<4x128xi32, #tpu.memory_space<hbm>>
      tpu.wait_dma2 semaphore(%run_scoped3A : memref<!tpu.dma_semaphore, #tpu.memory_space<semaphore_mem>>) src(%dma_wait3A_32 : memref<4x128xi32, #tpu.memory_space<hbm>>) dst(%dma_wait3A_30 : memref<4x128xi32, #tpu.memory_space<vmem>>)
      tpu.yield
    }) : () -> ()
    "tpu.region"() ({
      %run_scoped3A = tpu.sem_alloc : memref<!tpu.dma_semaphore, #tpu.memory_space<semaphore_mem>>
      %dma_start3A = arith.constant 0 : i32
      %dma_start3A_15 = arith.constant 0 : i32
      %dma_start3A_16 = tpu.memref_slice %arg8[%dma_start3A, %dma_start3A_15] : memref<8x128xi32, #tpu.memory_space<vmem>> -> memref<4x128xi32, #tpu.memory_space<vmem>>
      %dma_start3A_17 = arith.constant 0 : i32
      %dma_start3A_18 = tpu.memref_slice %arg4[%mul3A_2, %dma_start3A_17] : memref<2568x128xi32, #tpu.memory_space<hbm>> -> memref<4x128xi32, #tpu.memory_space<hbm>>
      %dma_start3A_19 = arith.constant 0 : i32
      %dma_start3A_20 = arith.constant 0 : i32
      %dma_start3A_21 = tpu.memref_slice %arg8[%dma_start3A_19, %dma_start3A_20] : memref<8x128xi32, #tpu.memory_space<vmem>> -> memref<4x128xi32, #tpu.memory_space<vmem>>
      %dma_start3A_22 = arith.constant 0 : i32
      %dma_start3A_23 = tpu.memref_slice %arg4[%mul3A_2, %dma_start3A_22] : memref<2568x128xi32, #tpu.memory_space<hbm>> -> memref<4x128xi32, #tpu.memory_space<hbm>>
      tpu.enqueue_dma source(%dma_start3A_23 : memref<4x128xi32, #tpu.memory_space<hbm>>) target(%dma_start3A_21 : memref<4x128xi32, #tpu.memory_space<vmem>>) target_semaphore(%run_scoped3A : memref<!tpu.dma_semaphore, #tpu.memory_space<semaphore_mem>>)
      %dma_wait3A = arith.constant 0 : i32
      %dma_wait3A_24 = arith.constant 0 : i32
      %dma_wait3A_25 = tpu.memref_slice %arg8[%dma_wait3A, %dma_wait3A_24] : memref<8x128xi32, #tpu.memory_space<vmem>> -> memref<4x128xi32, #tpu.memory_space<vmem>>
      %dma_wait3A_26 = arith.constant 0 : i32
      %dma_wait3A_27 = tpu.memref_slice %arg4[%mul3A_2, %dma_wait3A_26] : memref<2568x128xi32, #tpu.memory_space<hbm>> -> memref<4x128xi32, #tpu.memory_space<hbm>>
      %dma_wait3A_28 = arith.constant 0 : i32
      %dma_wait3A_29 = arith.constant 0 : i32
      %dma_wait3A_30 = tpu.memref_slice %arg8[%dma_wait3A_28, %dma_wait3A_29] : memref<8x128xi32, #tpu.memory_space<vmem>> -> memref<4x128xi32, #tpu.memory_space<vmem>>
      %dma_wait3A_31 = arith.constant 0 : i32
      %dma_wait3A_32 = tpu.memref_slice %arg4[%mul3A_2, %dma_wait3A_31] : memref<2568x128xi32, #tpu.memory_space<hbm>> -> memref<4x128xi32, #tpu.memory_space<hbm>>
      tpu.wait_dma2 semaphore(%run_scoped3A : memref<!tpu.dma_semaphore, #tpu.memory_space<semaphore_mem>>) src(%dma_wait3A_32 : memref<4x128xi32, #tpu.memory_space<hbm>>) dst(%dma_wait3A_30 : memref<4x128xi32, #tpu.memory_space<vmem>>)
      tpu.yield
    }) : () -> ()
    %scan3A = arith.constant 0 : i32
    %scan3A_5 = arith.constant 0 : i32
    %scan3A_6 = arith.constant 10 : i32
    %scan3A_7 = arith.addi %scan3A_5, %scan3A_6 : i32
    %scan3A_8 = arith.constant 1 : i32
    scf.for %scan3A_15 = %scan3A_5 to %scan3A_7 step %scan3A_8  : i32 {
      %mul3A_16 = arith.constant 8 : i32
      %mul3A_17 = arith.muli %scan3A_15, %mul3A_16 : i32
      %add3A_18 = arith.addi %mul3A_2, %mul3A_17 : i32
      %add3A_19 = arith.constant 4 : i32
      %add3A_20 = arith.addi %add3A_18, %add3A_19 : i32
      %dma_start3A = arith.constant 4 : i32
      %dma_start3A_21 = arith.constant 0 : i32
      %dma_start3A_22 = tpu.memref_slice %arg7[%dma_start3A, %dma_start3A_21] : memref<8x128xi32, #tpu.memory_space<vmem>> -> memref<4x128xi32, #tpu.memory_space<vmem>>
      %dma_start3A_23 = arith.constant 0 : i32
      %dma_start3A_24 = tpu.memref_slice %arg3[%add3A_20, %dma_start3A_23] : memref<2568x128xi32, #tpu.memory_space<hbm>> -> memref<4x128xi32, #tpu.memory_space<hbm>>
      %dma_start3A_25 = arith.constant 4 : i32
      %dma_start3A_26 = arith.constant 0 : i32
      %dma_start3A_27 = tpu.memref_slice %arg7[%dma_start3A_25, %dma_start3A_26] : memref<8x128xi32, #tpu.memory_space<vmem>> -> memref<4x128xi32, #tpu.memory_space<vmem>>
      %dma_start3A_28 = arith.constant 0 : i32
      %dma_start3A_29 = tpu.memref_slice %arg3[%add3A_20, %dma_start3A_28] : memref<2568x128xi32, #tpu.memory_space<hbm>> -> memref<4x128xi32, #tpu.memory_space<hbm>>
      tpu.enqueue_dma source(%dma_start3A_29 : memref<4x128xi32, #tpu.memory_space<hbm>>) target(%dma_start3A_27 : memref<4x128xi32, #tpu.memory_space<vmem>>) target_semaphore(%arg12 : memref<!tpu.dma_semaphore, #tpu.memory_space<semaphore_mem>>)
      %dma_start3A_30 = arith.constant 4 : i32
      %dma_start3A_31 = arith.constant 0 : i32
      %dma_start3A_32 = tpu.memref_slice %arg8[%dma_start3A_30, %dma_start3A_31] : memref<8x128xi32, #tpu.memory_space<vmem>> -> memref<4x128xi32, #tpu.memory_space<vmem>>
      %dma_start3A_33 = arith.constant 0 : i32
      %dma_start3A_34 = tpu.memref_slice %arg4[%add3A_20, %dma_start3A_33] : memref<2568x128xi32, #tpu.memory_space<hbm>> -> memref<4x128xi32, #tpu.memory_space<hbm>>
      %dma_start3A_35 = arith.constant 4 : i32
      %dma_start3A_36 = arith.constant 0 : i32
      %dma_start3A_37 = tpu.memref_slice %arg8[%dma_start3A_35, %dma_start3A_36] : memref<8x128xi32, #tpu.memory_space<vmem>> -> memref<4x128xi32, #tpu.memory_space<vmem>>
      %dma_start3A_38 = arith.constant 0 : i32
      %dma_start3A_39 = tpu.memref_slice %arg4[%add3A_20, %dma_start3A_38] : memref<2568x128xi32, #tpu.memory_space<hbm>> -> memref<4x128xi32, #tpu.memory_space<hbm>>
      tpu.enqueue_dma source(%dma_start3A_39 : memref<4x128xi32, #tpu.memory_space<hbm>>) target(%dma_start3A_37 : memref<4x128xi32, #tpu.memory_space<vmem>>) target_semaphore(%arg12 : memref<!tpu.dma_semaphore, #tpu.memory_space<semaphore_mem>>)
      %dma_start3A_40 = arith.constant 0 : i32
      %dma_start3A_41 = arith.constant 0 : i32
      %dma_start3A_42 = arith.constant 0 : i32
      %dma_start3A_43 = tpu.memref_slice %arg9[%dma_start3A_41, %dma_start3A_42] : memref<256x128xf32, #tpu.memory_space<vmem>> -> memref<128x128xf32, #tpu.memory_space<vmem>>
      %dma_start3A_44 = arith.constant 0 : i32
      %dma_start3A_45 = tpu.memref_slice %arg7[%dma_start3A_40, %dma_start3A_44] : memref<8x128xi32, #tpu.memory_space<vmem>> -> memref<1x128xi32, #tpu.memory_space<vmem>>
      %dma_start3A_46 = tpu.memref_squeeze %dma_start3A_45 : memref<1x128xi32, #tpu.memory_space<vmem>> -> memref<128xi32, #tpu.memory_space<vmem>>
      %dma_start3A_47 = arith.constant 0 : i32
      %dma_start3A_48 = arith.constant 0 : i32
      %dma_start3A_49 = tpu.memref_slice %arg2[%dma_start3A_47, %dma_start3A_48] : memref<10000x128xf32, #tpu.memory_space<hbm>> -> memref<10000x128xf32, #tpu.memory_space<hbm>>
      tpu.enqueue_indirect_dma source(%dma_start3A_49 : memref<10000x128xf32, #tpu.memory_space<hbm>>) target(%dma_start3A_43 : memref<128x128xf32, #tpu.memory_space<vmem>>) offsets(%dma_start3A_46 : memref<128xi32, #tpu.memory_space<vmem>>) semaphore(%arg11 : memref<!tpu.dma_semaphore, #tpu.memory_space<semaphore_mem>>)
      %dma_start3A_50 = arith.constant 1 : i32
      %dma_start3A_51 = arith.constant 128 : i32
      %dma_start3A_52 = arith.constant 0 : i32
      %dma_start3A_53 = tpu.memref_slice %arg9[%dma_start3A_51, %dma_start3A_52] : memref<256x128xf32, #tpu.memory_space<vmem>> -> memref<128x128xf32, #tpu.memory_space<vmem>>
      %dma_start3A_54 = arith.constant 0 : i32
      %dma_start3A_55 = tpu.memref_slice %arg7[%dma_start3A_50, %dma_start3A_54] : memref<8x128xi32, #tpu.memory_space<vmem>> -> memref<1x128xi32, #tpu.memory_space<vmem>>
      %dma_start3A_56 = tpu.memref_squeeze %dma_start3A_55 : memref<1x128xi32, #tpu.memory_space<vmem>> -> memref<128xi32, #tpu.memory_space<vmem>>
      %dma_start3A_57 = arith.constant 0 : i32
      %dma_start3A_58 = arith.constant 0 : i32
      %dma_start3A_59 = tpu.memref_slice %arg2[%dma_start3A_57, %dma_start3A_58] : memref<10000x128xf32, #tpu.memory_space<hbm>> -> memref<10000x128xf32, #tpu.memory_space<hbm>>
      tpu.enqueue_indirect_dma source(%dma_start3A_59 : memref<10000x128xf32, #tpu.memory_space<hbm>>) target(%dma_start3A_53 : memref<128x128xf32, #tpu.memory_space<vmem>>) offsets(%dma_start3A_56 : memref<128xi32, #tpu.memory_space<vmem>>) semaphore(%arg11 : memref<!tpu.dma_semaphore, #tpu.memory_space<semaphore_mem>>)
      %dma_wait3A = arith.constant 0 : i32
      %dma_wait3A_60 = arith.constant 0 : i32
      %dma_wait3A_61 = arith.constant 0 : i32
      %dma_wait3A_62 = tpu.memref_slice %arg9[%dma_wait3A_60, %dma_wait3A_61] : memref<256x128xf32, #tpu.memory_space<vmem>> -> memref<128x128xf32, #tpu.memory_space<vmem>>
      %dma_wait3A_63 = arith.constant 0 : i32
      %dma_wait3A_64 = tpu.memref_slice %arg7[%dma_wait3A, %dma_wait3A_63] : memref<8x128xi32, #tpu.memory_space<vmem>> -> memref<1x128xi32, #tpu.memory_space<vmem>>
      %dma_wait3A_65 = tpu.memref_squeeze %dma_wait3A_64 : memref<1x128xi32, #tpu.memory_space<vmem>> -> memref<128xi32, #tpu.memory_space<vmem>>
      %dma_wait3A_66 = arith.constant 0 : i32
      %dma_wait3A_67 = arith.constant 0 : i32
      %dma_wait3A_68 = tpu.memref_slice %arg2[%dma_wait3A_66, %dma_wait3A_67] : memref<10000x128xf32, #tpu.memory_space<hbm>> -> memref<10000x128xf32, #tpu.memory_space<hbm>>
      tpu.wait_indirect_dma semaphore(%arg11 : memref<!tpu.dma_semaphore, #tpu.memory_space<semaphore_mem>>) src(%dma_wait3A_68 : memref<10000x128xf32, #tpu.memory_space<hbm>>) dst(%dma_wait3A_62 : memref<128x128xf32, #tpu.memory_space<vmem>>)
      %run_scoped3A = arith.constant 0 : i32
      "tpu.region"() ({
        %run_scoped3A_268 = tpu.sem_alloc : memref<!tpu.dma_semaphore, #tpu.memory_space<semaphore_mem>>
        %dma_start3A_269 = arith.constant 0 : i32
        %dma_start3A_270 = arith.constant 0 : i32
        %dma_start3A_271 = tpu.memref_slice %arg9[%dma_start3A_269, %dma_start3A_270] : memref<256x128xf32, #tpu.memory_space<vmem>> -> memref<128x128xf32, #tpu.memory_space<vmem>>
        %dma_start3A_272 = arith.constant 0 : i32
        %dma_start3A_273 = tpu.memref_slice %arg8[%run_scoped3A, %dma_start3A_272] : memref<8x128xi32, #tpu.memory_space<vmem>> -> memref<1x128xi32, #tpu.memory_space<vmem>>
        %dma_start3A_274 = tpu.memref_squeeze %dma_start3A_273 : memref<1x128xi32, #tpu.memory_space<vmem>> -> memref<128xi32, #tpu.memory_space<vmem>>
        %dma_start3A_275 = arith.constant 0 : i32
        %dma_start3A_276 = arith.constant 0 : i32
        %dma_start3A_277 = tpu.memref_slice %arg10[%dma_start3A_275, %dma_start3A_276] : memref<10240x128xf32, #tpu.memory_space<vmem_shared>> -> memref<10240x128xf32, #tpu.memory_space<vmem_shared>>
        tpu.enqueue_indirect_dma source(%dma_start3A_271 : memref<128x128xf32, #tpu.memory_space<vmem>>) target(%dma_start3A_277 : memref<10240x128xf32, #tpu.memory_space<vmem_shared>>) offsets(%dma_start3A_274 : memref<128xi32, #tpu.memory_space<vmem>>) semaphore(%run_scoped3A_268 : memref<!tpu.dma_semaphore, #tpu.memory_space<semaphore_mem>>) {add = true}
        %dma_wait3A_278 = arith.constant 0 : i32
        %dma_wait3A_279 = arith.constant 0 : i32
        %dma_wait3A_280 = tpu.memref_slice %arg9[%dma_wait3A_278, %dma_wait3A_279] : memref<256x128xf32, #tpu.memory_space<vmem>> -> memref<128x128xf32, #tpu.memory_space<vmem>>
        %dma_wait3A_281 = arith.constant 0 : i32
        %dma_wait3A_282 = tpu.memref_slice %arg8[%run_scoped3A, %dma_wait3A_281] : memref<8x128xi32, #tpu.memory_space<vmem>> -> memref<1x128xi32, #tpu.memory_space<vmem>>
        %dma_wait3A_283 = tpu.memref_squeeze %dma_wait3A_282 : memref<1x128xi32, #tpu.memory_space<vmem>> -> memref<128xi32, #tpu.memory_space<vmem>>
        %dma_wait3A_284 = arith.constant 0 : i32
        %dma_wait3A_285 = arith.constant 0 : i32
        %dma_wait3A_286 = tpu.memref_slice %arg10[%dma_wait3A_284, %dma_wait3A_285] : memref<10240x128xf32, #tpu.memory_space<vmem_shared>> -> memref<10240x128xf32, #tpu.memory_space<vmem_shared>>
        tpu.wait_indirect_dma semaphore(%run_scoped3A_268 : memref<!tpu.dma_semaphore, #tpu.memory_space<semaphore_mem>>) src(%dma_wait3A_280 : memref<128x128xf32, #tpu.memory_space<vmem>>) dst(%dma_wait3A_286 : memref<10240x128xf32, #tpu.memory_space<vmem_shared>>)
        tpu.yield
      }) : () -> ()
      %dma_start3A_69 = arith.constant 2 : i32
      %dma_start3A_70 = arith.constant 0 : i32
      %dma_start3A_71 = arith.constant 0 : i32
      %dma_start3A_72 = tpu.memref_slice %arg9[%dma_start3A_70, %dma_start3A_71] : memref<256x128xf32, #tpu.memory_space<vmem>> -> memref<128x128xf32, #tpu.memory_space<vmem>>
      %dma_start3A_73 = arith.constant 0 : i32
      %dma_start3A_74 = tpu.memref_slice %arg7[%dma_start3A_69, %dma_start3A_73] : memref<8x128xi32, #tpu.memory_space<vmem>> -> memref<1x128xi32, #tpu.memory_space<vmem>>
      %dma_start3A_75 = tpu.memref_squeeze %dma_start3A_74 : memref<1x128xi32, #tpu.memory_space<vmem>> -> memref<128xi32, #tpu.memory_space<vmem>>
      %dma_start3A_76 = arith.constant 0 : i32
      %dma_start3A_77 = arith.constant 0 : i32
      %dma_start3A_78 = tpu.memref_slice %arg2[%dma_start3A_76, %dma_start3A_77] : memref<10000x128xf32, #tpu.memory_space<hbm>> -> memref<10000x128xf32, #tpu.memory_space<hbm>>
      tpu.enqueue_indirect_dma source(%dma_start3A_78 : memref<10000x128xf32, #tpu.memory_space<hbm>>) target(%dma_start3A_72 : memref<128x128xf32, #tpu.memory_space<vmem>>) offsets(%dma_start3A_75 : memref<128xi32, #tpu.memory_space<vmem>>) semaphore(%arg11 : memref<!tpu.dma_semaphore, #tpu.memory_space<semaphore_mem>>)
      %dma_wait3A_79 = arith.constant 1 : i32
      %dma_wait3A_80 = arith.constant 128 : i32
      %dma_wait3A_81 = arith.constant 0 : i32
      %dma_wait3A_82 = tpu.memref_slice %arg9[%dma_wait3A_80, %dma_wait3A_81] : memref<256x128xf32, #tpu.memory_space<vmem>> -> memref<128x128xf32, #tpu.memory_space<vmem>>
      %dma_wait3A_83 = arith.constant 0 : i32
      %dma_wait3A_84 = tpu.memref_slice %arg7[%dma_wait3A_79, %dma_wait3A_83] : memref<8x128xi32, #tpu.memory_space<vmem>> -> memref<1x128xi32, #tpu.memory_space<vmem>>
      %dma_wait3A_85 = tpu.memref_squeeze %dma_wait3A_84 : memref<1x128xi32, #tpu.memory_space<vmem>> -> memref<128xi32, #tpu.memory_space<vmem>>
      %dma_wait3A_86 = arith.constant 0 : i32
      %dma_wait3A_87 = arith.constant 0 : i32
      %dma_wait3A_88 = tpu.memref_slice %arg2[%dma_wait3A_86, %dma_wait3A_87] : memref<10000x128xf32, #tpu.memory_space<hbm>> -> memref<10000x128xf32, #tpu.memory_space<hbm>>
      tpu.wait_indirect_dma semaphore(%arg11 : memref<!tpu.dma_semaphore, #tpu.memory_space<semaphore_mem>>) src(%dma_wait3A_88 : memref<10000x128xf32, #tpu.memory_space<hbm>>) dst(%dma_wait3A_82 : memref<128x128xf32, #tpu.memory_space<vmem>>)
      %run_scoped3A_89 = arith.constant 1 : i32
      "tpu.region"() ({
        %run_scoped3A_268 = tpu.sem_alloc : memref<!tpu.dma_semaphore, #tpu.memory_space<semaphore_mem>>
        %dma_start3A_269 = arith.constant 128 : i32
        %dma_start3A_270 = arith.constant 0 : i32
        %dma_start3A_271 = tpu.memref_slice %arg9[%dma_start3A_269, %dma_start3A_270] : memref<256x128xf32, #tpu.memory_space<vmem>> -> memref<128x128xf32, #tpu.memory_space<vmem>>
        %dma_start3A_272 = arith.constant 0 : i32
        %dma_start3A_273 = tpu.memref_slice %arg8[%run_scoped3A_89, %dma_start3A_272] : memref<8x128xi32, #tpu.memory_space<vmem>> -> memref<1x128xi32, #tpu.memory_space<vmem>>
        %dma_start3A_274 = tpu.memref_squeeze %dma_start3A_273 : memref<1x128xi32, #tpu.memory_space<vmem>> -> memref<128xi32, #tpu.memory_space<vmem>>
        %dma_start3A_275 = arith.constant 0 : i32
        %dma_start3A_276 = arith.constant 0 : i32
        %dma_start3A_277 = tpu.memref_slice %arg10[%dma_start3A_275, %dma_start3A_276] : memref<10240x128xf32, #tpu.memory_space<vmem_shared>> -> memref<10240x128xf32, #tpu.memory_space<vmem_shared>>
        tpu.enqueue_indirect_dma source(%dma_start3A_271 : memref<128x128xf32, #tpu.memory_space<vmem>>) target(%dma_start3A_277 : memref<10240x128xf32, #tpu.memory_space<vmem_shared>>) offsets(%dma_start3A_274 : memref<128xi32, #tpu.memory_space<vmem>>) semaphore(%run_scoped3A_268 : memref<!tpu.dma_semaphore, #tpu.memory_space<semaphore_mem>>) {add = true}
        %dma_wait3A_278 = arith.constant 128 : i32
        %dma_wait3A_279 = arith.constant 0 : i32
        %dma_wait3A_280 = tpu.memref_slice %arg9[%dma_wait3A_278, %dma_wait3A_279] : memref<256x128xf32, #tpu.memory_space<vmem>> -> memref<128x128xf32, #tpu.memory_space<vmem>>
        %dma_wait3A_281 = arith.constant 0 : i32
        %dma_wait3A_282 = tpu.memref_slice %arg8[%run_scoped3A_89, %dma_wait3A_281] : memref<8x128xi32, #tpu.memory_space<vmem>> -> memref<1x128xi32, #tpu.memory_space<vmem>>
        %dma_wait3A_283 = tpu.memref_squeeze %dma_wait3A_282 : memref<1x128xi32, #tpu.memory_space<vmem>> -> memref<128xi32, #tpu.memory_space<vmem>>
        %dma_wait3A_284 = arith.constant 0 : i32
        %dma_wait3A_285 = arith.constant 0 : i32
        %dma_wait3A_286 = tpu.memref_slice %arg10[%dma_wait3A_284, %dma_wait3A_285] : memref<10240x128xf32, #tpu.memory_space<vmem_shared>> -> memref<10240x128xf32, #tpu.memory_space<vmem_shared>>
        tpu.wait_indirect_dma semaphore(%run_scoped3A_268 : memref<!tpu.dma_semaphore, #tpu.memory_space<semaphore_mem>>) src(%dma_wait3A_280 : memref<128x128xf32, #tpu.memory_space<vmem>>) dst(%dma_wait3A_286 : memref<10240x128xf32, #tpu.memory_space<vmem_shared>>)
        tpu.yield
      }) : () -> ()
      %dma_start3A_90 = arith.constant 3 : i32
      %dma_start3A_91 = arith.constant 128 : i32
      %dma_start3A_92 = arith.constant 0 : i32
      %dma_start3A_93 = tpu.memref_slice %arg9[%dma_start3A_91, %dma_start3A_92] : memref<256x128xf32, #tpu.memory_space<vmem>> -> memref<128x128xf32, #tpu.memory_space<vmem>>
      %dma_start3A_94 = arith.constant 0 : i32
      %dma_start3A_95 = tpu.memref_slice %arg7[%dma_start3A_90, %dma_start3A_94] : memref<8x128xi32, #tpu.memory_space<vmem>> -> memref<1x128xi32, #tpu.memory_space<vmem>>
      %dma_start3A_96 = tpu.memref_squeeze %dma_start3A_95 : memref<1x128xi32, #tpu.memory_space<vmem>> -> memref<128xi32, #tpu.memory_space<vmem>>
      %dma_start3A_97 = arith.constant 0 : i32
      %dma_start3A_98 = arith.constant 0 : i32
      %dma_start3A_99 = tpu.memref_slice %arg2[%dma_start3A_97, %dma_start3A_98] : memref<10000x128xf32, #tpu.memory_space<hbm>> -> memref<10000x128xf32, #tpu.memory_space<hbm>>
      tpu.enqueue_indirect_dma source(%dma_start3A_99 : memref<10000x128xf32, #tpu.memory_space<hbm>>) target(%dma_start3A_93 : memref<128x128xf32, #tpu.memory_space<vmem>>) offsets(%dma_start3A_96 : memref<128xi32, #tpu.memory_space<vmem>>) semaphore(%arg11 : memref<!tpu.dma_semaphore, #tpu.memory_space<semaphore_mem>>)
      %dma_wait3A_100 = arith.constant 2 : i32
      %dma_wait3A_101 = arith.constant 0 : i32
      %dma_wait3A_102 = arith.constant 0 : i32
      %dma_wait3A_103 = tpu.memref_slice %arg9[%dma_wait3A_101, %dma_wait3A_102] : memref<256x128xf32, #tpu.memory_space<vmem>> -> memref<128x128xf32, #tpu.memory_space<vmem>>
      %dma_wait3A_104 = arith.constant 0 : i32
      %dma_wait3A_105 = tpu.memref_slice %arg7[%dma_wait3A_100, %dma_wait3A_104] : memref<8x128xi32, #tpu.memory_space<vmem>> -> memref<1x128xi32, #tpu.memory_space<vmem>>
      %dma_wait3A_106 = tpu.memref_squeeze %dma_wait3A_105 : memref<1x128xi32, #tpu.memory_space<vmem>> -> memref<128xi32, #tpu.memory_space<vmem>>
      %dma_wait3A_107 = arith.constant 0 : i32
      %dma_wait3A_108 = arith.constant 0 : i32
      %dma_wait3A_109 = tpu.memref_slice %arg2[%dma_wait3A_107, %dma_wait3A_108] : memref<10000x128xf32, #tpu.memory_space<hbm>> -> memref<10000x128xf32, #tpu.memory_space<hbm>>
      tpu.wait_indirect_dma semaphore(%arg11 : memref<!tpu.dma_semaphore, #tpu.memory_space<semaphore_mem>>) src(%dma_wait3A_109 : memref<10000x128xf32, #tpu.memory_space<hbm>>) dst(%dma_wait3A_103 : memref<128x128xf32, #tpu.memory_space<vmem>>)
      %run_scoped3A_110 = arith.constant 2 : i32
      "tpu.region"() ({
        %run_scoped3A_268 = tpu.sem_alloc : memref<!tpu.dma_semaphore, #tpu.memory_space<semaphore_mem>>
        %dma_start3A_269 = arith.constant 0 : i32
        %dma_start3A_270 = arith.constant 0 : i32
        %dma_start3A_271 = tpu.memref_slice %arg9[%dma_start3A_269, %dma_start3A_270] : memref<256x128xf32, #tpu.memory_space<vmem>> -> memref<128x128xf32, #tpu.memory_space<vmem>>
        %dma_start3A_272 = arith.constant 0 : i32
        %dma_start3A_273 = tpu.memref_slice %arg8[%run_scoped3A_110, %dma_start3A_272] : memref<8x128xi32, #tpu.memory_space<vmem>> -> memref<1x128xi32, #tpu.memory_space<vmem>>
        %dma_start3A_274 = tpu.memref_squeeze %dma_start3A_273 : memref<1x128xi32, #tpu.memory_space<vmem>> -> memref<128xi32, #tpu.memory_space<vmem>>
        %dma_start3A_275 = arith.constant 0 : i32
        %dma_start3A_276 = arith.constant 0 : i32
        %dma_start3A_277 = tpu.memref_slice %arg10[%dma_start3A_275, %dma_start3A_276] : memref<10240x128xf32, #tpu.memory_space<vmem_shared>> -> memref<10240x128xf32, #tpu.memory_space<vmem_shared>>
        tpu.enqueue_indirect_dma source(%dma_start3A_271 : memref<128x128xf32, #tpu.memory_space<vmem>>) target(%dma_start3A_277 : memref<10240x128xf32, #tpu.memory_space<vmem_shared>>) offsets(%dma_start3A_274 : memref<128xi32, #tpu.memory_space<vmem>>) semaphore(%run_scoped3A_268 : memref<!tpu.dma_semaphore, #tpu.memory_space<semaphore_mem>>) {add = true}
        %dma_wait3A_278 = arith.constant 0 : i32
        %dma_wait3A_279 = arith.constant 0 : i32
        %dma_wait3A_280 = tpu.memref_slice %arg9[%dma_wait3A_278, %dma_wait3A_279] : memref<256x128xf32, #tpu.memory_space<vmem>> -> memref<128x128xf32, #tpu.memory_space<vmem>>
        %dma_wait3A_281 = arith.constant 0 : i32
        %dma_wait3A_282 = tpu.memref_slice %arg8[%run_scoped3A_110, %dma_wait3A_281] : memref<8x128xi32, #tpu.memory_space<vmem>> -> memref<1x128xi32, #tpu.memory_space<vmem>>
        %dma_wait3A_283 = tpu.memref_squeeze %dma_wait3A_282 : memref<1x128xi32, #tpu.memory_space<vmem>> -> memref<128xi32, #tpu.memory_space<vmem>>
        %dma_wait3A_284 = arith.constant 0 : i32
        %dma_wait3A_285 = arith.constant 0 : i32
        %dma_wait3A_286 = tpu.memref_slice %arg10[%dma_wait3A_284, %dma_wait3A_285] : memref<10240x128xf32, #tpu.memory_space<vmem_shared>> -> memref<10240x128xf32, #tpu.memory_space<vmem_shared>>
        tpu.wait_indirect_dma semaphore(%run_scoped3A_268 : memref<!tpu.dma_semaphore, #tpu.memory_space<semaphore_mem>>) src(%dma_wait3A_280 : memref<128x128xf32, #tpu.memory_space<vmem>>) dst(%dma_wait3A_286 : memref<10240x128xf32, #tpu.memory_space<vmem_shared>>)
        tpu.yield
      }) : () -> ()
      %dma_wait3A_111 = arith.constant 3 : i32
      %dma_wait3A_112 = arith.constant 128 : i32
      %dma_wait3A_113 = arith.constant 0 : i32
      %dma_wait3A_114 = tpu.memref_slice %arg9[%dma_wait3A_112, %dma_wait3A_113] : memref<256x128xf32, #tpu.memory_space<vmem>> -> memref<128x128xf32, #tpu.memory_space<vmem>>
      %dma_wait3A_115 = arith.constant 0 : i32
      %dma_wait3A_116 = tpu.memref_slice %arg7[%dma_wait3A_111, %dma_wait3A_115] : memref<8x128xi32, #tpu.memory_space<vmem>> -> memref<1x128xi32, #tpu.memory_space<vmem>>
      %dma_wait3A_117 = tpu.memref_squeeze %dma_wait3A_116 : memref<1x128xi32, #tpu.memory_space<vmem>> -> memref<128xi32, #tpu.memory_space<vmem>>
      %dma_wait3A_118 = arith.constant 0 : i32
      %dma_wait3A_119 = arith.constant 0 : i32
      %dma_wait3A_120 = tpu.memref_slice %arg2[%dma_wait3A_118, %dma_wait3A_119] : memref<10000x128xf32, #tpu.memory_space<hbm>> -> memref<10000x128xf32, #tpu.memory_space<hbm>>
      tpu.wait_indirect_dma semaphore(%arg11 : memref<!tpu.dma_semaphore, #tpu.memory_space<semaphore_mem>>) src(%dma_wait3A_120 : memref<10000x128xf32, #tpu.memory_space<hbm>>) dst(%dma_wait3A_114 : memref<128x128xf32, #tpu.memory_space<vmem>>)
      %run_scoped3A_121 = arith.constant 3 : i32
      "tpu.region"() ({
        %run_scoped3A_268 = tpu.sem_alloc : memref<!tpu.dma_semaphore, #tpu.memory_space<semaphore_mem>>
        %dma_start3A_269 = arith.constant 128 : i32
        %dma_start3A_270 = arith.constant 0 : i32
        %dma_start3A_271 = tpu.memref_slice %arg9[%dma_start3A_269, %dma_start3A_270] : memref<256x128xf32, #tpu.memory_space<vmem>> -> memref<128x128xf32, #tpu.memory_space<vmem>>
        %dma_start3A_272 = arith.constant 0 : i32
        %dma_start3A_273 = tpu.memref_slice %arg8[%run_scoped3A_121, %dma_start3A_272] : memref<8x128xi32, #tpu.memory_space<vmem>> -> memref<1x128xi32, #tpu.memory_space<vmem>>
        %dma_start3A_274 = tpu.memref_squeeze %dma_start3A_273 : memref<1x128xi32, #tpu.memory_space<vmem>> -> memref<128xi32, #tpu.memory_space<vmem>>
        %dma_start3A_275 = arith.constant 0 : i32
        %dma_start3A_276 = arith.constant 0 : i32
        %dma_start3A_277 = tpu.memref_slice %arg10[%dma_start3A_275, %dma_start3A_276] : memref<10240x128xf32, #tpu.memory_space<vmem_shared>> -> memref<10240x128xf32, #tpu.memory_space<vmem_shared>>
        tpu.enqueue_indirect_dma source(%dma_start3A_271 : memref<128x128xf32, #tpu.memory_space<vmem>>) target(%dma_start3A_277 : memref<10240x128xf32, #tpu.memory_space<vmem_shared>>) offsets(%dma_start3A_274 : memref<128xi32, #tpu.memory_space<vmem>>) semaphore(%run_scoped3A_268 : memref<!tpu.dma_semaphore, #tpu.memory_space<semaphore_mem>>) {add = true}
        %dma_wait3A_278 = arith.constant 128 : i32
        %dma_wait3A_279 = arith.constant 0 : i32
        %dma_wait3A_280 = tpu.memref_slice %arg9[%dma_wait3A_278, %dma_wait3A_279] : memref<256x128xf32, #tpu.memory_space<vmem>> -> memref<128x128xf32, #tpu.memory_space<vmem>>
        %dma_wait3A_281 = arith.constant 0 : i32
        %dma_wait3A_282 = tpu.memref_slice %arg8[%run_scoped3A_121, %dma_wait3A_281] : memref<8x128xi32, #tpu.memory_space<vmem>> -> memref<1x128xi32, #tpu.memory_space<vmem>>
        %dma_wait3A_283 = tpu.memref_squeeze %dma_wait3A_282 : memref<1x128xi32, #tpu.memory_space<vmem>> -> memref<128xi32, #tpu.memory_space<vmem>>
        %dma_wait3A_284 = arith.constant 0 : i32
        %dma_wait3A_285 = arith.constant 0 : i32
        %dma_wait3A_286 = tpu.memref_slice %arg10[%dma_wait3A_284, %dma_wait3A_285] : memref<10240x128xf32, #tpu.memory_space<vmem_shared>> -> memref<10240x128xf32, #tpu.memory_space<vmem_shared>>
        tpu.wait_indirect_dma semaphore(%run_scoped3A_268 : memref<!tpu.dma_semaphore, #tpu.memory_space<semaphore_mem>>) src(%dma_wait3A_280 : memref<128x128xf32, #tpu.memory_space<vmem>>) dst(%dma_wait3A_286 : memref<10240x128xf32, #tpu.memory_space<vmem_shared>>)
        tpu.yield
      }) : () -> ()
      %dma_wait3A_122 = arith.constant 4 : i32
      %dma_wait3A_123 = arith.constant 0 : i32
      %dma_wait3A_124 = tpu.memref_slice %arg7[%dma_wait3A_122, %dma_wait3A_123] : memref<8x128xi32, #tpu.memory_space<vmem>> -> memref<4x128xi32, #tpu.memory_space<vmem>>
      %dma_wait3A_125 = arith.constant 0 : i32
      %dma_wait3A_126 = tpu.memref_slice %arg3[%add3A_20, %dma_wait3A_125] : memref<2568x128xi32, #tpu.memory_space<hbm>> -> memref<4x128xi32, #tpu.memory_space<hbm>>
      %dma_wait3A_127 = arith.constant 4 : i32
      %dma_wait3A_128 = arith.constant 0 : i32
      %dma_wait3A_129 = tpu.memref_slice %arg7[%dma_wait3A_127, %dma_wait3A_128] : memref<8x128xi32, #tpu.memory_space<vmem>> -> memref<4x128xi32, #tpu.memory_space<vmem>>
      %dma_wait3A_130 = arith.constant 0 : i32
      %dma_wait3A_131 = tpu.memref_slice %arg3[%add3A_20, %dma_wait3A_130] : memref<2568x128xi32, #tpu.memory_space<hbm>> -> memref<4x128xi32, #tpu.memory_space<hbm>>
      tpu.wait_dma2 semaphore(%arg12 : memref<!tpu.dma_semaphore, #tpu.memory_space<semaphore_mem>>) src(%dma_wait3A_131 : memref<4x128xi32, #tpu.memory_space<hbm>>) dst(%dma_wait3A_129 : memref<4x128xi32, #tpu.memory_space<vmem>>)
      %dma_wait3A_132 = arith.constant 4 : i32
      %dma_wait3A_133 = arith.constant 0 : i32
      %dma_wait3A_134 = tpu.memref_slice %arg8[%dma_wait3A_132, %dma_wait3A_133] : memref<8x128xi32, #tpu.memory_space<vmem>> -> memref<4x128xi32, #tpu.memory_space<vmem>>
      %dma_wait3A_135 = arith.constant 0 : i32
      %dma_wait3A_136 = tpu.memref_slice %arg4[%add3A_20, %dma_wait3A_135] : memref<2568x128xi32, #tpu.memory_space<hbm>> -> memref<4x128xi32, #tpu.memory_space<hbm>>
      %dma_wait3A_137 = arith.constant 4 : i32
      %dma_wait3A_138 = arith.constant 0 : i32
      %dma_wait3A_139 = tpu.memref_slice %arg8[%dma_wait3A_137, %dma_wait3A_138] : memref<8x128xi32, #tpu.memory_space<vmem>> -> memref<4x128xi32, #tpu.memory_space<vmem>>
      %dma_wait3A_140 = arith.constant 0 : i32
      %dma_wait3A_141 = tpu.memref_slice %arg4[%add3A_20, %dma_wait3A_140] : memref<2568x128xi32, #tpu.memory_space<hbm>> -> memref<4x128xi32, #tpu.memory_space<hbm>>
      tpu.wait_dma2 semaphore(%arg12 : memref<!tpu.dma_semaphore, #tpu.memory_space<semaphore_mem>>) src(%dma_wait3A_141 : memref<4x128xi32, #tpu.memory_space<hbm>>) dst(%dma_wait3A_139 : memref<4x128xi32, #tpu.memory_space<vmem>>)
      %add3A_142 = arith.constant 8 : i32
      %add3A_143 = arith.addi %add3A_18, %add3A_142 : i32
      %dma_start3A_144 = arith.constant 0 : i32
      %dma_start3A_145 = arith.constant 0 : i32
      %dma_start3A_146 = tpu.memref_slice %arg7[%dma_start3A_144, %dma_start3A_145] : memref<8x128xi32, #tpu.memory_space<vmem>> -> memref<4x128xi32, #tpu.memory_space<vmem>>
      %dma_start3A_147 = arith.constant 0 : i32
      %dma_start3A_148 = tpu.memref_slice %arg3[%add3A_143, %dma_start3A_147] : memref<2568x128xi32, #tpu.memory_space<hbm>> -> memref<4x128xi32, #tpu.memory_space<hbm>>
      %dma_start3A_149 = arith.constant 0 : i32
      %dma_start3A_150 = arith.constant 0 : i32
      %dma_start3A_151 = tpu.memref_slice %arg7[%dma_start3A_149, %dma_start3A_150] : memref<8x128xi32, #tpu.memory_space<vmem>> -> memref<4x128xi32, #tpu.memory_space<vmem>>
      %dma_start3A_152 = arith.constant 0 : i32
      %dma_start3A_153 = tpu.memref_slice %arg3[%add3A_143, %dma_start3A_152] : memref<2568x128xi32, #tpu.memory_space<hbm>> -> memref<4x128xi32, #tpu.memory_space<hbm>>
      tpu.enqueue_dma source(%dma_start3A_153 : memref<4x128xi32, #tpu.memory_space<hbm>>) target(%dma_start3A_151 : memref<4x128xi32, #tpu.memory_space<vmem>>) target_semaphore(%arg12 : memref<!tpu.dma_semaphore, #tpu.memory_space<semaphore_mem>>)
      %dma_start3A_154 = arith.constant 0 : i32
      %dma_start3A_155 = arith.constant 0 : i32
      %dma_start3A_156 = tpu.memref_slice %arg8[%dma_start3A_154, %dma_start3A_155] : memref<8x128xi32, #tpu.memory_space<vmem>> -> memref<4x128xi32, #tpu.memory_space<vmem>>
      %dma_start3A_157 = arith.constant 0 : i32
      %dma_start3A_158 = tpu.memref_slice %arg4[%add3A_143, %dma_start3A_157] : memref<2568x128xi32, #tpu.memory_space<hbm>> -> memref<4x128xi32, #tpu.memory_space<hbm>>
      %dma_start3A_159 = arith.constant 0 : i32
      %dma_start3A_160 = arith.constant 0 : i32
      %dma_start3A_161 = tpu.memref_slice %arg8[%dma_start3A_159, %dma_start3A_160] : memref<8x128xi32, #tpu.memory_space<vmem>> -> memref<4x128xi32, #tpu.memory_space<vmem>>
      %dma_start3A_162 = arith.constant 0 : i32
      %dma_start3A_163 = tpu.memref_slice %arg4[%add3A_143, %dma_start3A_162] : memref<2568x128xi32, #tpu.memory_space<hbm>> -> memref<4x128xi32, #tpu.memory_space<hbm>>
      tpu.enqueue_dma source(%dma_start3A_163 : memref<4x128xi32, #tpu.memory_space<hbm>>) target(%dma_start3A_161 : memref<4x128xi32, #tpu.memory_space<vmem>>) target_semaphore(%arg12 : memref<!tpu.dma_semaphore, #tpu.memory_space<semaphore_mem>>)
      %dma_start3A_164 = arith.constant 4 : i32
      %dma_start3A_165 = arith.constant 0 : i32
      %dma_start3A_166 = arith.constant 0 : i32
      %dma_start3A_167 = tpu.memref_slice %arg9[%dma_start3A_165, %dma_start3A_166] : memref<256x128xf32, #tpu.memory_space<vmem>> -> memref<128x128xf32, #tpu.memory_space<vmem>>
      %dma_start3A_168 = arith.constant 0 : i32
      %dma_start3A_169 = tpu.memref_slice %arg7[%dma_start3A_164, %dma_start3A_168] : memref<8x128xi32, #tpu.memory_space<vmem>> -> memref<1x128xi32, #tpu.memory_space<vmem>>
      %dma_start3A_170 = tpu.memref_squeeze %dma_start3A_169 : memref<1x128xi32, #tpu.memory_space<vmem>> -> memref<128xi32, #tpu.memory_space<vmem>>
      %dma_start3A_171 = arith.constant 0 : i32
      %dma_start3A_172 = arith.constant 0 : i32
      %dma_start3A_173 = tpu.memref_slice %arg2[%dma_start3A_171, %dma_start3A_172] : memref<10000x128xf32, #tpu.memory_space<hbm>> -> memref<10000x128xf32, #tpu.memory_space<hbm>>
      tpu.enqueue_indirect_dma source(%dma_start3A_173 : memref<10000x128xf32, #tpu.memory_space<hbm>>) target(%dma_start3A_167 : memref<128x128xf32, #tpu.memory_space<vmem>>) offsets(%dma_start3A_170 : memref<128xi32, #tpu.memory_space<vmem>>) semaphore(%arg11 : memref<!tpu.dma_semaphore, #tpu.memory_space<semaphore_mem>>)
      %dma_start3A_174 = arith.constant 5 : i32
      %dma_start3A_175 = arith.constant 128 : i32
      %dma_start3A_176 = arith.constant 0 : i32
      %dma_start3A_177 = tpu.memref_slice %arg9[%dma_start3A_175, %dma_start3A_176] : memref<256x128xf32, #tpu.memory_space<vmem>> -> memref<128x128xf32, #tpu.memory_space<vmem>>
      %dma_start3A_178 = arith.constant 0 : i32
      %dma_start3A_179 = tpu.memref_slice %arg7[%dma_start3A_174, %dma_start3A_178] : memref<8x128xi32, #tpu.memory_space<vmem>> -> memref<1x128xi32, #tpu.memory_space<vmem>>
      %dma_start3A_180 = tpu.memref_squeeze %dma_start3A_179 : memref<1x128xi32, #tpu.memory_space<vmem>> -> memref<128xi32, #tpu.memory_space<vmem>>
      %dma_start3A_181 = arith.constant 0 : i32
      %dma_start3A_182 = arith.constant 0 : i32
      %dma_start3A_183 = tpu.memref_slice %arg2[%dma_start3A_181, %dma_start3A_182] : memref<10000x128xf32, #tpu.memory_space<hbm>> -> memref<10000x128xf32, #tpu.memory_space<hbm>>
      tpu.enqueue_indirect_dma source(%dma_start3A_183 : memref<10000x128xf32, #tpu.memory_space<hbm>>) target(%dma_start3A_177 : memref<128x128xf32, #tpu.memory_space<vmem>>) offsets(%dma_start3A_180 : memref<128xi32, #tpu.memory_space<vmem>>) semaphore(%arg11 : memref<!tpu.dma_semaphore, #tpu.memory_space<semaphore_mem>>)
      %dma_wait3A_184 = arith.constant 4 : i32
      %dma_wait3A_185 = arith.constant 0 : i32
      %dma_wait3A_186 = arith.constant 0 : i32
      %dma_wait3A_187 = tpu.memref_slice %arg9[%dma_wait3A_185, %dma_wait3A_186] : memref<256x128xf32, #tpu.memory_space<vmem>> -> memref<128x128xf32, #tpu.memory_space<vmem>>
      %dma_wait3A_188 = arith.constant 0 : i32
      %dma_wait3A_189 = tpu.memref_slice %arg7[%dma_wait3A_184, %dma_wait3A_188] : memref<8x128xi32, #tpu.memory_space<vmem>> -> memref<1x128xi32, #tpu.memory_space<vmem>>
      %dma_wait3A_190 = tpu.memref_squeeze %dma_wait3A_189 : memref<1x128xi32, #tpu.memory_space<vmem>> -> memref<128xi32, #tpu.memory_space<vmem>>
      %dma_wait3A_191 = arith.constant 0 : i32
      %dma_wait3A_192 = arith.constant 0 : i32
      %dma_wait3A_193 = tpu.memref_slice %arg2[%dma_wait3A_191, %dma_wait3A_192] : memref<10000x128xf32, #tpu.memory_space<hbm>> -> memref<10000x128xf32, #tpu.memory_space<hbm>>
      tpu.wait_indirect_dma semaphore(%arg11 : memref<!tpu.dma_semaphore, #tpu.memory_space<semaphore_mem>>) src(%dma_wait3A_193 : memref<10000x128xf32, #tpu.memory_space<hbm>>) dst(%dma_wait3A_187 : memref<128x128xf32, #tpu.memory_space<vmem>>)
      %run_scoped3A_194 = arith.constant 4 : i32
      "tpu.region"() ({
        %run_scoped3A_268 = tpu.sem_alloc : memref<!tpu.dma_semaphore, #tpu.memory_space<semaphore_mem>>
        %dma_start3A_269 = arith.constant 0 : i32
        %dma_start3A_270 = arith.constant 0 : i32
        %dma_start3A_271 = tpu.memref_slice %arg9[%dma_start3A_269, %dma_start3A_270] : memref<256x128xf32, #tpu.memory_space<vmem>> -> memref<128x128xf32, #tpu.memory_space<vmem>>
        %dma_start3A_272 = arith.constant 0 : i32
        %dma_start3A_273 = tpu.memref_slice %arg8[%run_scoped3A_194, %dma_start3A_272] : memref<8x128xi32, #tpu.memory_space<vmem>> -> memref<1x128xi32, #tpu.memory_space<vmem>>
        %dma_start3A_274 = tpu.memref_squeeze %dma_start3A_273 : memref<1x128xi32, #tpu.memory_space<vmem>> -> memref<128xi32, #tpu.memory_space<vmem>>
        %dma_start3A_275 = arith.constant 0 : i32
        %dma_start3A_276 = arith.constant 0 : i32
        %dma_start3A_277 = tpu.memref_slice %arg10[%dma_start3A_275, %dma_start3A_276] : memref<10240x128xf32, #tpu.memory_space<vmem_shared>> -> memref<10240x128xf32, #tpu.memory_space<vmem_shared>>
        tpu.enqueue_indirect_dma source(%dma_start3A_271 : memref<128x128xf32, #tpu.memory_space<vmem>>) target(%dma_start3A_277 : memref<10240x128xf32, #tpu.memory_space<vmem_shared>>) offsets(%dma_start3A_274 : memref<128xi32, #tpu.memory_space<vmem>>) semaphore(%run_scoped3A_268 : memref<!tpu.dma_semaphore, #tpu.memory_space<semaphore_mem>>) {add = true}
        %dma_wait3A_278 = arith.constant 0 : i32
        %dma_wait3A_279 = arith.constant 0 : i32
        %dma_wait3A_280 = tpu.memref_slice %arg9[%dma_wait3A_278, %dma_wait3A_279] : memref<256x128xf32, #tpu.memory_space<vmem>> -> memref<128x128xf32, #tpu.memory_space<vmem>>
        %dma_wait3A_281 = arith.constant 0 : i32
        %dma_wait3A_282 = tpu.memref_slice %arg8[%run_scoped3A_194, %dma_wait3A_281] : memref<8x128xi32, #tpu.memory_space<vmem>> -> memref<1x128xi32, #tpu.memory_space<vmem>>
        %dma_wait3A_283 = tpu.memref_squeeze %dma_wait3A_282 : memref<1x128xi32, #tpu.memory_space<vmem>> -> memref<128xi32, #tpu.memory_space<vmem>>
        %dma_wait3A_284 = arith.constant 0 : i32
        %dma_wait3A_285 = arith.constant 0 : i32
        %dma_wait3A_286 = tpu.memref_slice %arg10[%dma_wait3A_284, %dma_wait3A_285] : memref<10240x128xf32, #tpu.memory_space<vmem_shared>> -> memref<10240x128xf32, #tpu.memory_space<vmem_shared>>
        tpu.wait_indirect_dma semaphore(%run_scoped3A_268 : memref<!tpu.dma_semaphore, #tpu.memory_space<semaphore_mem>>) src(%dma_wait3A_280 : memref<128x128xf32, #tpu.memory_space<vmem>>) dst(%dma_wait3A_286 : memref<10240x128xf32, #tpu.memory_space<vmem_shared>>)
        tpu.yield
      }) : () -> ()
      %dma_start3A_195 = arith.constant 6 : i32
      %dma_start3A_196 = arith.constant 0 : i32
      %dma_start3A_197 = arith.constant 0 : i32
      %dma_start3A_198 = tpu.memref_slice %arg9[%dma_start3A_196, %dma_start3A_197] : memref<256x128xf32, #tpu.memory_space<vmem>> -> memref<128x128xf32, #tpu.memory_space<vmem>>
      %dma_start3A_199 = arith.constant 0 : i32
      %dma_start3A_200 = tpu.memref_slice %arg7[%dma_start3A_195, %dma_start3A_199] : memref<8x128xi32, #tpu.memory_space<vmem>> -> memref<1x128xi32, #tpu.memory_space<vmem>>
      %dma_start3A_201 = tpu.memref_squeeze %dma_start3A_200 : memref<1x128xi32, #tpu.memory_space<vmem>> -> memref<128xi32, #tpu.memory_space<vmem>>
      %dma_start3A_202 = arith.constant 0 : i32
      %dma_start3A_203 = arith.constant 0 : i32
      %dma_start3A_204 = tpu.memref_slice %arg2[%dma_start3A_202, %dma_start3A_203] : memref<10000x128xf32, #tpu.memory_space<hbm>> -> memref<10000x128xf32, #tpu.memory_space<hbm>>
      tpu.enqueue_indirect_dma source(%dma_start3A_204 : memref<10000x128xf32, #tpu.memory_space<hbm>>) target(%dma_start3A_198 : memref<128x128xf32, #tpu.memory_space<vmem>>) offsets(%dma_start3A_201 : memref<128xi32, #tpu.memory_space<vmem>>) semaphore(%arg11 : memref<!tpu.dma_semaphore, #tpu.memory_space<semaphore_mem>>)
      %dma_wait3A_205 = arith.constant 5 : i32
      %dma_wait3A_206 = arith.constant 128 : i32
      %dma_wait3A_207 = arith.constant 0 : i32
      %dma_wait3A_208 = tpu.memref_slice %arg9[%dma_wait3A_206, %dma_wait3A_207] : memref<256x128xf32, #tpu.memory_space<vmem>> -> memref<128x128xf32, #tpu.memory_space<vmem>>
      %dma_wait3A_209 = arith.constant 0 : i32
      %dma_wait3A_210 = tpu.memref_slice %arg7[%dma_wait3A_205, %dma_wait3A_209] : memref<8x128xi32, #tpu.memory_space<vmem>> -> memref<1x128xi32, #tpu.memory_space<vmem>>
      %dma_wait3A_211 = tpu.memref_squeeze %dma_wait3A_210 : memref<1x128xi32, #tpu.memory_space<vmem>> -> memref<128xi32, #tpu.memory_space<vmem>>
      %dma_wait3A_212 = arith.constant 0 : i32
      %dma_wait3A_213 = arith.constant 0 : i32
      %dma_wait3A_214 = tpu.memref_slice %arg2[%dma_wait3A_212, %dma_wait3A_213] : memref<10000x128xf32, #tpu.memory_space<hbm>> -> memref<10000x128xf32, #tpu.memory_space<hbm>>
      tpu.wait_indirect_dma semaphore(%arg11 : memref<!tpu.dma_semaphore, #tpu.memory_space<semaphore_mem>>) src(%dma_wait3A_214 : memref<10000x128xf32, #tpu.memory_space<hbm>>) dst(%dma_wait3A_208 : memref<128x128xf32, #tpu.memory_space<vmem>>)
      %run_scoped3A_215 = arith.constant 5 : i32
      "tpu.region"() ({
        %run_scoped3A_268 = tpu.sem_alloc : memref<!tpu.dma_semaphore, #tpu.memory_space<semaphore_mem>>
        %dma_start3A_269 = arith.constant 128 : i32
        %dma_start3A_270 = arith.constant 0 : i32
        %dma_start3A_271 = tpu.memref_slice %arg9[%dma_start3A_269, %dma_start3A_270] : memref<256x128xf32, #tpu.memory_space<vmem>> -> memref<128x128xf32, #tpu.memory_space<vmem>>
        %dma_start3A_272 = arith.constant 0 : i32
        %dma_start3A_273 = tpu.memref_slice %arg8[%run_scoped3A_215, %dma_start3A_272] : memref<8x128xi32, #tpu.memory_space<vmem>> -> memref<1x128xi32, #tpu.memory_space<vmem>>
        %dma_start3A_274 = tpu.memref_squeeze %dma_start3A_273 : memref<1x128xi32, #tpu.memory_space<vmem>> -> memref<128xi32, #tpu.memory_space<vmem>>
        %dma_start3A_275 = arith.constant 0 : i32
        %dma_start3A_276 = arith.constant 0 : i32
        %dma_start3A_277 = tpu.memref_slice %arg10[%dma_start3A_275, %dma_start3A_276] : memref<10240x128xf32, #tpu.memory_space<vmem_shared>> -> memref<10240x128xf32, #tpu.memory_space<vmem_shared>>
        tpu.enqueue_indirect_dma source(%dma_start3A_271 : memref<128x128xf32, #tpu.memory_space<vmem>>) target(%dma_start3A_277 : memref<10240x128xf32, #tpu.memory_space<vmem_shared>>) offsets(%dma_start3A_274 : memref<128xi32, #tpu.memory_space<vmem>>) semaphore(%run_scoped3A_268 : memref<!tpu.dma_semaphore, #tpu.memory_space<semaphore_mem>>) {add = true}
        %dma_wait3A_278 = arith.constant 128 : i32
        %dma_wait3A_279 = arith.constant 0 : i32
        %dma_wait3A_280 = tpu.memref_slice %arg9[%dma_wait3A_278, %dma_wait3A_279] : memref<256x128xf32, #tpu.memory_space<vmem>> -> memref<128x128xf32, #tpu.memory_space<vmem>>
        %dma_wait3A_281 = arith.constant 0 : i32
        %dma_wait3A_282 = tpu.memref_slice %arg8[%run_scoped3A_215, %dma_wait3A_281] : memref<8x128xi32, #tpu.memory_space<vmem>> -> memref<1x128xi32, #tpu.memory_space<vmem>>
        %dma_wait3A_283 = tpu.memref_squeeze %dma_wait3A_282 : memref<1x128xi32, #tpu.memory_space<vmem>> -> memref<128xi32, #tpu.memory_space<vmem>>
        %dma_wait3A_284 = arith.constant 0 : i32
        %dma_wait3A_285 = arith.constant 0 : i32
        %dma_wait3A_286 = tpu.memref_slice %arg10[%dma_wait3A_284, %dma_wait3A_285] : memref<10240x128xf32, #tpu.memory_space<vmem_shared>> -> memref<10240x128xf32, #tpu.memory_space<vmem_shared>>
        tpu.wait_indirect_dma semaphore(%run_scoped3A_268 : memref<!tpu.dma_semaphore, #tpu.memory_space<semaphore_mem>>) src(%dma_wait3A_280 : memref<128x128xf32, #tpu.memory_space<vmem>>) dst(%dma_wait3A_286 : memref<10240x128xf32, #tpu.memory_space<vmem_shared>>)
        tpu.yield
      }) : () -> ()
      %dma_start3A_216 = arith.constant 7 : i32
      %dma_start3A_217 = arith.constant 128 : i32
      %dma_start3A_218 = arith.constant 0 : i32
      %dma_start3A_219 = tpu.memref_slice %arg9[%dma_start3A_217, %dma_start3A_218] : memref<256x128xf32, #tpu.memory_space<vmem>> -> memref<128x128xf32, #tpu.memory_space<vmem>>
      %dma_start3A_220 = arith.constant 0 : i32
      %dma_start3A_221 = tpu.memref_slice %arg7[%dma_start3A_216, %dma_start3A_220] : memref<8x128xi32, #tpu.memory_space<vmem>> -> memref<1x128xi32, #tpu.memory_space<vmem>>
      %dma_start3A_222 = tpu.memref_squeeze %dma_start3A_221 : memref<1x128xi32, #tpu.memory_space<vmem>> -> memref<128xi32, #tpu.memory_space<vmem>>
      %dma_start3A_223 = arith.constant 0 : i32
      %dma_start3A_224 = arith.constant 0 : i32
      %dma_start3A_225 = tpu.memref_slice %arg2[%dma_start3A_223, %dma_start3A_224] : memref<10000x128xf32, #tpu.memory_space<hbm>> -> memref<10000x128xf32, #tpu.memory_space<hbm>>
      tpu.enqueue_indirect_dma source(%dma_start3A_225 : memref<10000x128xf32, #tpu.memory_space<hbm>>) target(%dma_start3A_219 : memref<128x128xf32, #tpu.memory_space<vmem>>) offsets(%dma_start3A_222 : memref<128xi32, #tpu.memory_space<vmem>>) semaphore(%arg11 : memref<!tpu.dma_semaphore, #tpu.memory_space<semaphore_mem>>)
      %dma_wait3A_226 = arith.constant 6 : i32
      %dma_wait3A_227 = arith.constant 0 : i32
      %dma_wait3A_228 = arith.constant 0 : i32
      %dma_wait3A_229 = tpu.memref_slice %arg9[%dma_wait3A_227, %dma_wait3A_228] : memref<256x128xf32, #tpu.memory_space<vmem>> -> memref<128x128xf32, #tpu.memory_space<vmem>>
      %dma_wait3A_230 = arith.constant 0 : i32
      %dma_wait3A_231 = tpu.memref_slice %arg7[%dma_wait3A_226, %dma_wait3A_230] : memref<8x128xi32, #tpu.memory_space<vmem>> -> memref<1x128xi32, #tpu.memory_space<vmem>>
      %dma_wait3A_232 = tpu.memref_squeeze %dma_wait3A_231 : memref<1x128xi32, #tpu.memory_space<vmem>> -> memref<128xi32, #tpu.memory_space<vmem>>
      %dma_wait3A_233 = arith.constant 0 : i32
      %dma_wait3A_234 = arith.constant 0 : i32
      %dma_wait3A_235 = tpu.memref_slice %arg2[%dma_wait3A_233, %dma_wait3A_234] : memref<10000x128xf32, #tpu.memory_space<hbm>> -> memref<10000x128xf32, #tpu.memory_space<hbm>>
      tpu.wait_indirect_dma semaphore(%arg11 : memref<!tpu.dma_semaphore, #tpu.memory_space<semaphore_mem>>) src(%dma_wait3A_235 : memref<10000x128xf32, #tpu.memory_space<hbm>>) dst(%dma_wait3A_229 : memref<128x128xf32, #tpu.memory_space<vmem>>)
      %run_scoped3A_236 = arith.constant 6 : i32
      "tpu.region"() ({
        %run_scoped3A_268 = tpu.sem_alloc : memref<!tpu.dma_semaphore, #tpu.memory_space<semaphore_mem>>
        %dma_start3A_269 = arith.constant 0 : i32
        %dma_start3A_270 = arith.constant 0 : i32
        %dma_start3A_271 = tpu.memref_slice %arg9[%dma_start3A_269, %dma_start3A_270] : memref<256x128xf32, #tpu.memory_space<vmem>> -> memref<128x128xf32, #tpu.memory_space<vmem>>
        %dma_start3A_272 = arith.constant 0 : i32
        %dma_start3A_273 = tpu.memref_slice %arg8[%run_scoped3A_236, %dma_start3A_272] : memref<8x128xi32, #tpu.memory_space<vmem>> -> memref<1x128xi32, #tpu.memory_space<vmem>>
        %dma_start3A_274 = tpu.memref_squeeze %dma_start3A_273 : memref<1x128xi32, #tpu.memory_space<vmem>> -> memref<128xi32, #tpu.memory_space<vmem>>
        %dma_start3A_275 = arith.constant 0 : i32
        %dma_start3A_276 = arith.constant 0 : i32
        %dma_start3A_277 = tpu.memref_slice %arg10[%dma_start3A_275, %dma_start3A_276] : memref<10240x128xf32, #tpu.memory_space<vmem_shared>> -> memref<10240x128xf32, #tpu.memory_space<vmem_shared>>
        tpu.enqueue_indirect_dma source(%dma_start3A_271 : memref<128x128xf32, #tpu.memory_space<vmem>>) target(%dma_start3A_277 : memref<10240x128xf32, #tpu.memory_space<vmem_shared>>) offsets(%dma_start3A_274 : memref<128xi32, #tpu.memory_space<vmem>>) semaphore(%run_scoped3A_268 : memref<!tpu.dma_semaphore, #tpu.memory_space<semaphore_mem>>) {add = true}
        %dma_wait3A_278 = arith.constant 0 : i32
        %dma_wait3A_279 = arith.constant 0 : i32
        %dma_wait3A_280 = tpu.memref_slice %arg9[%dma_wait3A_278, %dma_wait3A_279] : memref<256x128xf32, #tpu.memory_space<vmem>> -> memref<128x128xf32, #tpu.memory_space<vmem>>
        %dma_wait3A_281 = arith.constant 0 : i32
        %dma_wait3A_282 = tpu.memref_slice %arg8[%run_scoped3A_236, %dma_wait3A_281] : memref<8x128xi32, #tpu.memory_space<vmem>> -> memref<1x128xi32, #tpu.memory_space<vmem>>
        %dma_wait3A_283 = tpu.memref_squeeze %dma_wait3A_282 : memref<1x128xi32, #tpu.memory_space<vmem>> -> memref<128xi32, #tpu.memory_space<vmem>>
        %dma_wait3A_284 = arith.constant 0 : i32
        %dma_wait3A_285 = arith.constant 0 : i32
        %dma_wait3A_286 = tpu.memref_slice %arg10[%dma_wait3A_284, %dma_wait3A_285] : memref<10240x128xf32, #tpu.memory_space<vmem_shared>> -> memref<10240x128xf32, #tpu.memory_space<vmem_shared>>
        tpu.wait_indirect_dma semaphore(%run_scoped3A_268 : memref<!tpu.dma_semaphore, #tpu.memory_space<semaphore_mem>>) src(%dma_wait3A_280 : memref<128x128xf32, #tpu.memory_space<vmem>>) dst(%dma_wait3A_286 : memref<10240x128xf32, #tpu.memory_space<vmem_shared>>)
        tpu.yield
      }) : () -> ()
      %dma_wait3A_237 = arith.constant 7 : i32
      %dma_wait3A_238 = arith.constant 128 : i32
      %dma_wait3A_239 = arith.constant 0 : i32
      %dma_wait3A_240 = tpu.memref_slice %arg9[%dma_wait3A_238, %dma_wait3A_239] : memref<256x128xf32, #tpu.memory_space<vmem>> -> memref<128x128xf32, #tpu.memory_space<vmem>>
      %dma_wait3A_241 = arith.constant 0 : i32
      %dma_wait3A_242 = tpu.memref_slice %arg7[%dma_wait3A_237, %dma_wait3A_241] : memref<8x128xi32, #tpu.memory_space<vmem>> -> memref<1x128xi32, #tpu.memory_space<vmem>>
      %dma_wait3A_243 = tpu.memref_squeeze %dma_wait3A_242 : memref<1x128xi32, #tpu.memory_space<vmem>> -> memref<128xi32, #tpu.memory_space<vmem>>
      %dma_wait3A_244 = arith.constant 0 : i32
      %dma_wait3A_245 = arith.constant 0 : i32
      %dma_wait3A_246 = tpu.memref_slice %arg2[%dma_wait3A_244, %dma_wait3A_245] : memref<10000x128xf32, #tpu.memory_space<hbm>> -> memref<10000x128xf32, #tpu.memory_space<hbm>>
      tpu.wait_indirect_dma semaphore(%arg11 : memref<!tpu.dma_semaphore, #tpu.memory_space<semaphore_mem>>) src(%dma_wait3A_246 : memref<10000x128xf32, #tpu.memory_space<hbm>>) dst(%dma_wait3A_240 : memref<128x128xf32, #tpu.memory_space<vmem>>)
      %run_scoped3A_247 = arith.constant 7 : i32
      "tpu.region"() ({
        %run_scoped3A_268 = tpu.sem_alloc : memref<!tpu.dma_semaphore, #tpu.memory_space<semaphore_mem>>
        %dma_start3A_269 = arith.constant 128 : i32
        %dma_start3A_270 = arith.constant 0 : i32
        %dma_start3A_271 = tpu.memref_slice %arg9[%dma_start3A_269, %dma_start3A_270] : memref<256x128xf32, #tpu.memory_space<vmem>> -> memref<128x128xf32, #tpu.memory_space<vmem>>
        %dma_start3A_272 = arith.constant 0 : i32
        %dma_start3A_273 = tpu.memref_slice %arg8[%run_scoped3A_247, %dma_start3A_272] : memref<8x128xi32, #tpu.memory_space<vmem>> -> memref<1x128xi32, #tpu.memory_space<vmem>>
        %dma_start3A_274 = tpu.memref_squeeze %dma_start3A_273 : memref<1x128xi32, #tpu.memory_space<vmem>> -> memref<128xi32, #tpu.memory_space<vmem>>
        %dma_start3A_275 = arith.constant 0 : i32
        %dma_start3A_276 = arith.constant 0 : i32
        %dma_start3A_277 = tpu.memref_slice %arg10[%dma_start3A_275, %dma_start3A_276] : memref<10240x128xf32, #tpu.memory_space<vmem_shared>> -> memref<10240x128xf32, #tpu.memory_space<vmem_shared>>
        tpu.enqueue_indirect_dma source(%dma_start3A_271 : memref<128x128xf32, #tpu.memory_space<vmem>>) target(%dma_start3A_277 : memref<10240x128xf32, #tpu.memory_space<vmem_shared>>) offsets(%dma_start3A_274 : memref<128xi32, #tpu.memory_space<vmem>>) semaphore(%run_scoped3A_268 : memref<!tpu.dma_semaphore, #tpu.memory_space<semaphore_mem>>) {add = true}
        %dma_wait3A_278 = arith.constant 128 : i32
        %dma_wait3A_279 = arith.constant 0 : i32
        %dma_wait3A_280 = tpu.memref_slice %arg9[%dma_wait3A_278, %dma_wait3A_279] : memref<256x128xf32, #tpu.memory_space<vmem>> -> memref<128x128xf32, #tpu.memory_space<vmem>>
        %dma_wait3A_281 = arith.constant 0 : i32
        %dma_wait3A_282 = tpu.memref_slice %arg8[%run_scoped3A_247, %dma_wait3A_281] : memref<8x128xi32, #tpu.memory_space<vmem>> -> memref<1x128xi32, #tpu.memory_space<vmem>>
        %dma_wait3A_283 = tpu.memref_squeeze %dma_wait3A_282 : memref<1x128xi32, #tpu.memory_space<vmem>> -> memref<128xi32, #tpu.memory_space<vmem>>
        %dma_wait3A_284 = arith.constant 0 : i32
        %dma_wait3A_285 = arith.constant 0 : i32
        %dma_wait3A_286 = tpu.memref_slice %arg10[%dma_wait3A_284, %dma_wait3A_285] : memref<10240x128xf32, #tpu.memory_space<vmem_shared>> -> memref<10240x128xf32, #tpu.memory_space<vmem_shared>>
        tpu.wait_indirect_dma semaphore(%run_scoped3A_268 : memref<!tpu.dma_semaphore, #tpu.memory_space<semaphore_mem>>) src(%dma_wait3A_280 : memref<128x128xf32, #tpu.memory_space<vmem>>) dst(%dma_wait3A_286 : memref<10240x128xf32, #tpu.memory_space<vmem_shared>>)
        tpu.yield
      }) : () -> ()
      %dma_wait3A_248 = arith.constant 0 : i32
      %dma_wait3A_249 = arith.constant 0 : i32
      %dma_wait3A_250 = tpu.memref_slice %arg7[%dma_wait3A_248, %dma_wait3A_249] : memref<8x128xi32, #tpu.memory_space<vmem>> -> memref<4x128xi32, #tpu.memory_space<vmem>>
      %dma_wait3A_251 = arith.constant 0 : i32
      %dma_wait3A_252 = tpu.memref_slice %arg3[%add3A_143, %dma_wait3A_251] : memref<2568x128xi32, #tpu.memory_space<hbm>> -> memref<4x128xi32, #tpu.memory_space<hbm>>
      %dma_wait3A_253 = arith.constant 0 : i32
      %dma_wait3A_254 = arith.constant 0 : i32
      %dma_wait3A_255 = tpu.memref_slice %arg7[%dma_wait3A_253, %dma_wait3A_254] : memref<8x128xi32, #tpu.memory_space<vmem>> -> memref<4x128xi32, #tpu.memory_space<vmem>>
      %dma_wait3A_256 = arith.constant 0 : i32
      %dma_wait3A_257 = tpu.memref_slice %arg3[%add3A_143, %dma_wait3A_256] : memref<2568x128xi32, #tpu.memory_space<hbm>> -> memref<4x128xi32, #tpu.memory_space<hbm>>
      tpu.wait_dma2 semaphore(%arg12 : memref<!tpu.dma_semaphore, #tpu.memory_space<semaphore_mem>>) src(%dma_wait3A_257 : memref<4x128xi32, #tpu.memory_space<hbm>>) dst(%dma_wait3A_255 : memref<4x128xi32, #tpu.memory_space<vmem>>)
      %dma_wait3A_258 = arith.constant 0 : i32
      %dma_wait3A_259 = arith.constant 0 : i32
      %dma_wait3A_260 = tpu.memref_slice %arg8[%dma_wait3A_258, %dma_wait3A_259] : memref<8x128xi32, #tpu.memory_space<vmem>> -> memref<4x128xi32, #tpu.memory_space<vmem>>
      %dma_wait3A_261 = arith.constant 0 : i32
      %dma_wait3A_262 = tpu.memref_slice %arg4[%add3A_143, %dma_wait3A_261] : memref<2568x128xi32, #tpu.memory_space<hbm>> -> memref<4x128xi32, #tpu.memory_space<hbm>>
      %dma_wait3A_263 = arith.constant 0 : i32
      %dma_wait3A_264 = arith.constant 0 : i32
      %dma_wait3A_265 = tpu.memref_slice %arg8[%dma_wait3A_263, %dma_wait3A_264] : memref<8x128xi32, #tpu.memory_space<vmem>> -> memref<4x128xi32, #tpu.memory_space<vmem>>
      %dma_wait3A_266 = arith.constant 0 : i32
      %dma_wait3A_267 = tpu.memref_slice %arg4[%add3A_143, %dma_wait3A_266] : memref<2568x128xi32, #tpu.memory_space<hbm>> -> memref<4x128xi32, #tpu.memory_space<hbm>>
      tpu.wait_dma2 semaphore(%arg12 : memref<!tpu.dma_semaphore, #tpu.memory_space<semaphore_mem>>) src(%dma_wait3A_267 : memref<4x128xi32, #tpu.memory_space<hbm>>) dst(%dma_wait3A_265 : memref<4x128xi32, #tpu.memory_space<vmem>>)
    }
    %scan3A_9 = arith.constant 10 : i32
    %barrier3A_10 = arith.constant 0 : index
    tpu.barrier barrier_id(%barrier3A_10)
    %mul3A_11 = arith.constant 640 : i32
    %mul3A_12 = arith.muli %arg1, %mul3A_11 : i32
    %mul3A_13 = arith.constant 640 : i32
    %mul3A_14 = arith.muli %arg1, %mul3A_13 : i32
    "tpu.region"() ({
      %run_scoped3A = tpu.sem_alloc : memref<!tpu.dma_semaphore, #tpu.memory_space<semaphore_mem>>
      %dma_start3A = arith.constant 0 : i32
      %dma_start3A_15 = tpu.memref_slice %arg6[%arg0, %mul3A_14, %dma_start3A] : memref<2x10240x128xf32, #tpu.memory_space<hbm>> -> memref<1x640x128xf32, #tpu.memory_space<hbm>>
      %dma_start3A_16 = tpu.memref_squeeze %dma_start3A_15 : memref<1x640x128xf32, #tpu.memory_space<hbm>> -> memref<640x128xf32, #tpu.memory_space<hbm>>
      %dma_start3A_17 = arith.constant 0 : i32
      %dma_start3A_18 = tpu.memref_slice %arg10[%mul3A_12, %dma_start3A_17] : memref<10240x128xf32, #tpu.memory_space<vmem_shared>> -> memref<640x128xf32, #tpu.memory_space<vmem_shared>>
      tpu.enqueue_dma source(%dma_start3A_18 : memref<640x128xf32, #tpu.memory_space<vmem_shared>>) target(%dma_start3A_16 : memref<640x128xf32, #tpu.memory_space<hbm>>) target_semaphore(%run_scoped3A : memref<!tpu.dma_semaphore, #tpu.memory_space<semaphore_mem>>)
      %dma_wait3A = arith.constant 0 : i32
      %dma_wait3A_19 = tpu.memref_slice %arg6[%arg0, %mul3A_14, %dma_wait3A] : memref<2x10240x128xf32, #tpu.memory_space<hbm>> -> memref<1x640x128xf32, #tpu.memory_space<hbm>>
      %dma_wait3A_20 = tpu.memref_squeeze %dma_wait3A_19 : memref<1x640x128xf32, #tpu.memory_space<hbm>> -> memref<640x128xf32, #tpu.memory_space<hbm>>
      %dma_wait3A_21 = arith.constant 0 : i32
      %dma_wait3A_22 = tpu.memref_slice %arg10[%mul3A_12, %dma_wait3A_21] : memref<10240x128xf32, #tpu.memory_space<vmem_shared>> -> memref<640x128xf32, #tpu.memory_space<vmem_shared>>
      tpu.wait_dma2 semaphore(%run_scoped3A : memref<!tpu.dma_semaphore, #tpu.memory_space<semaphore_mem>>) src(%dma_wait3A_22 : memref<640x128xf32, #tpu.memory_space<vmem_shared>>) dst(%dma_wait3A_20 : memref<640x128xf32, #tpu.memory_space<hbm>>)
      tpu.yield
    }) : () -> ()
    return
  }
}

#map = affine_map<(d0, d1) -> (0, 0)>
#map1 = affine_map<(d0, d1) -> (0, 0, 0)>
module attributes {stable_mosaic.version = 14 : i64} {
  func.func @body(%arg0: i32, %arg1: i32, %arg2: memref<10000x128xf32, #tpu.memory_space<hbm>>, %arg3: memref<2568x128xi32, #tpu.memory_space<hbm>>, %arg4: memref<2568x128xi32, #tpu.memory_space<hbm>>, %arg5: memref<640x128xf32, #tpu.memory_space<hbm>>, %arg6: memref<2x10240x128xf32, #tpu.memory_space<hbm>>, %arg7: memref<8x128xi32, #tpu.memory_space<vmem>>, %arg8: memref<8x128xi32, #tpu.memory_space<vmem>>, %arg9: memref<256x128xf32, #tpu.memory_space<vmem>>, %arg10: memref<10240x128xf32, #tpu.memory_space<vmem_shared>>, %arg11: memref<!tpu.dma_semaphore, #tpu.memory_space<semaphore_mem>>, %arg12: memref<!tpu.dma_semaphore, #tpu.memory_space<semaphore_mem>>) attributes {dimension_semantics = [#tpu.dimension_semantics<core_parallel>, #tpu.dimension_semantics<subcore_parallel>], iteration_bounds = array<i64: 2, 16>, scalar_prefetch = 0 : i64, scratch_operands = 6 : i64, tpu.core_type = #tpu.core_type<sc_vector_subcore>, window_params = [{transform_indices = #map}, {transform_indices = #map}, {transform_indices = #map}, {transform_indices = #map}, {transform_indices = #map1}]} {
    %mul3A = arith.constant 2 : i32
    %mul3A_0 = arith.muli %arg1, %mul3A : i32
    %add3A = arith.addi %mul3A_0, %arg0 : i32
    %mul3A_1 = arith.constant 80 : i32
    %mul3A_2 = arith.muli %add3A, %mul3A_1 : i32
    %mul3A_3 = arith.constant 640 : i32
    %mul3A_4 = arith.muli %arg1, %mul3A_3 : i32
    "tpu.region"() ({
      %run_scoped3A = tpu.sem_alloc : memref<!tpu.dma_semaphore, #tpu.memory_space<semaphore_mem>>
      %dma_start3A = arith.constant 0 : i32
      %dma_start3A_15 = tpu.memref_slice %arg10[%mul3A_4, %dma_start3A] : memref<10240x128xf32, #tpu.memory_space<vmem_shared>> -> memref<640x128xf32, #tpu.memory_space<vmem_shared>>
      tpu.enqueue_dma source(%arg5 : memref<640x128xf32, #tpu.memory_space<hbm>>) target(%dma_start3A_15 : memref<640x128xf32, #tpu.memory_space<vmem_shared>>) target_semaphore(%run_scoped3A : memref<!tpu.dma_semaphore, #tpu.memory_space<semaphore_mem>>)
      %dma_wait3A = arith.constant 0 : i32
      %dma_wait3A_16 = tpu.memref_slice %arg10[%mul3A_4, %dma_wait3A] : memref<10240x128xf32, #tpu.memory_space<vmem_shared>> -> memref<640x128xf32, #tpu.memory_space<vmem_shared>>
      tpu.wait_dma2 semaphore(%run_scoped3A : memref<!tpu.dma_semaphore, #tpu.memory_space<semaphore_mem>>) src(%arg5 : memref<640x128xf32, #tpu.memory_space<hbm>>) dst(%dma_wait3A_16 : memref<640x128xf32, #tpu.memory_space<vmem_shared>>)
      tpu.yield
    }) : () -> ()
    %barrier3A = arith.constant 0 : index
    tpu.barrier barrier_id(%barrier3A)
    "tpu.region"() ({
      %run_scoped3A = tpu.sem_alloc : memref<!tpu.dma_semaphore, #tpu.memory_space<semaphore_mem>>
      %dma_start3A = arith.constant 0 : i32
      %dma_start3A_15 = arith.constant 0 : i32
      %dma_start3A_16 = tpu.memref_slice %arg7[%dma_start3A, %dma_start3A_15] : memref<8x128xi32, #tpu.memory_space<vmem>> -> memref<4x128xi32, #tpu.memory_space<vmem>>
      %dma_start3A_17 = arith.constant 0 : i32
      %dma_start3A_18 = tpu.memref_slice %arg3[%mul3A_2, %dma_start3A_17] : memref<2568x128xi32, #tpu.memory_space<hbm>> -> memref<4x128xi32, #tpu.memory_space<hbm>>
      %dma_start3A_19 = arith.constant 0 : i32
      %dma_start3A_20 = arith.constant 0 : i32
      %dma_start3A_21 = tpu.memref_slice %arg7[%dma_start3A_19, %dma_start3A_20] : memref<8x128xi32, #tpu.memory_space<vmem>> -> memref<4x128xi32, #tpu.memory_space<vmem>>
      %dma_start3A_22 = arith.constant 0 : i32
      %dma_start3A_23 = tpu.memref_slice %arg3[%mul3A_2, %dma_start3A_22] : memref<2568x128xi32, #tpu.memory_space<hbm>> -> memref<4x128xi32, #tpu.memory_space<hbm>>
      tpu.enqueue_dma source(%dma_start3A_23 : memref<4x128xi32, #tpu.memory_space<hbm>>) target(%dma_start3A_21 : memref<4x128xi32, #tpu.memory_space<vmem>>) target_semaphore(%run_scoped3A : memref<!tpu.dma_semaphore, #tpu.memory_space<semaphore_mem>>)
      %dma_wait3A = arith.constant 0 : i32
      %dma_wait3A_24 = arith.constant 0 : i32
      %dma_wait3A_25 = tpu.memref_slice %arg7[%dma_wait3A, %dma_wait3A_24] : memref<8x128xi32, #tpu.memory_space<vmem>> -> memref<4x128xi32, #tpu.memory_space<vmem>>
      %dma_wait3A_26 = arith.constant 0 : i32
      %dma_wait3A_27 = tpu.memref_slice %arg3[%mul3A_2, %dma_wait3A_26] : memref<2568x128xi32, #tpu.memory_space<hbm>> -> memref<4x128xi32, #tpu.memory_space<hbm>>
      %dma_wait3A_28 = arith.constant 0 : i32
      %dma_wait3A_29 = arith.constant 0 : i32
      %dma_wait3A_30 = tpu.memref_slice %arg7[%dma_wait3A_28, %dma_wait3A_29] : memref<8x128xi32, #tpu.memory_space<vmem>> -> memref<4x128xi32, #tpu.memory_space<vmem>>
      %dma_wait3A_31 = arith.constant 0 : i32
      %dma_wait3A_32 = tpu.memref_slice %arg3[%mul3A_2, %dma_wait3A_31] : memref<2568x128xi32, #tpu.memory_space<hbm>> -> memref<4x128xi32, #tpu.memory_space<hbm>>
      tpu.wait_dma2 semaphore(%run_scoped3A : memref<!tpu.dma_semaphore, #tpu.memory_space<semaphore_mem>>) src(%dma_wait3A_32 : memref<4x128xi32, #tpu.memory_space<hbm>>) dst(%dma_wait3A_30 : memref<4x128xi32, #tpu.memory_space<vmem>>)
      tpu.yield
    }) : () -> ()
    "tpu.region"() ({
      %run_scoped3A = tpu.sem_alloc : memref<!tpu.dma_semaphore, #tpu.memory_space<semaphore_mem>>
      %dma_start3A = arith.constant 0 : i32
      %dma_start3A_15 = arith.constant 0 : i32
      %dma_start3A_16 = tpu.memref_slice %arg8[%dma_start3A, %dma_start3A_15] : memref<8x128xi32, #tpu.memory_space<vmem>> -> memref<4x128xi32, #tpu.memory_space<vmem>>
      %dma_start3A_17 = arith.constant 0 : i32
      %dma_start3A_18 = tpu.memref_slice %arg4[%mul3A_2, %dma_start3A_17] : memref<2568x128xi32, #tpu.memory_space<hbm>> -> memref<4x128xi32, #tpu.memory_space<hbm>>
      %dma_start3A_19 = arith.constant 0 : i32
      %dma_start3A_20 = arith.constant 0 : i32
      %dma_start3A_21 = tpu.memref_slice %arg8[%dma_start3A_19, %dma_start3A_20] : memref<8x128xi32, #tpu.memory_space<vmem>> -> memref<4x128xi32, #tpu.memory_space<vmem>>
      %dma_start3A_22 = arith.constant 0 : i32
      %dma_start3A_23 = tpu.memref_slice %arg4[%mul3A_2, %dma_start3A_22] : memref<2568x128xi32, #tpu.memory_space<hbm>> -> memref<4x128xi32, #tpu.memory_space<hbm>>
      tpu.enqueue_dma source(%dma_start3A_23 : memref<4x128xi32, #tpu.memory_space<hbm>>) target(%dma_start3A_21 : memref<4x128xi32, #tpu.memory_space<vmem>>) target_semaphore(%run_scoped3A : memref<!tpu.dma_semaphore, #tpu.memory_space<semaphore_mem>>)
      %dma_wait3A = arith.constant 0 : i32
      %dma_wait3A_24 = arith.constant 0 : i32
      %dma_wait3A_25 = tpu.memref_slice %arg8[%dma_wait3A, %dma_wait3A_24] : memref<8x128xi32, #tpu.memory_space<vmem>> -> memref<4x128xi32, #tpu.memory_space<vmem>>
      %dma_wait3A_26 = arith.constant 0 : i32
      %dma_wait3A_27 = tpu.memref_slice %arg4[%mul3A_2, %dma_wait3A_26] : memref<2568x128xi32, #tpu.memory_space<hbm>> -> memref<4x128xi32, #tpu.memory_space<hbm>>
      %dma_wait3A_28 = arith.constant 0 : i32
      %dma_wait3A_29 = arith.constant 0 : i32
      %dma_wait3A_30 = tpu.memref_slice %arg8[%dma_wait3A_28, %dma_wait3A_29] : memref<8x128xi32, #tpu.memory_space<vmem>> -> memref<4x128xi32, #tpu.memory_space<vmem>>
      %dma_wait3A_31 = arith.constant 0 : i32
      %dma_wait3A_32 = tpu.memref_slice %arg4[%mul3A_2, %dma_wait3A_31] : memref<2568x128xi32, #tpu.memory_space<hbm>> -> memref<4x128xi32, #tpu.memory_space<hbm>>
      tpu.wait_dma2 semaphore(%run_scoped3A : memref<!tpu.dma_semaphore, #tpu.memory_space<semaphore_mem>>) src(%dma_wait3A_32 : memref<4x128xi32, #tpu.memory_space<hbm>>) dst(%dma_wait3A_30 : memref<4x128xi32, #tpu.memory_space<vmem>>)
      tpu.yield
    }) : () -> ()
    %scan3A = arith.constant 0 : i32
    %scan3A_5 = arith.constant 0 : i32
    %scan3A_6 = arith.constant 10 : i32
    %scan3A_7 = arith.addi %scan3A_5, %scan3A_6 : i32
    %scan3A_8 = arith.constant 1 : i32
    scf.for %scan3A_15 = %scan3A_5 to %scan3A_7 step %scan3A_8  : i32 {
      %mul3A_16 = arith.constant 8 : i32
      %mul3A_17 = arith.muli %scan3A_15, %mul3A_16 : i32
      %add3A_18 = arith.addi %mul3A_2, %mul3A_17 : i32
      %add3A_19 = arith.constant 4 : i32
      %add3A_20 = arith.addi %add3A_18, %add3A_19 : i32
      %dma_start3A = arith.constant 4 : i32
      %dma_start3A_21 = arith.constant 0 : i32
      %dma_start3A_22 = tpu.memref_slice %arg7[%dma_start3A, %dma_start3A_21] : memref<8x128xi32, #tpu.memory_space<vmem>> -> memref<4x128xi32, #tpu.memory_space<vmem>>
      %dma_start3A_23 = arith.constant 0 : i32
      %dma_start3A_24 = tpu.memref_slice %arg3[%add3A_20, %dma_start3A_23] : memref<2568x128xi32, #tpu.memory_space<hbm>> -> memref<4x128xi32, #tpu.memory_space<hbm>>
      %dma_start3A_25 = arith.constant 4 : i32
      %dma_start3A_26 = arith.constant 0 : i32
      %dma_start3A_27 = tpu.memref_slice %arg7[%dma_start3A_25, %dma_start3A_26] : memref<8x128xi32, #tpu.memory_space<vmem>> -> memref<4x128xi32, #tpu.memory_space<vmem>>
      %dma_start3A_28 = arith.constant 0 : i32
      %dma_start3A_29 = tpu.memref_slice %arg3[%add3A_20, %dma_start3A_28] : memref<2568x128xi32, #tpu.memory_space<hbm>> -> memref<4x128xi32, #tpu.memory_space<hbm>>
      tpu.enqueue_dma source(%dma_start3A_29 : memref<4x128xi32, #tpu.memory_space<hbm>>) target(%dma_start3A_27 : memref<4x128xi32, #tpu.memory_space<vmem>>) target_semaphore(%arg12 : memref<!tpu.dma_semaphore, #tpu.memory_space<semaphore_mem>>)
      %dma_start3A_30 = arith.constant 4 : i32
      %dma_start3A_31 = arith.constant 0 : i32
      %dma_start3A_32 = tpu.memref_slice %arg8[%dma_start3A_30, %dma_start3A_31] : memref<8x128xi32, #tpu.memory_space<vmem>> -> memref<4x128xi32, #tpu.memory_space<vmem>>
      %dma_start3A_33 = arith.constant 0 : i32
      %dma_start3A_34 = tpu.memref_slice %arg4[%add3A_20, %dma_start3A_33] : memref<2568x128xi32, #tpu.memory_space<hbm>> -> memref<4x128xi32, #tpu.memory_space<hbm>>
      %dma_start3A_35 = arith.constant 4 : i32
      %dma_start3A_36 = arith.constant 0 : i32
      %dma_start3A_37 = tpu.memref_slice %arg8[%dma_start3A_35, %dma_start3A_36] : memref<8x128xi32, #tpu.memory_space<vmem>> -> memref<4x128xi32, #tpu.memory_space<vmem>>
      %dma_start3A_38 = arith.constant 0 : i32
      %dma_start3A_39 = tpu.memref_slice %arg4[%add3A_20, %dma_start3A_38] : memref<2568x128xi32, #tpu.memory_space<hbm>> -> memref<4x128xi32, #tpu.memory_space<hbm>>
      tpu.enqueue_dma source(%dma_start3A_39 : memref<4x128xi32, #tpu.memory_space<hbm>>) target(%dma_start3A_37 : memref<4x128xi32, #tpu.memory_space<vmem>>) target_semaphore(%arg12 : memref<!tpu.dma_semaphore, #tpu.memory_space<semaphore_mem>>)
      %dma_start3A_40 = arith.constant 0 : i32
      %dma_start3A_41 = arith.constant 0 : i32
      %dma_start3A_42 = arith.constant 0 : i32
      %dma_start3A_43 = tpu.memref_slice %arg9[%dma_start3A_41, %dma_start3A_42] : memref<256x128xf32, #tpu.memory_space<vmem>> -> memref<128x128xf32, #tpu.memory_space<vmem>>
      %dma_start3A_44 = arith.constant 0 : i32
      %dma_start3A_45 = tpu.memref_slice %arg7[%dma_start3A_40, %dma_start3A_44] : memref<8x128xi32, #tpu.memory_space<vmem>> -> memref<1x128xi32, #tpu.memory_space<vmem>>
      %dma_start3A_46 = tpu.memref_squeeze %dma_start3A_45 : memref<1x128xi32, #tpu.memory_space<vmem>> -> memref<128xi32, #tpu.memory_space<vmem>>
      %dma_start3A_47 = arith.constant 0 : i32
      %dma_start3A_48 = arith.constant 0 : i32
      %dma_start3A_49 = tpu.memref_slice %arg2[%dma_start3A_47, %dma_start3A_48] : memref<10000x128xf32, #tpu.memory_space<hbm>> -> memref<10000x128xf32, #tpu.memory_space<hbm>>
      tpu.enqueue_indirect_dma source(%dma_start3A_49 : memref<10000x128xf32, #tpu.memory_space<hbm>>) target(%dma_start3A_43 : memref<128x128xf32, #tpu.memory_space<vmem>>) offsets(%dma_start3A_46 : memref<128xi32, #tpu.memory_space<vmem>>) semaphore(%arg11 : memref<!tpu.dma_semaphore, #tpu.memory_space<semaphore_mem>>)
      %dma_start3A_50 = arith.constant 1 : i32
      %dma_start3A_51 = arith.constant 128 : i32
      %dma_start3A_52 = arith.constant 0 : i32
      %dma_start3A_53 = tpu.memref_slice %arg9[%dma_start3A_51, %dma_start3A_52] : memref<256x128xf32, #tpu.memory_space<vmem>> -> memref<128x128xf32, #tpu.memory_space<vmem>>
      %dma_start3A_54 = arith.constant 0 : i32
      %dma_start3A_55 = tpu.memref_slice %arg7[%dma_start3A_50, %dma_start3A_54] : memref<8x128xi32, #tpu.memory_space<vmem>> -> memref<1x128xi32, #tpu.memory_space<vmem>>
      %dma_start3A_56 = tpu.memref_squeeze %dma_start3A_55 : memref<1x128xi32, #tpu.memory_space<vmem>> -> memref<128xi32, #tpu.memory_space<vmem>>
      %dma_start3A_57 = arith.constant 0 : i32
      %dma_start3A_58 = arith.constant 0 : i32
      %dma_start3A_59 = tpu.memref_slice %arg2[%dma_start3A_57, %dma_start3A_58] : memref<10000x128xf32, #tpu.memory_space<hbm>> -> memref<10000x128xf32, #tpu.memory_space<hbm>>
      tpu.enqueue_indirect_dma source(%dma_start3A_59 : memref<10000x128xf32, #tpu.memory_space<hbm>>) target(%dma_start3A_53 : memref<128x128xf32, #tpu.memory_space<vmem>>) offsets(%dma_start3A_56 : memref<128xi32, #tpu.memory_space<vmem>>) semaphore(%arg11 : memref<!tpu.dma_semaphore, #tpu.memory_space<semaphore_mem>>)
      %dma_wait3A = arith.constant 0 : i32
      %dma_wait3A_60 = arith.constant 0 : i32
      %dma_wait3A_61 = arith.constant 0 : i32
      %dma_wait3A_62 = tpu.memref_slice %arg9[%dma_wait3A_60, %dma_wait3A_61] : memref<256x128xf32, #tpu.memory_space<vmem>> -> memref<128x128xf32, #tpu.memory_space<vmem>>
      %dma_wait3A_63 = arith.constant 0 : i32
      %dma_wait3A_64 = tpu.memref_slice %arg7[%dma_wait3A, %dma_wait3A_63] : memref<8x128xi32, #tpu.memory_space<vmem>> -> memref<1x128xi32, #tpu.memory_space<vmem>>
      %dma_wait3A_65 = tpu.memref_squeeze %dma_wait3A_64 : memref<1x128xi32, #tpu.memory_space<vmem>> -> memref<128xi32, #tpu.memory_space<vmem>>
      %dma_wait3A_66 = arith.constant 0 : i32
      %dma_wait3A_67 = arith.constant 0 : i32
      %dma_wait3A_68 = tpu.memref_slice %arg2[%dma_wait3A_66, %dma_wait3A_67] : memref<10000x128xf32, #tpu.memory_space<hbm>> -> memref<10000x128xf32, #tpu.memory_space<hbm>>
      tpu.wait_indirect_dma semaphore(%arg11 : memref<!tpu.dma_semaphore, #tpu.memory_space<semaphore_mem>>) src(%dma_wait3A_68 : memref<10000x128xf32, #tpu.memory_space<hbm>>) dst(%dma_wait3A_62 : memref<128x128xf32, #tpu.memory_space<vmem>>)
      %run_scoped3A = arith.constant 0 : i32
      "tpu.region"() ({
        %run_scoped3A_268 = tpu.sem_alloc : memref<!tpu.dma_semaphore, #tpu.memory_space<semaphore_mem>>
        %dma_start3A_269 = arith.constant 0 : i32
        %dma_start3A_270 = arith.constant 0 : i32
        %dma_start3A_271 = tpu.memref_slice %arg9[%dma_start3A_269, %dma_start3A_270] : memref<256x128xf32, #tpu.memory_space<vmem>> -> memref<128x128xf32, #tpu.memory_space<vmem>>
        %dma_start3A_272 = arith.constant 0 : i32
        %dma_start3A_273 = tpu.memref_slice %arg8[%run_scoped3A, %dma_start3A_272] : memref<8x128xi32, #tpu.memory_space<vmem>> -> memref<1x128xi32, #tpu.memory_space<vmem>>
        %dma_start3A_274 = tpu.memref_squeeze %dma_start3A_273 : memref<1x128xi32, #tpu.memory_space<vmem>> -> memref<128xi32, #tpu.memory_space<vmem>>
        %dma_start3A_275 = arith.constant 0 : i32
        %dma_start3A_276 = arith.constant 0 : i32
        %dma_start3A_277 = tpu.memref_slice %arg10[%dma_start3A_275, %dma_start3A_276] : memref<10240x128xf32, #tpu.memory_space<vmem_shared>> -> memref<10240x128xf32, #tpu.memory_space<vmem_shared>>
        tpu.enqueue_indirect_dma source(%dma_start3A_271 : memref<128x128xf32, #tpu.memory_space<vmem>>) target(%dma_start3A_277 : memref<10240x128xf32, #tpu.memory_space<vmem_shared>>) offsets(%dma_start3A_274 : memref<128xi32, #tpu.memory_space<vmem>>) semaphore(%run_scoped3A_268 : memref<!tpu.dma_semaphore, #tpu.memory_space<semaphore_mem>>) {add = true}
        %dma_wait3A_278 = arith.constant 0 : i32
        %dma_wait3A_279 = arith.constant 0 : i32
        %dma_wait3A_280 = tpu.memref_slice %arg9[%dma_wait3A_278, %dma_wait3A_279] : memref<256x128xf32, #tpu.memory_space<vmem>> -> memref<128x128xf32, #tpu.memory_space<vmem>>
        %dma_wait3A_281 = arith.constant 0 : i32
        %dma_wait3A_282 = tpu.memref_slice %arg8[%run_scoped3A, %dma_wait3A_281] : memref<8x128xi32, #tpu.memory_space<vmem>> -> memref<1x128xi32, #tpu.memory_space<vmem>>
        %dma_wait3A_283 = tpu.memref_squeeze %dma_wait3A_282 : memref<1x128xi32, #tpu.memory_space<vmem>> -> memref<128xi32, #tpu.memory_space<vmem>>
        %dma_wait3A_284 = arith.constant 0 : i32
        %dma_wait3A_285 = arith.constant 0 : i32
        %dma_wait3A_286 = tpu.memref_slice %arg10[%dma_wait3A_284, %dma_wait3A_285] : memref<10240x128xf32, #tpu.memory_space<vmem_shared>> -> memref<10240x128xf32, #tpu.memory_space<vmem_shared>>
        tpu.wait_indirect_dma semaphore(%run_scoped3A_268 : memref<!tpu.dma_semaphore, #tpu.memory_space<semaphore_mem>>) src(%dma_wait3A_280 : memref<128x128xf32, #tpu.memory_space<vmem>>) dst(%dma_wait3A_286 : memref<10240x128xf32, #tpu.memory_space<vmem_shared>>)
        tpu.yield
      }) : () -> ()
      %dma_start3A_69 = arith.constant 2 : i32
      %dma_start3A_70 = arith.constant 0 : i32
      %dma_start3A_71 = arith.constant 0 : i32
      %dma_start3A_72 = tpu.memref_slice %arg9[%dma_start3A_70, %dma_start3A_71] : memref<256x128xf32, #tpu.memory_space<vmem>> -> memref<128x128xf32, #tpu.memory_space<vmem>>
      %dma_start3A_73 = arith.constant 0 : i32
      %dma_start3A_74 = tpu.memref_slice %arg7[%dma_start3A_69, %dma_start3A_73] : memref<8x128xi32, #tpu.memory_space<vmem>> -> memref<1x128xi32, #tpu.memory_space<vmem>>
      %dma_start3A_75 = tpu.memref_squeeze %dma_start3A_74 : memref<1x128xi32, #tpu.memory_space<vmem>> -> memref<128xi32, #tpu.memory_space<vmem>>
      %dma_start3A_76 = arith.constant 0 : i32
      %dma_start3A_77 = arith.constant 0 : i32
      %dma_start3A_78 = tpu.memref_slice %arg2[%dma_start3A_76, %dma_start3A_77] : memref<10000x128xf32, #tpu.memory_space<hbm>> -> memref<10000x128xf32, #tpu.memory_space<hbm>>
      tpu.enqueue_indirect_dma source(%dma_start3A_78 : memref<10000x128xf32, #tpu.memory_space<hbm>>) target(%dma_start3A_72 : memref<128x128xf32, #tpu.memory_space<vmem>>) offsets(%dma_start3A_75 : memref<128xi32, #tpu.memory_space<vmem>>) semaphore(%arg11 : memref<!tpu.dma_semaphore, #tpu.memory_space<semaphore_mem>>)
      %dma_wait3A_79 = arith.constant 1 : i32
      %dma_wait3A_80 = arith.constant 128 : i32
      %dma_wait3A_81 = arith.constant 0 : i32
      %dma_wait3A_82 = tpu.memref_slice %arg9[%dma_wait3A_80, %dma_wait3A_81] : memref<256x128xf32, #tpu.memory_space<vmem>> -> memref<128x128xf32, #tpu.memory_space<vmem>>
      %dma_wait3A_83 = arith.constant 0 : i32
      %dma_wait3A_84 = tpu.memref_slice %arg7[%dma_wait3A_79, %dma_wait3A_83] : memref<8x128xi32, #tpu.memory_space<vmem>> -> memref<1x128xi32, #tpu.memory_space<vmem>>
      %dma_wait3A_85 = tpu.memref_squeeze %dma_wait3A_84 : memref<1x128xi32, #tpu.memory_space<vmem>> -> memref<128xi32, #tpu.memory_space<vmem>>
      %dma_wait3A_86 = arith.constant 0 : i32
      %dma_wait3A_87 = arith.constant 0 : i32
      %dma_wait3A_88 = tpu.memref_slice %arg2[%dma_wait3A_86, %dma_wait3A_87] : memref<10000x128xf32, #tpu.memory_space<hbm>> -> memref<10000x128xf32, #tpu.memory_space<hbm>>
      tpu.wait_indirect_dma semaphore(%arg11 : memref<!tpu.dma_semaphore, #tpu.memory_space<semaphore_mem>>) src(%dma_wait3A_88 : memref<10000x128xf32, #tpu.memory_space<hbm>>) dst(%dma_wait3A_82 : memref<128x128xf32, #tpu.memory_space<vmem>>)
      %run_scoped3A_89 = arith.constant 1 : i32
      "tpu.region"() ({
        %run_scoped3A_268 = tpu.sem_alloc : memref<!tpu.dma_semaphore, #tpu.memory_space<semaphore_mem>>
        %dma_start3A_269 = arith.constant 128 : i32
        %dma_start3A_270 = arith.constant 0 : i32
        %dma_start3A_271 = tpu.memref_slice %arg9[%dma_start3A_269, %dma_start3A_270] : memref<256x128xf32, #tpu.memory_space<vmem>> -> memref<128x128xf32, #tpu.memory_space<vmem>>
        %dma_start3A_272 = arith.constant 0 : i32
        %dma_start3A_273 = tpu.memref_slice %arg8[%run_scoped3A_89, %dma_start3A_272] : memref<8x128xi32, #tpu.memory_space<vmem>> -> memref<1x128xi32, #tpu.memory_space<vmem>>
        %dma_start3A_274 = tpu.memref_squeeze %dma_start3A_273 : memref<1x128xi32, #tpu.memory_space<vmem>> -> memref<128xi32, #tpu.memory_space<vmem>>
        %dma_start3A_275 = arith.constant 0 : i32
        %dma_start3A_276 = arith.constant 0 : i32
        %dma_start3A_277 = tpu.memref_slice %arg10[%dma_start3A_275, %dma_start3A_276] : memref<10240x128xf32, #tpu.memory_space<vmem_shared>> -> memref<10240x128xf32, #tpu.memory_space<vmem_shared>>
        tpu.enqueue_indirect_dma source(%dma_start3A_271 : memref<128x128xf32, #tpu.memory_space<vmem>>) target(%dma_start3A_277 : memref<10240x128xf32, #tpu.memory_space<vmem_shared>>) offsets(%dma_start3A_274 : memref<128xi32, #tpu.memory_space<vmem>>) semaphore(%run_scoped3A_268 : memref<!tpu.dma_semaphore, #tpu.memory_space<semaphore_mem>>) {add = true}
        %dma_wait3A_278 = arith.constant 128 : i32
        %dma_wait3A_279 = arith.constant 0 : i32
        %dma_wait3A_280 = tpu.memref_slice %arg9[%dma_wait3A_278, %dma_wait3A_279] : memref<256x128xf32, #tpu.memory_space<vmem>> -> memref<128x128xf32, #tpu.memory_space<vmem>>
        %dma_wait3A_281 = arith.constant 0 : i32
        %dma_wait3A_282 = tpu.memref_slice %arg8[%run_scoped3A_89, %dma_wait3A_281] : memref<8x128xi32, #tpu.memory_space<vmem>> -> memref<1x128xi32, #tpu.memory_space<vmem>>
        %dma_wait3A_283 = tpu.memref_squeeze %dma_wait3A_282 : memref<1x128xi32, #tpu.memory_space<vmem>> -> memref<128xi32, #tpu.memory_space<vmem>>
        %dma_wait3A_284 = arith.constant 0 : i32
        %dma_wait3A_285 = arith.constant 0 : i32
        %dma_wait3A_286 = tpu.memref_slice %arg10[%dma_wait3A_284, %dma_wait3A_285] : memref<10240x128xf32, #tpu.memory_space<vmem_shared>> -> memref<10240x128xf32, #tpu.memory_space<vmem_shared>>
        tpu.wait_indirect_dma semaphore(%run_scoped3A_268 : memref<!tpu.dma_semaphore, #tpu.memory_space<semaphore_mem>>) src(%dma_wait3A_280 : memref<128x128xf32, #tpu.memory_space<vmem>>) dst(%dma_wait3A_286 : memref<10240x128xf32, #tpu.memory_space<vmem_shared>>)
        tpu.yield
      }) : () -> ()
      %dma_start3A_90 = arith.constant 3 : i32
      %dma_start3A_91 = arith.constant 128 : i32
      %dma_start3A_92 = arith.constant 0 : i32
      %dma_start3A_93 = tpu.memref_slice %arg9[%dma_start3A_91, %dma_start3A_92] : memref<256x128xf32, #tpu.memory_space<vmem>> -> memref<128x128xf32, #tpu.memory_space<vmem>>
      %dma_start3A_94 = arith.constant 0 : i32
      %dma_start3A_95 = tpu.memref_slice %arg7[%dma_start3A_90, %dma_start3A_94] : memref<8x128xi32, #tpu.memory_space<vmem>> -> memref<1x128xi32, #tpu.memory_space<vmem>>
      %dma_start3A_96 = tpu.memref_squeeze %dma_start3A_95 : memref<1x128xi32, #tpu.memory_space<vmem>> -> memref<128xi32, #tpu.memory_space<vmem>>
      %dma_start3A_97 = arith.constant 0 : i32
      %dma_start3A_98 = arith.constant 0 : i32
      %dma_start3A_99 = tpu.memref_slice %arg2[%dma_start3A_97, %dma_start3A_98] : memref<10000x128xf32, #tpu.memory_space<hbm>> -> memref<10000x128xf32, #tpu.memory_space<hbm>>
      tpu.enqueue_indirect_dma source(%dma_start3A_99 : memref<10000x128xf32, #tpu.memory_space<hbm>>) target(%dma_start3A_93 : memref<128x128xf32, #tpu.memory_space<vmem>>) offsets(%dma_start3A_96 : memref<128xi32, #tpu.memory_space<vmem>>) semaphore(%arg11 : memref<!tpu.dma_semaphore, #tpu.memory_space<semaphore_mem>>)
      %dma_wait3A_100 = arith.constant 2 : i32
      %dma_wait3A_101 = arith.constant 0 : i32
      %dma_wait3A_102 = arith.constant 0 : i32
      %dma_wait3A_103 = tpu.memref_slice %arg9[%dma_wait3A_101, %dma_wait3A_102] : memref<256x128xf32, #tpu.memory_space<vmem>> -> memref<128x128xf32, #tpu.memory_space<vmem>>
      %dma_wait3A_104 = arith.constant 0 : i32
      %dma_wait3A_105 = tpu.memref_slice %arg7[%dma_wait3A_100, %dma_wait3A_104] : memref<8x128xi32, #tpu.memory_space<vmem>> -> memref<1x128xi32, #tpu.memory_space<vmem>>
      %dma_wait3A_106 = tpu.memref_squeeze %dma_wait3A_105 : memref<1x128xi32, #tpu.memory_space<vmem>> -> memref<128xi32, #tpu.memory_space<vmem>>
      %dma_wait3A_107 = arith.constant 0 : i32
      %dma_wait3A_108 = arith.constant 0 : i32
      %dma_wait3A_109 = tpu.memref_slice %arg2[%dma_wait3A_107, %dma_wait3A_108] : memref<10000x128xf32, #tpu.memory_space<hbm>> -> memref<10000x128xf32, #tpu.memory_space<hbm>>
      tpu.wait_indirect_dma semaphore(%arg11 : memref<!tpu.dma_semaphore, #tpu.memory_space<semaphore_mem>>) src(%dma_wait3A_109 : memref<10000x128xf32, #tpu.memory_space<hbm>>) dst(%dma_wait3A_103 : memref<128x128xf32, #tpu.memory_space<vmem>>)
      %run_scoped3A_110 = arith.constant 2 : i32
      "tpu.region"() ({
        %run_scoped3A_268 = tpu.sem_alloc : memref<!tpu.dma_semaphore, #tpu.memory_space<semaphore_mem>>
        %dma_start3A_269 = arith.constant 0 : i32
        %dma_start3A_270 = arith.constant 0 : i32
        %dma_start3A_271 = tpu.memref_slice %arg9[%dma_start3A_269, %dma_start3A_270] : memref<256x128xf32, #tpu.memory_space<vmem>> -> memref<128x128xf32, #tpu.memory_space<vmem>>
        %dma_start3A_272 = arith.constant 0 : i32
        %dma_start3A_273 = tpu.memref_slice %arg8[%run_scoped3A_110, %dma_start3A_272] : memref<8x128xi32, #tpu.memory_space<vmem>> -> memref<1x128xi32, #tpu.memory_space<vmem>>
        %dma_start3A_274 = tpu.memref_squeeze %dma_start3A_273 : memref<1x128xi32, #tpu.memory_space<vmem>> -> memref<128xi32, #tpu.memory_space<vmem>>
        %dma_start3A_275 = arith.constant 0 : i32
        %dma_start3A_276 = arith.constant 0 : i32
        %dma_start3A_277 = tpu.memref_slice %arg10[%dma_start3A_275, %dma_start3A_276] : memref<10240x128xf32, #tpu.memory_space<vmem_shared>> -> memref<10240x128xf32, #tpu.memory_space<vmem_shared>>
        tpu.enqueue_indirect_dma source(%dma_start3A_271 : memref<128x128xf32, #tpu.memory_space<vmem>>) target(%dma_start3A_277 : memref<10240x128xf32, #tpu.memory_space<vmem_shared>>) offsets(%dma_start3A_274 : memref<128xi32, #tpu.memory_space<vmem>>) semaphore(%run_scoped3A_268 : memref<!tpu.dma_semaphore, #tpu.memory_space<semaphore_mem>>) {add = true}
        %dma_wait3A_278 = arith.constant 0 : i32
        %dma_wait3A_279 = arith.constant 0 : i32
        %dma_wait3A_280 = tpu.memref_slice %arg9[%dma_wait3A_278, %dma_wait3A_279] : memref<256x128xf32, #tpu.memory_space<vmem>> -> memref<128x128xf32, #tpu.memory_space<vmem>>
        %dma_wait3A_281 = arith.constant 0 : i32
        %dma_wait3A_282 = tpu.memref_slice %arg8[%run_scoped3A_110, %dma_wait3A_281] : memref<8x128xi32, #tpu.memory_space<vmem>> -> memref<1x128xi32, #tpu.memory_space<vmem>>
        %dma_wait3A_283 = tpu.memref_squeeze %dma_wait3A_282 : memref<1x128xi32, #tpu.memory_space<vmem>> -> memref<128xi32, #tpu.memory_space<vmem>>
        %dma_wait3A_284 = arith.constant 0 : i32
        %dma_wait3A_285 = arith.constant 0 : i32
        %dma_wait3A_286 = tpu.memref_slice %arg10[%dma_wait3A_284, %dma_wait3A_285] : memref<10240x128xf32, #tpu.memory_space<vmem_shared>> -> memref<10240x128xf32, #tpu.memory_space<vmem_shared>>
        tpu.wait_indirect_dma semaphore(%run_scoped3A_268 : memref<!tpu.dma_semaphore, #tpu.memory_space<semaphore_mem>>) src(%dma_wait3A_280 : memref<128x128xf32, #tpu.memory_space<vmem>>) dst(%dma_wait3A_286 : memref<10240x128xf32, #tpu.memory_space<vmem_shared>>)
        tpu.yield
      }) : () -> ()
      %dma_wait3A_111 = arith.constant 3 : i32
      %dma_wait3A_112 = arith.constant 128 : i32
      %dma_wait3A_113 = arith.constant 0 : i32
      %dma_wait3A_114 = tpu.memref_slice %arg9[%dma_wait3A_112, %dma_wait3A_113] : memref<256x128xf32, #tpu.memory_space<vmem>> -> memref<128x128xf32, #tpu.memory_space<vmem>>
      %dma_wait3A_115 = arith.constant 0 : i32
      %dma_wait3A_116 = tpu.memref_slice %arg7[%dma_wait3A_111, %dma_wait3A_115] : memref<8x128xi32, #tpu.memory_space<vmem>> -> memref<1x128xi32, #tpu.memory_space<vmem>>
      %dma_wait3A_117 = tpu.memref_squeeze %dma_wait3A_116 : memref<1x128xi32, #tpu.memory_space<vmem>> -> memref<128xi32, #tpu.memory_space<vmem>>
      %dma_wait3A_118 = arith.constant 0 : i32
      %dma_wait3A_119 = arith.constant 0 : i32
      %dma_wait3A_120 = tpu.memref_slice %arg2[%dma_wait3A_118, %dma_wait3A_119] : memref<10000x128xf32, #tpu.memory_space<hbm>> -> memref<10000x128xf32, #tpu.memory_space<hbm>>
      tpu.wait_indirect_dma semaphore(%arg11 : memref<!tpu.dma_semaphore, #tpu.memory_space<semaphore_mem>>) src(%dma_wait3A_120 : memref<10000x128xf32, #tpu.memory_space<hbm>>) dst(%dma_wait3A_114 : memref<128x128xf32, #tpu.memory_space<vmem>>)
      %run_scoped3A_121 = arith.constant 3 : i32
      "tpu.region"() ({
        %run_scoped3A_268 = tpu.sem_alloc : memref<!tpu.dma_semaphore, #tpu.memory_space<semaphore_mem>>
        %dma_start3A_269 = arith.constant 128 : i32
        %dma_start3A_270 = arith.constant 0 : i32
        %dma_start3A_271 = tpu.memref_slice %arg9[%dma_start3A_269, %dma_start3A_270] : memref<256x128xf32, #tpu.memory_space<vmem>> -> memref<128x128xf32, #tpu.memory_space<vmem>>
        %dma_start3A_272 = arith.constant 0 : i32
        %dma_start3A_273 = tpu.memref_slice %arg8[%run_scoped3A_121, %dma_start3A_272] : memref<8x128xi32, #tpu.memory_space<vmem>> -> memref<1x128xi32, #tpu.memory_space<vmem>>
        %dma_start3A_274 = tpu.memref_squeeze %dma_start3A_273 : memref<1x128xi32, #tpu.memory_space<vmem>> -> memref<128xi32, #tpu.memory_space<vmem>>
        %dma_start3A_275 = arith.constant 0 : i32
        %dma_start3A_276 = arith.constant 0 : i32
        %dma_start3A_277 = tpu.memref_slice %arg10[%dma_start3A_275, %dma_start3A_276] : memref<10240x128xf32, #tpu.memory_space<vmem_shared>> -> memref<10240x128xf32, #tpu.memory_space<vmem_shared>>
        tpu.enqueue_indirect_dma source(%dma_start3A_271 : memref<128x128xf32, #tpu.memory_space<vmem>>) target(%dma_start3A_277 : memref<10240x128xf32, #tpu.memory_space<vmem_shared>>) offsets(%dma_start3A_274 : memref<128xi32, #tpu.memory_space<vmem>>) semaphore(%run_scoped3A_268 : memref<!tpu.dma_semaphore, #tpu.memory_space<semaphore_mem>>) {add = true}
        %dma_wait3A_278 = arith.constant 128 : i32
        %dma_wait3A_279 = arith.constant 0 : i32
        %dma_wait3A_280 = tpu.memref_slice %arg9[%dma_wait3A_278, %dma_wait3A_279] : memref<256x128xf32, #tpu.memory_space<vmem>> -> memref<128x128xf32, #tpu.memory_space<vmem>>
        %dma_wait3A_281 = arith.constant 0 : i32
        %dma_wait3A_282 = tpu.memref_slice %arg8[%run_scoped3A_121, %dma_wait3A_281] : memref<8x128xi32, #tpu.memory_space<vmem>> -> memref<1x128xi32, #tpu.memory_space<vmem>>
        %dma_wait3A_283 = tpu.memref_squeeze %dma_wait3A_282 : memref<1x128xi32, #tpu.memory_space<vmem>> -> memref<128xi32, #tpu.memory_space<vmem>>
        %dma_wait3A_284 = arith.constant 0 : i32
        %dma_wait3A_285 = arith.constant 0 : i32
        %dma_wait3A_286 = tpu.memref_slice %arg10[%dma_wait3A_284, %dma_wait3A_285] : memref<10240x128xf32, #tpu.memory_space<vmem_shared>> -> memref<10240x128xf32, #tpu.memory_space<vmem_shared>>
        tpu.wait_indirect_dma semaphore(%run_scoped3A_268 : memref<!tpu.dma_semaphore, #tpu.memory_space<semaphore_mem>>) src(%dma_wait3A_280 : memref<128x128xf32, #tpu.memory_space<vmem>>) dst(%dma_wait3A_286 : memref<10240x128xf32, #tpu.memory_space<vmem_shared>>)
        tpu.yield
      }) : () -> ()
      %dma_wait3A_122 = arith.constant 4 : i32
      %dma_wait3A_123 = arith.constant 0 : i32
      %dma_wait3A_124 = tpu.memref_slice %arg7[%dma_wait3A_122, %dma_wait3A_123] : memref<8x128xi32, #tpu.memory_space<vmem>> -> memref<4x128xi32, #tpu.memory_space<vmem>>
      %dma_wait3A_125 = arith.constant 0 : i32
      %dma_wait3A_126 = tpu.memref_slice %arg3[%add3A_20, %dma_wait3A_125] : memref<2568x128xi32, #tpu.memory_space<hbm>> -> memref<4x128xi32, #tpu.memory_space<hbm>>
      %dma_wait3A_127 = arith.constant 4 : i32
      %dma_wait3A_128 = arith.constant 0 : i32
      %dma_wait3A_129 = tpu.memref_slice %arg7[%dma_wait3A_127, %dma_wait3A_128] : memref<8x128xi32, #tpu.memory_space<vmem>> -> memref<4x128xi32, #tpu.memory_space<vmem>>
      %dma_wait3A_130 = arith.constant 0 : i32
      %dma_wait3A_131 = tpu.memref_slice %arg3[%add3A_20, %dma_wait3A_130] : memref<2568x128xi32, #tpu.memory_space<hbm>> -> memref<4x128xi32, #tpu.memory_space<hbm>>
      tpu.wait_dma2 semaphore(%arg12 : memref<!tpu.dma_semaphore, #tpu.memory_space<semaphore_mem>>) src(%dma_wait3A_131 : memref<4x128xi32, #tpu.memory_space<hbm>>) dst(%dma_wait3A_129 : memref<4x128xi32, #tpu.memory_space<vmem>>)
      %dma_wait3A_132 = arith.constant 4 : i32
      %dma_wait3A_133 = arith.constant 0 : i32
      %dma_wait3A_134 = tpu.memref_slice %arg8[%dma_wait3A_132, %dma_wait3A_133] : memref<8x128xi32, #tpu.memory_space<vmem>> -> memref<4x128xi32, #tpu.memory_space<vmem>>
      %dma_wait3A_135 = arith.constant 0 : i32
      %dma_wait3A_136 = tpu.memref_slice %arg4[%add3A_20, %dma_wait3A_135] : memref<2568x128xi32, #tpu.memory_space<hbm>> -> memref<4x128xi32, #tpu.memory_space<hbm>>
      %dma_wait3A_137 = arith.constant 4 : i32
      %dma_wait3A_138 = arith.constant 0 : i32
      %dma_wait3A_139 = tpu.memref_slice %arg8[%dma_wait3A_137, %dma_wait3A_138] : memref<8x128xi32, #tpu.memory_space<vmem>> -> memref<4x128xi32, #tpu.memory_space<vmem>>
      %dma_wait3A_140 = arith.constant 0 : i32
      %dma_wait3A_141 = tpu.memref_slice %arg4[%add3A_20, %dma_wait3A_140] : memref<2568x128xi32, #tpu.memory_space<hbm>> -> memref<4x128xi32, #tpu.memory_space<hbm>>
      tpu.wait_dma2 semaphore(%arg12 : memref<!tpu.dma_semaphore, #tpu.memory_space<semaphore_mem>>) src(%dma_wait3A_141 : memref<4x128xi32, #tpu.memory_space<hbm>>) dst(%dma_wait3A_139 : memref<4x128xi32, #tpu.memory_space<vmem>>)
      %add3A_142 = arith.constant 8 : i32
      %add3A_143 = arith.addi %add3A_18, %add3A_142 : i32
      %dma_start3A_144 = arith.constant 0 : i32
      %dma_start3A_145 = arith.constant 0 : i32
      %dma_start3A_146 = tpu.memref_slice %arg7[%dma_start3A_144, %dma_start3A_145] : memref<8x128xi32, #tpu.memory_space<vmem>> -> memref<4x128xi32, #tpu.memory_space<vmem>>
      %dma_start3A_147 = arith.constant 0 : i32
      %dma_start3A_148 = tpu.memref_slice %arg3[%add3A_143, %dma_start3A_147] : memref<2568x128xi32, #tpu.memory_space<hbm>> -> memref<4x128xi32, #tpu.memory_space<hbm>>
      %dma_start3A_149 = arith.constant 0 : i32
      %dma_start3A_150 = arith.constant 0 : i32
      %dma_start3A_151 = tpu.memref_slice %arg7[%dma_start3A_149, %dma_start3A_150] : memref<8x128xi32, #tpu.memory_space<vmem>> -> memref<4x128xi32, #tpu.memory_space<vmem>>
      %dma_start3A_152 = arith.constant 0 : i32
      %dma_start3A_153 = tpu.memref_slice %arg3[%add3A_143, %dma_start3A_152] : memref<2568x128xi32, #tpu.memory_space<hbm>> -> memref<4x128xi32, #tpu.memory_space<hbm>>
      tpu.enqueue_dma source(%dma_start3A_153 : memref<4x128xi32, #tpu.memory_space<hbm>>) target(%dma_start3A_151 : memref<4x128xi32, #tpu.memory_space<vmem>>) target_semaphore(%arg12 : memref<!tpu.dma_semaphore, #tpu.memory_space<semaphore_mem>>)
      %dma_start3A_154 = arith.constant 0 : i32
      %dma_start3A_155 = arith.constant 0 : i32
      %dma_start3A_156 = tpu.memref_slice %arg8[%dma_start3A_154, %dma_start3A_155] : memref<8x128xi32, #tpu.memory_space<vmem>> -> memref<4x128xi32, #tpu.memory_space<vmem>>
      %dma_start3A_157 = arith.constant 0 : i32
      %dma_start3A_158 = tpu.memref_slice %arg4[%add3A_143, %dma_start3A_157] : memref<2568x128xi32, #tpu.memory_space<hbm>> -> memref<4x128xi32, #tpu.memory_space<hbm>>
      %dma_start3A_159 = arith.constant 0 : i32
      %dma_start3A_160 = arith.constant 0 : i32
      %dma_start3A_161 = tpu.memref_slice %arg8[%dma_start3A_159, %dma_start3A_160] : memref<8x128xi32, #tpu.memory_space<vmem>> -> memref<4x128xi32, #tpu.memory_space<vmem>>
      %dma_start3A_162 = arith.constant 0 : i32
      %dma_start3A_163 = tpu.memref_slice %arg4[%add3A_143, %dma_start3A_162] : memref<2568x128xi32, #tpu.memory_space<hbm>> -> memref<4x128xi32, #tpu.memory_space<hbm>>
      tpu.enqueue_dma source(%dma_start3A_163 : memref<4x128xi32, #tpu.memory_space<hbm>>) target(%dma_start3A_161 : memref<4x128xi32, #tpu.memory_space<vmem>>) target_semaphore(%arg12 : memref<!tpu.dma_semaphore, #tpu.memory_space<semaphore_mem>>)
      %dma_start3A_164 = arith.constant 4 : i32
      %dma_start3A_165 = arith.constant 0 : i32
      %dma_start3A_166 = arith.constant 0 : i32
      %dma_start3A_167 = tpu.memref_slice %arg9[%dma_start3A_165, %dma_start3A_166] : memref<256x128xf32, #tpu.memory_space<vmem>> -> memref<128x128xf32, #tpu.memory_space<vmem>>
      %dma_start3A_168 = arith.constant 0 : i32
      %dma_start3A_169 = tpu.memref_slice %arg7[%dma_start3A_164, %dma_start3A_168] : memref<8x128xi32, #tpu.memory_space<vmem>> -> memref<1x128xi32, #tpu.memory_space<vmem>>
      %dma_start3A_170 = tpu.memref_squeeze %dma_start3A_169 : memref<1x128xi32, #tpu.memory_space<vmem>> -> memref<128xi32, #tpu.memory_space<vmem>>
      %dma_start3A_171 = arith.constant 0 : i32
      %dma_start3A_172 = arith.constant 0 : i32
      %dma_start3A_173 = tpu.memref_slice %arg2[%dma_start3A_171, %dma_start3A_172] : memref<10000x128xf32, #tpu.memory_space<hbm>> -> memref<10000x128xf32, #tpu.memory_space<hbm>>
      tpu.enqueue_indirect_dma source(%dma_start3A_173 : memref<10000x128xf32, #tpu.memory_space<hbm>>) target(%dma_start3A_167 : memref<128x128xf32, #tpu.memory_space<vmem>>) offsets(%dma_start3A_170 : memref<128xi32, #tpu.memory_space<vmem>>) semaphore(%arg11 : memref<!tpu.dma_semaphore, #tpu.memory_space<semaphore_mem>>)
      %dma_start3A_174 = arith.constant 5 : i32
      %dma_start3A_175 = arith.constant 128 : i32
      %dma_start3A_176 = arith.constant 0 : i32
      %dma_start3A_177 = tpu.memref_slice %arg9[%dma_start3A_175, %dma_start3A_176] : memref<256x128xf32, #tpu.memory_space<vmem>> -> memref<128x128xf32, #tpu.memory_space<vmem>>
      %dma_start3A_178 = arith.constant 0 : i32
      %dma_start3A_179 = tpu.memref_slice %arg7[%dma_start3A_174, %dma_start3A_178] : memref<8x128xi32, #tpu.memory_space<vmem>> -> memref<1x128xi32, #tpu.memory_space<vmem>>
      %dma_start3A_180 = tpu.memref_squeeze %dma_start3A_179 : memref<1x128xi32, #tpu.memory_space<vmem>> -> memref<128xi32, #tpu.memory_space<vmem>>
      %dma_start3A_181 = arith.constant 0 : i32
      %dma_start3A_182 = arith.constant 0 : i32
      %dma_start3A_183 = tpu.memref_slice %arg2[%dma_start3A_181, %dma_start3A_182] : memref<10000x128xf32, #tpu.memory_space<hbm>> -> memref<10000x128xf32, #tpu.memory_space<hbm>>
      tpu.enqueue_indirect_dma source(%dma_start3A_183 : memref<10000x128xf32, #tpu.memory_space<hbm>>) target(%dma_start3A_177 : memref<128x128xf32, #tpu.memory_space<vmem>>) offsets(%dma_start3A_180 : memref<128xi32, #tpu.memory_space<vmem>>) semaphore(%arg11 : memref<!tpu.dma_semaphore, #tpu.memory_space<semaphore_mem>>)
      %dma_wait3A_184 = arith.constant 4 : i32
      %dma_wait3A_185 = arith.constant 0 : i32
      %dma_wait3A_186 = arith.constant 0 : i32
      %dma_wait3A_187 = tpu.memref_slice %arg9[%dma_wait3A_185, %dma_wait3A_186] : memref<256x128xf32, #tpu.memory_space<vmem>> -> memref<128x128xf32, #tpu.memory_space<vmem>>
      %dma_wait3A_188 = arith.constant 0 : i32
      %dma_wait3A_189 = tpu.memref_slice %arg7[%dma_wait3A_184, %dma_wait3A_188] : memref<8x128xi32, #tpu.memory_space<vmem>> -> memref<1x128xi32, #tpu.memory_space<vmem>>
      %dma_wait3A_190 = tpu.memref_squeeze %dma_wait3A_189 : memref<1x128xi32, #tpu.memory_space<vmem>> -> memref<128xi32, #tpu.memory_space<vmem>>
      %dma_wait3A_191 = arith.constant 0 : i32
      %dma_wait3A_192 = arith.constant 0 : i32
      %dma_wait3A_193 = tpu.memref_slice %arg2[%dma_wait3A_191, %dma_wait3A_192] : memref<10000x128xf32, #tpu.memory_space<hbm>> -> memref<10000x128xf32, #tpu.memory_space<hbm>>
      tpu.wait_indirect_dma semaphore(%arg11 : memref<!tpu.dma_semaphore, #tpu.memory_space<semaphore_mem>>) src(%dma_wait3A_193 : memref<10000x128xf32, #tpu.memory_space<hbm>>) dst(%dma_wait3A_187 : memref<128x128xf32, #tpu.memory_space<vmem>>)
      %run_scoped3A_194 = arith.constant 4 : i32
      "tpu.region"() ({
        %run_scoped3A_268 = tpu.sem_alloc : memref<!tpu.dma_semaphore, #tpu.memory_space<semaphore_mem>>
        %dma_start3A_269 = arith.constant 0 : i32
        %dma_start3A_270 = arith.constant 0 : i32
        %dma_start3A_271 = tpu.memref_slice %arg9[%dma_start3A_269, %dma_start3A_270] : memref<256x128xf32, #tpu.memory_space<vmem>> -> memref<128x128xf32, #tpu.memory_space<vmem>>
        %dma_start3A_272 = arith.constant 0 : i32
        %dma_start3A_273 = tpu.memref_slice %arg8[%run_scoped3A_194, %dma_start3A_272] : memref<8x128xi32, #tpu.memory_space<vmem>> -> memref<1x128xi32, #tpu.memory_space<vmem>>
        %dma_start3A_274 = tpu.memref_squeeze %dma_start3A_273 : memref<1x128xi32, #tpu.memory_space<vmem>> -> memref<128xi32, #tpu.memory_space<vmem>>
        %dma_start3A_275 = arith.constant 0 : i32
        %dma_start3A_276 = arith.constant 0 : i32
        %dma_start3A_277 = tpu.memref_slice %arg10[%dma_start3A_275, %dma_start3A_276] : memref<10240x128xf32, #tpu.memory_space<vmem_shared>> -> memref<10240x128xf32, #tpu.memory_space<vmem_shared>>
        tpu.enqueue_indirect_dma source(%dma_start3A_271 : memref<128x128xf32, #tpu.memory_space<vmem>>) target(%dma_start3A_277 : memref<10240x128xf32, #tpu.memory_space<vmem_shared>>) offsets(%dma_start3A_274 : memref<128xi32, #tpu.memory_space<vmem>>) semaphore(%run_scoped3A_268 : memref<!tpu.dma_semaphore, #tpu.memory_space<semaphore_mem>>) {add = true}
        %dma_wait3A_278 = arith.constant 0 : i32
        %dma_wait3A_279 = arith.constant 0 : i32
        %dma_wait3A_280 = tpu.memref_slice %arg9[%dma_wait3A_278, %dma_wait3A_279] : memref<256x128xf32, #tpu.memory_space<vmem>> -> memref<128x128xf32, #tpu.memory_space<vmem>>
        %dma_wait3A_281 = arith.constant 0 : i32
        %dma_wait3A_282 = tpu.memref_slice %arg8[%run_scoped3A_194, %dma_wait3A_281] : memref<8x128xi32, #tpu.memory_space<vmem>> -> memref<1x128xi32, #tpu.memory_space<vmem>>
        %dma_wait3A_283 = tpu.memref_squeeze %dma_wait3A_282 : memref<1x128xi32, #tpu.memory_space<vmem>> -> memref<128xi32, #tpu.memory_space<vmem>>
        %dma_wait3A_284 = arith.constant 0 : i32
        %dma_wait3A_285 = arith.constant 0 : i32
        %dma_wait3A_286 = tpu.memref_slice %arg10[%dma_wait3A_284, %dma_wait3A_285] : memref<10240x128xf32, #tpu.memory_space<vmem_shared>> -> memref<10240x128xf32, #tpu.memory_space<vmem_shared>>
        tpu.wait_indirect_dma semaphore(%run_scoped3A_268 : memref<!tpu.dma_semaphore, #tpu.memory_space<semaphore_mem>>) src(%dma_wait3A_280 : memref<128x128xf32, #tpu.memory_space<vmem>>) dst(%dma_wait3A_286 : memref<10240x128xf32, #tpu.memory_space<vmem_shared>>)
        tpu.yield
      }) : () -> ()
      %dma_start3A_195 = arith.constant 6 : i32
      %dma_start3A_196 = arith.constant 0 : i32
      %dma_start3A_197 = arith.constant 0 : i32
      %dma_start3A_198 = tpu.memref_slice %arg9[%dma_start3A_196, %dma_start3A_197] : memref<256x128xf32, #tpu.memory_space<vmem>> -> memref<128x128xf32, #tpu.memory_space<vmem>>
      %dma_start3A_199 = arith.constant 0 : i32
      %dma_start3A_200 = tpu.memref_slice %arg7[%dma_start3A_195, %dma_start3A_199] : memref<8x128xi32, #tpu.memory_space<vmem>> -> memref<1x128xi32, #tpu.memory_space<vmem>>
      %dma_start3A_201 = tpu.memref_squeeze %dma_start3A_200 : memref<1x128xi32, #tpu.memory_space<vmem>> -> memref<128xi32, #tpu.memory_space<vmem>>
      %dma_start3A_202 = arith.constant 0 : i32
      %dma_start3A_203 = arith.constant 0 : i32
      %dma_start3A_204 = tpu.memref_slice %arg2[%dma_start3A_202, %dma_start3A_203] : memref<10000x128xf32, #tpu.memory_space<hbm>> -> memref<10000x128xf32, #tpu.memory_space<hbm>>
      tpu.enqueue_indirect_dma source(%dma_start3A_204 : memref<10000x128xf32, #tpu.memory_space<hbm>>) target(%dma_start3A_198 : memref<128x128xf32, #tpu.memory_space<vmem>>) offsets(%dma_start3A_201 : memref<128xi32, #tpu.memory_space<vmem>>) semaphore(%arg11 : memref<!tpu.dma_semaphore, #tpu.memory_space<semaphore_mem>>)
      %dma_wait3A_205 = arith.constant 5 : i32
      %dma_wait3A_206 = arith.constant 128 : i32
      %dma_wait3A_207 = arith.constant 0 : i32
      %dma_wait3A_208 = tpu.memref_slice %arg9[%dma_wait3A_206, %dma_wait3A_207] : memref<256x128xf32, #tpu.memory_space<vmem>> -> memref<128x128xf32, #tpu.memory_space<vmem>>
      %dma_wait3A_209 = arith.constant 0 : i32
      %dma_wait3A_210 = tpu.memref_slice %arg7[%dma_wait3A_205, %dma_wait3A_209] : memref<8x128xi32, #tpu.memory_space<vmem>> -> memref<1x128xi32, #tpu.memory_space<vmem>>
      %dma_wait3A_211 = tpu.memref_squeeze %dma_wait3A_210 : memref<1x128xi32, #tpu.memory_space<vmem>> -> memref<128xi32, #tpu.memory_space<vmem>>
      %dma_wait3A_212 = arith.constant 0 : i32
      %dma_wait3A_213 = arith.constant 0 : i32
      %dma_wait3A_214 = tpu.memref_slice %arg2[%dma_wait3A_212, %dma_wait3A_213] : memref<10000x128xf32, #tpu.memory_space<hbm>> -> memref<10000x128xf32, #tpu.memory_space<hbm>>
      tpu.wait_indirect_dma semaphore(%arg11 : memref<!tpu.dma_semaphore, #tpu.memory_space<semaphore_mem>>) src(%dma_wait3A_214 : memref<10000x128xf32, #tpu.memory_space<hbm>>) dst(%dma_wait3A_208 : memref<128x128xf32, #tpu.memory_space<vmem>>)
      %run_scoped3A_215 = arith.constant 5 : i32
      "tpu.region"() ({
        %run_scoped3A_268 = tpu.sem_alloc : memref<!tpu.dma_semaphore, #tpu.memory_space<semaphore_mem>>
        %dma_start3A_269 = arith.constant 128 : i32
        %dma_start3A_270 = arith.constant 0 : i32
        %dma_start3A_271 = tpu.memref_slice %arg9[%dma_start3A_269, %dma_start3A_270] : memref<256x128xf32, #tpu.memory_space<vmem>> -> memref<128x128xf32, #tpu.memory_space<vmem>>
        %dma_start3A_272 = arith.constant 0 : i32
        %dma_start3A_273 = tpu.memref_slice %arg8[%run_scoped3A_215, %dma_start3A_272] : memref<8x128xi32, #tpu.memory_space<vmem>> -> memref<1x128xi32, #tpu.memory_space<vmem>>
        %dma_start3A_274 = tpu.memref_squeeze %dma_start3A_273 : memref<1x128xi32, #tpu.memory_space<vmem>> -> memref<128xi32, #tpu.memory_space<vmem>>
        %dma_start3A_275 = arith.constant 0 : i32
        %dma_start3A_276 = arith.constant 0 : i32
        %dma_start3A_277 = tpu.memref_slice %arg10[%dma_start3A_275, %dma_start3A_276] : memref<10240x128xf32, #tpu.memory_space<vmem_shared>> -> memref<10240x128xf32, #tpu.memory_space<vmem_shared>>
        tpu.enqueue_indirect_dma source(%dma_start3A_271 : memref<128x128xf32, #tpu.memory_space<vmem>>) target(%dma_start3A_277 : memref<10240x128xf32, #tpu.memory_space<vmem_shared>>) offsets(%dma_start3A_274 : memref<128xi32, #tpu.memory_space<vmem>>) semaphore(%run_scoped3A_268 : memref<!tpu.dma_semaphore, #tpu.memory_space<semaphore_mem>>) {add = true}
        %dma_wait3A_278 = arith.constant 128 : i32
        %dma_wait3A_279 = arith.constant 0 : i32
        %dma_wait3A_280 = tpu.memref_slice %arg9[%dma_wait3A_278, %dma_wait3A_279] : memref<256x128xf32, #tpu.memory_space<vmem>> -> memref<128x128xf32, #tpu.memory_space<vmem>>
        %dma_wait3A_281 = arith.constant 0 : i32
        %dma_wait3A_282 = tpu.memref_slice %arg8[%run_scoped3A_215, %dma_wait3A_281] : memref<8x128xi32, #tpu.memory_space<vmem>> -> memref<1x128xi32, #tpu.memory_space<vmem>>
        %dma_wait3A_283 = tpu.memref_squeeze %dma_wait3A_282 : memref<1x128xi32, #tpu.memory_space<vmem>> -> memref<128xi32, #tpu.memory_space<vmem>>
        %dma_wait3A_284 = arith.constant 0 : i32
        %dma_wait3A_285 = arith.constant 0 : i32
        %dma_wait3A_286 = tpu.memref_slice %arg10[%dma_wait3A_284, %dma_wait3A_285] : memref<10240x128xf32, #tpu.memory_space<vmem_shared>> -> memref<10240x128xf32, #tpu.memory_space<vmem_shared>>
        tpu.wait_indirect_dma semaphore(%run_scoped3A_268 : memref<!tpu.dma_semaphore, #tpu.memory_space<semaphore_mem>>) src(%dma_wait3A_280 : memref<128x128xf32, #tpu.memory_space<vmem>>) dst(%dma_wait3A_286 : memref<10240x128xf32, #tpu.memory_space<vmem_shared>>)
        tpu.yield
      }) : () -> ()
      %dma_start3A_216 = arith.constant 7 : i32
      %dma_start3A_217 = arith.constant 128 : i32
      %dma_start3A_218 = arith.constant 0 : i32
      %dma_start3A_219 = tpu.memref_slice %arg9[%dma_start3A_217, %dma_start3A_218] : memref<256x128xf32, #tpu.memory_space<vmem>> -> memref<128x128xf32, #tpu.memory_space<vmem>>
      %dma_start3A_220 = arith.constant 0 : i32
      %dma_start3A_221 = tpu.memref_slice %arg7[%dma_start3A_216, %dma_start3A_220] : memref<8x128xi32, #tpu.memory_space<vmem>> -> memref<1x128xi32, #tpu.memory_space<vmem>>
      %dma_start3A_222 = tpu.memref_squeeze %dma_start3A_221 : memref<1x128xi32, #tpu.memory_space<vmem>> -> memref<128xi32, #tpu.memory_space<vmem>>
      %dma_start3A_223 = arith.constant 0 : i32
      %dma_start3A_224 = arith.constant 0 : i32
      %dma_start3A_225 = tpu.memref_slice %arg2[%dma_start3A_223, %dma_start3A_224] : memref<10000x128xf32, #tpu.memory_space<hbm>> -> memref<10000x128xf32, #tpu.memory_space<hbm>>
      tpu.enqueue_indirect_dma source(%dma_start3A_225 : memref<10000x128xf32, #tpu.memory_space<hbm>>) target(%dma_start3A_219 : memref<128x128xf32, #tpu.memory_space<vmem>>) offsets(%dma_start3A_222 : memref<128xi32, #tpu.memory_space<vmem>>) semaphore(%arg11 : memref<!tpu.dma_semaphore, #tpu.memory_space<semaphore_mem>>)
      %dma_wait3A_226 = arith.constant 6 : i32
      %dma_wait3A_227 = arith.constant 0 : i32
      %dma_wait3A_228 = arith.constant 0 : i32
      %dma_wait3A_229 = tpu.memref_slice %arg9[%dma_wait3A_227, %dma_wait3A_228] : memref<256x128xf32, #tpu.memory_space<vmem>> -> memref<128x128xf32, #tpu.memory_space<vmem>>
      %dma_wait3A_230 = arith.constant 0 : i32
      %dma_wait3A_231 = tpu.memref_slice %arg7[%dma_wait3A_226, %dma_wait3A_230] : memref<8x128xi32, #tpu.memory_space<vmem>> -> memref<1x128xi32, #tpu.memory_space<vmem>>
      %dma_wait3A_232 = tpu.memref_squeeze %dma_wait3A_231 : memref<1x128xi32, #tpu.memory_space<vmem>> -> memref<128xi32, #tpu.memory_space<vmem>>
      %dma_wait3A_233 = arith.constant 0 : i32
      %dma_wait3A_234 = arith.constant 0 : i32
      %dma_wait3A_235 = tpu.memref_slice %arg2[%dma_wait3A_233, %dma_wait3A_234] : memref<10000x128xf32, #tpu.memory_space<hbm>> -> memref<10000x128xf32, #tpu.memory_space<hbm>>
      tpu.wait_indirect_dma semaphore(%arg11 : memref<!tpu.dma_semaphore, #tpu.memory_space<semaphore_mem>>) src(%dma_wait3A_235 : memref<10000x128xf32, #tpu.memory_space<hbm>>) dst(%dma_wait3A_229 : memref<128x128xf32, #tpu.memory_space<vmem>>)
      %run_scoped3A_236 = arith.constant 6 : i32
      "tpu.region"() ({
        %run_scoped3A_268 = tpu.sem_alloc : memref<!tpu.dma_semaphore, #tpu.memory_space<semaphore_mem>>
        %dma_start3A_269 = arith.constant 0 : i32
        %dma_start3A_270 = arith.constant 0 : i32
        %dma_start3A_271 = tpu.memref_slice %arg9[%dma_start3A_269, %dma_start3A_270] : memref<256x128xf32, #tpu.memory_space<vmem>> -> memref<128x128xf32, #tpu.memory_space<vmem>>
        %dma_start3A_272 = arith.constant 0 : i32
        %dma_start3A_273 = tpu.memref_slice %arg8[%run_scoped3A_236, %dma_start3A_272] : memref<8x128xi32, #tpu.memory_space<vmem>> -> memref<1x128xi32, #tpu.memory_space<vmem>>
        %dma_start3A_274 = tpu.memref_squeeze %dma_start3A_273 : memref<1x128xi32, #tpu.memory_space<vmem>> -> memref<128xi32, #tpu.memory_space<vmem>>
        %dma_start3A_275 = arith.constant 0 : i32
        %dma_start3A_276 = arith.constant 0 : i32
        %dma_start3A_277 = tpu.memref_slice %arg10[%dma_start3A_275, %dma_start3A_276] : memref<10240x128xf32, #tpu.memory_space<vmem_shared>> -> memref<10240x128xf32, #tpu.memory_space<vmem_shared>>
        tpu.enqueue_indirect_dma source(%dma_start3A_271 : memref<128x128xf32, #tpu.memory_space<vmem>>) target(%dma_start3A_277 : memref<10240x128xf32, #tpu.memory_space<vmem_shared>>) offsets(%dma_start3A_274 : memref<128xi32, #tpu.memory_space<vmem>>) semaphore(%run_scoped3A_268 : memref<!tpu.dma_semaphore, #tpu.memory_space<semaphore_mem>>) {add = true}
        %dma_wait3A_278 = arith.constant 0 : i32
        %dma_wait3A_279 = arith.constant 0 : i32
        %dma_wait3A_280 = tpu.memref_slice %arg9[%dma_wait3A_278, %dma_wait3A_279] : memref<256x128xf32, #tpu.memory_space<vmem>> -> memref<128x128xf32, #tpu.memory_space<vmem>>
        %dma_wait3A_281 = arith.constant 0 : i32
        %dma_wait3A_282 = tpu.memref_slice %arg8[%run_scoped3A_236, %dma_wait3A_281] : memref<8x128xi32, #tpu.memory_space<vmem>> -> memref<1x128xi32, #tpu.memory_space<vmem>>
        %dma_wait3A_283 = tpu.memref_squeeze %dma_wait3A_282 : memref<1x128xi32, #tpu.memory_space<vmem>> -> memref<128xi32, #tpu.memory_space<vmem>>
        %dma_wait3A_284 = arith.constant 0 : i32
        %dma_wait3A_285 = arith.constant 0 : i32
        %dma_wait3A_286 = tpu.memref_slice %arg10[%dma_wait3A_284, %dma_wait3A_285] : memref<10240x128xf32, #tpu.memory_space<vmem_shared>> -> memref<10240x128xf32, #tpu.memory_space<vmem_shared>>
        tpu.wait_indirect_dma semaphore(%run_scoped3A_268 : memref<!tpu.dma_semaphore, #tpu.memory_space<semaphore_mem>>) src(%dma_wait3A_280 : memref<128x128xf32, #tpu.memory_space<vmem>>) dst(%dma_wait3A_286 : memref<10240x128xf32, #tpu.memory_space<vmem_shared>>)
        tpu.yield
      }) : () -> ()
      %dma_wait3A_237 = arith.constant 7 : i32
      %dma_wait3A_238 = arith.constant 128 : i32
      %dma_wait3A_239 = arith.constant 0 : i32
      %dma_wait3A_240 = tpu.memref_slice %arg9[%dma_wait3A_238, %dma_wait3A_239] : memref<256x128xf32, #tpu.memory_space<vmem>> -> memref<128x128xf32, #tpu.memory_space<vmem>>
      %dma_wait3A_241 = arith.constant 0 : i32
      %dma_wait3A_242 = tpu.memref_slice %arg7[%dma_wait3A_237, %dma_wait3A_241] : memref<8x128xi32, #tpu.memory_space<vmem>> -> memref<1x128xi32, #tpu.memory_space<vmem>>
      %dma_wait3A_243 = tpu.memref_squeeze %dma_wait3A_242 : memref<1x128xi32, #tpu.memory_space<vmem>> -> memref<128xi32, #tpu.memory_space<vmem>>
      %dma_wait3A_244 = arith.constant 0 : i32
      %dma_wait3A_245 = arith.constant 0 : i32
      %dma_wait3A_246 = tpu.memref_slice %arg2[%dma_wait3A_244, %dma_wait3A_245] : memref<10000x128xf32, #tpu.memory_space<hbm>> -> memref<10000x128xf32, #tpu.memory_space<hbm>>
      tpu.wait_indirect_dma semaphore(%arg11 : memref<!tpu.dma_semaphore, #tpu.memory_space<semaphore_mem>>) src(%dma_wait3A_246 : memref<10000x128xf32, #tpu.memory_space<hbm>>) dst(%dma_wait3A_240 : memref<128x128xf32, #tpu.memory_space<vmem>>)
      %run_scoped3A_247 = arith.constant 7 : i32
      "tpu.region"() ({
        %run_scoped3A_268 = tpu.sem_alloc : memref<!tpu.dma_semaphore, #tpu.memory_space<semaphore_mem>>
        %dma_start3A_269 = arith.constant 128 : i32
        %dma_start3A_270 = arith.constant 0 : i32
        %dma_start3A_271 = tpu.memref_slice %arg9[%dma_start3A_269, %dma_start3A_270] : memref<256x128xf32, #tpu.memory_space<vmem>> -> memref<128x128xf32, #tpu.memory_space<vmem>>
        %dma_start3A_272 = arith.constant 0 : i32
        %dma_start3A_273 = tpu.memref_slice %arg8[%run_scoped3A_247, %dma_start3A_272] : memref<8x128xi32, #tpu.memory_space<vmem>> -> memref<1x128xi32, #tpu.memory_space<vmem>>
        %dma_start3A_274 = tpu.memref_squeeze %dma_start3A_273 : memref<1x128xi32, #tpu.memory_space<vmem>> -> memref<128xi32, #tpu.memory_space<vmem>>
        %dma_start3A_275 = arith.constant 0 : i32
        %dma_start3A_276 = arith.constant 0 : i32
        %dma_start3A_277 = tpu.memref_slice %arg10[%dma_start3A_275, %dma_start3A_276] : memref<10240x128xf32, #tpu.memory_space<vmem_shared>> -> memref<10240x128xf32, #tpu.memory_space<vmem_shared>>
        tpu.enqueue_indirect_dma source(%dma_start3A_271 : memref<128x128xf32, #tpu.memory_space<vmem>>) target(%dma_start3A_277 : memref<10240x128xf32, #tpu.memory_space<vmem_shared>>) offsets(%dma_start3A_274 : memref<128xi32, #tpu.memory_space<vmem>>) semaphore(%run_scoped3A_268 : memref<!tpu.dma_semaphore, #tpu.memory_space<semaphore_mem>>) {add = true}
        %dma_wait3A_278 = arith.constant 128 : i32
        %dma_wait3A_279 = arith.constant 0 : i32
        %dma_wait3A_280 = tpu.memref_slice %arg9[%dma_wait3A_278, %dma_wait3A_279] : memref<256x128xf32, #tpu.memory_space<vmem>> -> memref<128x128xf32, #tpu.memory_space<vmem>>
        %dma_wait3A_281 = arith.constant 0 : i32
        %dma_wait3A_282 = tpu.memref_slice %arg8[%run_scoped3A_247, %dma_wait3A_281] : memref<8x128xi32, #tpu.memory_space<vmem>> -> memref<1x128xi32, #tpu.memory_space<vmem>>
        %dma_wait3A_283 = tpu.memref_squeeze %dma_wait3A_282 : memref<1x128xi32, #tpu.memory_space<vmem>> -> memref<128xi32, #tpu.memory_space<vmem>>
        %dma_wait3A_284 = arith.constant 0 : i32
        %dma_wait3A_285 = arith.constant 0 : i32
        %dma_wait3A_286 = tpu.memref_slice %arg10[%dma_wait3A_284, %dma_wait3A_285] : memref<10240x128xf32, #tpu.memory_space<vmem_shared>> -> memref<10240x128xf32, #tpu.memory_space<vmem_shared>>
        tpu.wait_indirect_dma semaphore(%run_scoped3A_268 : memref<!tpu.dma_semaphore, #tpu.memory_space<semaphore_mem>>) src(%dma_wait3A_280 : memref<128x128xf32, #tpu.memory_space<vmem>>) dst(%dma_wait3A_286 : memref<10240x128xf32, #tpu.memory_space<vmem_shared>>)
        tpu.yield
      }) : () -> ()
      %dma_wait3A_248 = arith.constant 0 : i32
      %dma_wait3A_249 = arith.constant 0 : i32
      %dma_wait3A_250 = tpu.memref_slice %arg7[%dma_wait3A_248, %dma_wait3A_249] : memref<8x128xi32, #tpu.memory_space<vmem>> -> memref<4x128xi32, #tpu.memory_space<vmem>>
      %dma_wait3A_251 = arith.constant 0 : i32
      %dma_wait3A_252 = tpu.memref_slice %arg3[%add3A_143, %dma_wait3A_251] : memref<2568x128xi32, #tpu.memory_space<hbm>> -> memref<4x128xi32, #tpu.memory_space<hbm>>
      %dma_wait3A_253 = arith.constant 0 : i32
      %dma_wait3A_254 = arith.constant 0 : i32
      %dma_wait3A_255 = tpu.memref_slice %arg7[%dma_wait3A_253, %dma_wait3A_254] : memref<8x128xi32, #tpu.memory_space<vmem>> -> memref<4x128xi32, #tpu.memory_space<vmem>>
      %dma_wait3A_256 = arith.constant 0 : i32
      %dma_wait3A_257 = tpu.memref_slice %arg3[%add3A_143, %dma_wait3A_256] : memref<2568x128xi32, #tpu.memory_space<hbm>> -> memref<4x128xi32, #tpu.memory_space<hbm>>
      tpu.wait_dma2 semaphore(%arg12 : memref<!tpu.dma_semaphore, #tpu.memory_space<semaphore_mem>>) src(%dma_wait3A_257 : memref<4x128xi32, #tpu.memory_space<hbm>>) dst(%dma_wait3A_255 : memref<4x128xi32, #tpu.memory_space<vmem>>)
      %dma_wait3A_258 = arith.constant 0 : i32
      %dma_wait3A_259 = arith.constant 0 : i32
      %dma_wait3A_260 = tpu.memref_slice %arg8[%dma_wait3A_258, %dma_wait3A_259] : memref<8x128xi32, #tpu.memory_space<vmem>> -> memref<4x128xi32, #tpu.memory_space<vmem>>
      %dma_wait3A_261 = arith.constant 0 : i32
      %dma_wait3A_262 = tpu.memref_slice %arg4[%add3A_143, %dma_wait3A_261] : memref<2568x128xi32, #tpu.memory_space<hbm>> -> memref<4x128xi32, #tpu.memory_space<hbm>>
      %dma_wait3A_263 = arith.constant 0 : i32
      %dma_wait3A_264 = arith.constant 0 : i32
      %dma_wait3A_265 = tpu.memref_slice %arg8[%dma_wait3A_263, %dma_wait3A_264] : memref<8x128xi32, #tpu.memory_space<vmem>> -> memref<4x128xi32, #tpu.memory_space<vmem>>
      %dma_wait3A_266 = arith.constant 0 : i32
      %dma_wait3A_267 = tpu.memref_slice %arg4[%add3A_143, %dma_wait3A_266] : memref<2568x128xi32, #tpu.memory_space<hbm>> -> memref<4x128xi32, #tpu.memory_space<hbm>>
      tpu.wait_dma2 semaphore(%arg12 : memref<!tpu.dma_semaphore, #tpu.memory_space<semaphore_mem>>) src(%dma_wait3A_267 : memref<4x128xi32, #tpu.memory_space<hbm>>) dst(%dma_wait3A_265 : memref<4x128xi32, #tpu.memory_space<vmem>>)
    }
    %scan3A_9 = arith.constant 10 : i32
    %barrier3A_10 = arith.constant 0 : index
    tpu.barrier barrier_id(%barrier3A_10)
    %mul3A_11 = arith.constant 640 : i32
    %mul3A_12 = arith.muli %arg1, %mul3A_11 : i32
    %mul3A_13 = arith.constant 640 : i32
    %mul3A_14 = arith.muli %arg1, %mul3A_13 : i32
    "tpu.region"() ({
      %run_scoped3A = tpu.sem_alloc : memref<!tpu.dma_semaphore, #tpu.memory_space<semaphore_mem>>
      %dma_start3A = arith.constant 0 : i32
      %dma_start3A_15 = tpu.memref_slice %arg6[%arg0, %mul3A_14, %dma_start3A] : memref<2x10240x128xf32, #tpu.memory_space<hbm>> -> memref<1x640x128xf32, #tpu.memory_space<hbm>>
      %dma_start3A_16 = tpu.memref_squeeze %dma_start3A_15 : memref<1x640x128xf32, #tpu.memory_space<hbm>> -> memref<640x128xf32, #tpu.memory_space<hbm>>
      %dma_start3A_17 = arith.constant 0 : i32
      %dma_start3A_18 = tpu.memref_slice %arg10[%mul3A_12, %dma_start3A_17] : memref<10240x128xf32, #tpu.memory_space<vmem_shared>> -> memref<640x128xf32, #tpu.memory_space<vmem_shared>>
      tpu.enqueue_dma source(%dma_start3A_18 : memref<640x128xf32, #tpu.memory_space<vmem_shared>>) target(%dma_start3A_16 : memref<640x128xf32, #tpu.memory_space<hbm>>) target_semaphore(%run_scoped3A : memref<!tpu.dma_semaphore, #tpu.memory_space<semaphore_mem>>)
      %dma_wait3A = arith.constant 0 : i32
      %dma_wait3A_19 = tpu.memref_slice %arg6[%arg0, %mul3A_14, %dma_wait3A] : memref<2x10240x128xf32, #tpu.memory_space<hbm>> -> memref<1x640x128xf32, #tpu.memory_space<hbm>>
      %dma_wait3A_20 = tpu.memref_squeeze %dma_wait3A_19 : memref<1x640x128xf32, #tpu.memory_space<hbm>> -> memref<640x128xf32, #tpu.memory_space<hbm>>
      %dma_wait3A_21 = arith.constant 0 : i32
      %dma_wait3A_22 = tpu.memref_slice %arg10[%mul3A_12, %dma_wait3A_21] : memref<10240x128xf32, #tpu.memory_space<vmem_shared>> -> memref<640x128xf32, #tpu.memory_space<vmem_shared>>
      tpu.wait_dma2 semaphore(%run_scoped3A : memref<!tpu.dma_semaphore, #tpu.memory_space<semaphore_mem>>) src(%dma_wait3A_22 : memref<640x128xf32, #tpu.memory_space<vmem_shared>>) dst(%dma_wait3A_20 : memref<640x128xf32, #tpu.memory_space<hbm>>)
      tpu.yield
    }) : () -> ()
    return
  }
}

module attributes {stable_mosaic.version = 14 : i64} {
  func.func @body(%arg0: memref<1xf32, #tpu.memory_space<smem>>, %arg1: memref<10000x128xf32, #tpu.memory_space<vmem>>, %arg2: memref<2x10240x128xf32, #tpu.memory_space<vmem>>, %arg3: memref<128x128xf32, #tpu.memory_space<vmem>>, %arg4: memref<1x128xf32, #tpu.memory_space<vmem>>, %arg5: memref<1x128xf32, #tpu.memory_space<vmem>>, %arg6: memref<1x128xf32, #tpu.memory_space<vmem>>, %arg7: memref<128x128xf32, #tpu.memory_space<vmem>>, %arg8: memref<1x128xf32, #tpu.memory_space<vmem>>, %arg9: memref<1x128xf32, #tpu.memory_space<vmem>>, %arg10: memref<1x128xf32, #tpu.memory_space<vmem>>, %arg11: memref<1x10000xi32, #tpu.memory_space<vmem>>, %arg12: memref<10000x128xf32, #tpu.memory_space<vmem>>, %arg13: memref<64x128xf32, #tpu.memory_space<vmem>>) attributes {dimension_semantics = [], scalar_prefetch = 0 : i64, scratch_operands = 0 : i64, tpu.core_type = #tpu.core_type<tc>} {
    %get3A = arith.constant 0 : index
    %get3A_0 = memref.load %arg0[%get3A] : memref<1xf32, #tpu.memory_space<smem>>
    %get3A_1 = arith.constant 0 : index
    %get3A_2 = arith.constant 0 : index
    %get3A_3 = vector.load %arg1[%get3A_1, %get3A_2] : memref<10000x128xf32, #tpu.memory_space<vmem>>, vector<10000x128xf32>
    %mul3A = vector.broadcast %get3A_0 : f32 to vector<10000x128xf32>
    %mul3A_4 = arith.mulf %mul3A, %get3A_3 : vector<10000x128xf32>
    %get3A_5 = arith.constant 0 : index
    %get3A_6 = arith.constant 0 : index
    %get3A_7 = arith.constant 0 : index
    %get3A_8 = vector.load %arg2[%get3A_5, %get3A_6, %get3A_7] : memref<2x10240x128xf32, #tpu.memory_space<vmem>>, vector<1x10000x128xf32>
    %get3A_9 = vector.shape_cast %get3A_8 : vector<1x10000x128xf32> to vector<10000x128xf32>
    %add3A = arith.addf %mul3A_4, %get3A_9 : vector<10000x128xf32>
    %get3A_10 = arith.constant 1 : index
    %get3A_11 = arith.constant 0 : index
    %get3A_12 = arith.constant 0 : index
    %get3A_13 = vector.load %arg2[%get3A_10, %get3A_11, %get3A_12] : memref<2x10240x128xf32, #tpu.memory_space<vmem>>, vector<1x10000x128xf32>
    %get3A_14 = vector.shape_cast %get3A_13 : vector<1x10000x128xf32> to vector<10000x128xf32>
    %add3A_15 = arith.addf %add3A, %get3A_14 : vector<10000x128xf32>
    %get3A_16 = arith.constant 0 : index
    %get3A_17 = arith.constant 0 : index
    %get3A_18 = vector.load %arg3[%get3A_16, %get3A_17] : memref<128x128xf32, #tpu.memory_space<vmem>>, vector<128x128xf32>
    %dot_general3A = arith.constant dense<0.000000e+00> : vector<10000x128xf32>
    %dot_general3A_19 = tpu.matmul %add3A_15, %get3A_18, %dot_general3A {dimension_numbers = #tpu.dot_dimension_numbers<[1], [0], [0], [1], [0, 0, 1, 1], [], []>, transpose_lhs_hint = false} : vector<10000x128xf32>, vector<128x128xf32>, vector<10000x128xf32> -> vector<10000x128xf32>
    %get3A_20 = arith.constant 0 : index
    %get3A_21 = arith.constant 0 : index
    %get3A_22 = vector.load %arg4[%get3A_20, %get3A_21] : memref<1x128xf32, #tpu.memory_space<vmem>>, vector<1x128xf32>
    %add3A_23 = vector.broadcast %get3A_22 : vector<1x128xf32> to vector<10000x128xf32>
    %add3A_24 = arith.addf %dot_general3A_19, %add3A_23 : vector<10000x128xf32>
    %reduce_sum3A = arith.constant dense<0.000000e+00> : vector<128xf32>
    %reduce_sum3A_25 = vector.multi_reduction <add>, %add3A_24, %reduce_sum3A [0] : vector<10000x128xf32> to vector<128xf32>
    %broadcast_in_dim3A = vector.shape_cast %reduce_sum3A_25 : vector<128xf32> to vector<1x128xf32>
    %div3A = arith.constant 1.000000e+04 : f32
    %div3A_26 = vector.broadcast %div3A : f32 to vector<1x128xf32>
    %div3A_27 = arith.divf %broadcast_in_dim3A, %div3A_26 : vector<1x128xf32>
    %sub3A = vector.broadcast %div3A_27 : vector<1x128xf32> to vector<10000x128xf32>
    %sub3A_28 = arith.subf %add3A_24, %sub3A : vector<10000x128xf32>
    %mul3A_29 = arith.mulf %sub3A_28, %sub3A_28 : vector<10000x128xf32>
    %reduce_sum3A_30 = arith.constant dense<0.000000e+00> : vector<128xf32>
    %reduce_sum3A_31 = vector.multi_reduction <add>, %mul3A_29, %reduce_sum3A_30 [0] : vector<10000x128xf32> to vector<128xf32>
    %broadcast_in_dim3A_32 = vector.shape_cast %reduce_sum3A_31 : vector<128xf32> to vector<1x128xf32>
    %div3A_33 = arith.constant 1.000000e+04 : f32
    %div3A_34 = vector.broadcast %div3A_33 : f32 to vector<1x128xf32>
    %div3A_35 = arith.divf %broadcast_in_dim3A_32, %div3A_34 : vector<1x128xf32>
    %get3A_36 = arith.constant 0 : index
    %get3A_37 = arith.constant 0 : index
    %get3A_38 = vector.load %arg5[%get3A_36, %get3A_37] : memref<1x128xf32, #tpu.memory_space<vmem>>, vector<1x128xf32>
    %mul3A_39 = vector.broadcast %get3A_38 : vector<1x128xf32> to vector<10000x128xf32>
    %mul3A_40 = arith.mulf %mul3A_39, %sub3A_28 : vector<10000x128xf32>
    %add3A_41 = arith.constant 9.99999974E-6 : f32
    %add3A_42 = vector.broadcast %add3A_41 : f32 to vector<1x128xf32>
    %add3A_43 = arith.addf %div3A_35, %add3A_42 : vector<1x128xf32>
    %rsqrt3A = math.rsqrt %add3A_43 : vector<1x128xf32>
    %mul3A_44 = vector.broadcast %rsqrt3A : vector<1x128xf32> to vector<10000x128xf32>
    %mul3A_45 = arith.mulf %mul3A_40, %mul3A_44 : vector<10000x128xf32>
    %get3A_46 = arith.constant 0 : index
    %get3A_47 = arith.constant 0 : index
    %get3A_48 = vector.load %arg6[%get3A_46, %get3A_47] : memref<1x128xf32, #tpu.memory_space<vmem>>, vector<1x128xf32>
    %add3A_49 = vector.broadcast %get3A_48 : vector<1x128xf32> to vector<10000x128xf32>
    %add3A_50 = arith.addf %mul3A_45, %add3A_49 : vector<10000x128xf32>
    %max3A = arith.constant 0.000000e+00 : f32
    %max3A_51 = vector.broadcast %max3A : f32 to vector<10000x128xf32>
    %max3A_52 = arith.maximumf %add3A_50, %max3A_51 : vector<10000x128xf32>
    %get3A_53 = arith.constant 0 : index
    %get3A_54 = arith.constant 0 : index
    %get3A_55 = vector.load %arg7[%get3A_53, %get3A_54] : memref<128x128xf32, #tpu.memory_space<vmem>>, vector<128x128xf32>
    %dot_general3A_56 = arith.constant dense<0.000000e+00> : vector<10000x128xf32>
    %dot_general3A_57 = tpu.matmul %max3A_52, %get3A_55, %dot_general3A_56 {dimension_numbers = #tpu.dot_dimension_numbers<[1], [0], [0], [1], [0, 0, 1, 1], [], []>, transpose_lhs_hint = false} : vector<10000x128xf32>, vector<128x128xf32>, vector<10000x128xf32> -> vector<10000x128xf32>
    %get3A_58 = arith.constant 0 : index
    %get3A_59 = arith.constant 0 : index
    %get3A_60 = vector.load %arg8[%get3A_58, %get3A_59] : memref<1x128xf32, #tpu.memory_space<vmem>>, vector<1x128xf32>
    %add3A_61 = vector.broadcast %get3A_60 : vector<1x128xf32> to vector<10000x128xf32>
    %add3A_62 = arith.addf %dot_general3A_57, %add3A_61 : vector<10000x128xf32>
    %reduce_sum3A_63 = arith.constant dense<0.000000e+00> : vector<128xf32>
    %reduce_sum3A_64 = vector.multi_reduction <add>, %add3A_62, %reduce_sum3A_63 [0] : vector<10000x128xf32> to vector<128xf32>
    %broadcast_in_dim3A_65 = vector.shape_cast %reduce_sum3A_64 : vector<128xf32> to vector<1x128xf32>
    %div3A_66 = arith.constant 1.000000e+04 : f32
    %div3A_67 = vector.broadcast %div3A_66 : f32 to vector<1x128xf32>
    %div3A_68 = arith.divf %broadcast_in_dim3A_65, %div3A_67 : vector<1x128xf32>
    %sub3A_69 = vector.broadcast %div3A_68 : vector<1x128xf32> to vector<10000x128xf32>
    %sub3A_70 = arith.subf %add3A_62, %sub3A_69 : vector<10000x128xf32>
    %mul3A_71 = arith.mulf %sub3A_70, %sub3A_70 : vector<10000x128xf32>
    %reduce_sum3A_72 = arith.constant dense<0.000000e+00> : vector<128xf32>
    %reduce_sum3A_73 = vector.multi_reduction <add>, %mul3A_71, %reduce_sum3A_72 [0] : vector<10000x128xf32> to vector<128xf32>
    %broadcast_in_dim3A_74 = vector.shape_cast %reduce_sum3A_73 : vector<128xf32> to vector<1x128xf32>
    %div3A_75 = arith.constant 1.000000e+04 : f32
    %div3A_76 = vector.broadcast %div3A_75 : f32 to vector<1x128xf32>
    %div3A_77 = arith.divf %broadcast_in_dim3A_74, %div3A_76 : vector<1x128xf32>
    %get3A_78 = arith.constant 0 : index
    %get3A_79 = arith.constant 0 : index
    %get3A_80 = vector.load %arg9[%get3A_78, %get3A_79] : memref<1x128xf32, #tpu.memory_space<vmem>>, vector<1x128xf32>
    %mul3A_81 = vector.broadcast %get3A_80 : vector<1x128xf32> to vector<10000x128xf32>
    %mul3A_82 = arith.mulf %mul3A_81, %sub3A_70 : vector<10000x128xf32>
    %add3A_83 = arith.constant 9.99999974E-6 : f32
    %add3A_84 = vector.broadcast %add3A_83 : f32 to vector<1x128xf32>
    %add3A_85 = arith.addf %div3A_77, %add3A_84 : vector<1x128xf32>
    %rsqrt3A_86 = math.rsqrt %add3A_85 : vector<1x128xf32>
    %mul3A_87 = vector.broadcast %rsqrt3A_86 : vector<1x128xf32> to vector<10000x128xf32>
    %mul3A_88 = arith.mulf %mul3A_82, %mul3A_87 : vector<10000x128xf32>
    %get3A_89 = arith.constant 0 : index
    %get3A_90 = arith.constant 0 : index
    %get3A_91 = vector.load %arg10[%get3A_89, %get3A_90] : memref<1x128xf32, #tpu.memory_space<vmem>>, vector<1x128xf32>
    %add3A_92 = vector.broadcast %get3A_91 : vector<1x128xf32> to vector<10000x128xf32>
    %add3A_93 = arith.addf %mul3A_88, %add3A_92 : vector<10000x128xf32>
    %max3A_94 = arith.constant 0.000000e+00 : f32
    %max3A_95 = vector.broadcast %max3A_94 : f32 to vector<10000x128xf32>
    %max3A_96 = arith.maximumf %add3A_93, %max3A_95 : vector<10000x128xf32>
    %swap3A = arith.constant 0 : index
    %swap3A_97 = arith.constant 0 : index
    %swap3A_98 = vector.load %arg12[%swap3A, %swap3A_97] : memref<10000x128xf32, #tpu.memory_space<vmem>>, vector<10000x128xf32>
    tpu.vector_store %arg12[%swap3A, %swap3A_97], %max3A_96 {strides = array<i32>} : memref<10000x128xf32, #tpu.memory_space<vmem>>, vector<10000x128xf32>,
    %iota3A = tpu.iota {dimensions = array<i32: 0>} : vector<64x10000xi32>
    %get3A_99 = arith.constant 0 : index
    %get3A_100 = arith.constant 0 : index
    %get3A_101 = vector.load %arg11[%get3A_99, %get3A_100] : memref<1x10000xi32, #tpu.memory_space<vmem>>, vector<1x10000xi32>
    %eq3A = vector.broadcast %get3A_101 : vector<1x10000xi32> to vector<64x10000xi32>
    %eq3A_102 = arith.cmpi eq, %iota3A, %eq3A : vector<64x10000xi32>
    %convert_element_type3A = arith.extui %eq3A_102 : vector<64x10000xi1> to vector<64x10000xi32>
    %convert_element_type3A_103 = arith.sitofp %convert_element_type3A : vector<64x10000xi32> to vector<64x10000xf32>
    %dot_general3A_104 = arith.constant dense<0.000000e+00> : vector<64x128xf32>
    %dot_general3A_105 = tpu.matmul %convert_element_type3A_103, %max3A_96, %dot_general3A_104 {dimension_numbers = #tpu.dot_dimension_numbers<[1], [0], [0], [1], [0, 0, 1, 1], [], []>, transpose_lhs_hint = false} : vector<64x10000xf32>, vector<10000x128xf32>, vector<64x128xf32> -> vector<64x128xf32>
    %swap3A_106 = arith.constant 0 : index
    %swap3A_107 = arith.constant 0 : index
    %swap3A_108 = vector.load %arg13[%swap3A_106, %swap3A_107] : memref<64x128xf32, #tpu.memory_space<vmem>>, vector<64x128xf32>
    tpu.vector_store %arg13[%swap3A_106, %swap3A_107], %dot_general3A_105 {strides = array<i32>} : memref<64x128xf32, #tpu.memory_space<vmem>>, vector<64x128xf32>,
    return
  }
}

</mosaic_0001>

<sc_bundles>
// kernel: kernel.11.cloned.1.call-start
scs
__scs_entry_jumppad:
0x0: {  	(pc) =	sbr.rel $0x88, $3  }
0x1: {  	(tag) =	ssettag $0x0;
	lr =	simm.s32 $0x1  }
0x2: {  	[smem:$0x3F95] =	sst lr;
	_ =	strace $0xD0000000  }
0x3: {  	_ = 	snop  }
0x4: {  	_ = 	snop  }
0x5: {  	_ = 	snop  }
0x6: {  	_ = 	snop  }
0x7: {  	_ = 	snop  }
__scs_overlays_trampoline_lowered:
0x8: {  	[smem:$0x3FA4] =	sst s0  }
0x9: {  	[smem:$0x3FA5] =	sst s1  }
0xa: {  	[smem:$0x3FA6] =	sst s2  }
0xb: {  	[smem:$0x3FA7] =	sst s3  }
0xc: {  	[smem:$0x3FA8] =	sst s4  }
0xd: {  	[smem:$0x3FA9] =	sst s5  }
0xe: {  	[smem:$0x3FAA] =	sst s6  }
0xf: {  	[smem:$0x3FAB] =	sst s7  }
0x10: {  	[smem:$0x3FAC] =	sst s8  }
0x11: {  	[smem:$0x3FAD] =	sst s9;
	s0 =	simm.s32 @!p0 $0x0  }
0x12: {  	s1 =	sld [smem:$0x3F93];
	s0 =	simm.s32 @p0 $0x1  }
0x13: {  	[smem:$0x3FAE] =	sst s0;
	s0 =	simm.s32 @!p1 $0x0  }
0x14: {  	s2 =	sld [smem:$0x3F92];
	s0 =	simm.s32 @p1 $0x1  }
0x15: {  	[smem:$0x3FAF] =	sst s0;
	s0 =	simm.s32 @!p2 $0x0  }
0x16: {  	s3 =	sld [smem:$0x3FDB];
	s0 =	simm.s32 @p2 $0x1  }
0x17: {  	s4 =	simm.s32 $0x1BF5;
	[smem:$0x3FB1] =	sst s0  }
0x18: {  	s0 =	sld [smem:$0x3F94];
	_ =	swait.ge [sflag:s4], $0x0  }
0x19: {  	s7 =	sld [smem:$0x3F95]  }
0x1a: {  	s8 =	sadd.s32 $0xFFFFE003, lr  }
0x1b: {  	s9 =	sadd.s32 $0xFFFFFEF7, lr;
	s5 =	simm.s32 $0xFFFFFFFF;
	p2 =	slt.u32 s8, $0xFFFFF086  }
0x1c: {  	p1 =	slt.u32 s9, $0xF7A;
	s5 =	simm.s32 @!p2 $0x0  }
0x1d: {  	s5 =	simm.s32 @p1 $0x1;
	p0 =	seq.s32 s7, s2  }
0x1e: {  	s7 =	smul.u32 @!p0 $0xF7A, s2;
	p2 =	seq.s32 @!p0 s5, $0x0  }
0x1f: {  	s9 =	smul.u32 $0xF7A, s1;
	s8 =	simm.s32 @!p0 $0x1BF5;
	p2 =	por !p2, p0  }
0x20: {  	[sflag:s8] =	ssyncset.s32 @!p0 $0xFFFFF086;
	s6 =	sadd.s32 @!p0 s3, s7;
	s7 =	simm.s32 @!p0 $0x108  }
0x21: {  	s3 =	sadd.s32 s3, s9;
	s6 =	sadd.s32 @!p0 $0x88, s6;
	s7 =	simm.s32 @p2 $0x1082  }
0x22: {  	[simem:s7], [sflag:s8] =	dma.local @!p0 [hbm:s6], $0xF7A  }
0x23: {  	s9 =	sor.u32 $0xD0000000, s2;
	s6 =	simm.s32 $0x108;
	_ =	swait.ge @!p0 [sflag:s8], $0x0  }
0x24: {  	s3 =	sadd.s32 $0x88, s3;
	s6 =	simm.s32 @!p1 $0x1082;
	[sflag:s4] =	ssyncset.s32 $0xFFFFF086  }
0x25: {  	[simem:s6], [sflag:s4] =	dma.local [hbm:s3], $0xF7A  }
0x26: {  	[smem:$0x3F95] =	sst s1;
	(tag) =	ssettag s2;
	_ =	strace s9  }
0x27: {  	s1 =	sld [smem:$0x3FA5]  }
0x28: {  	s2 =	sld [smem:$0x3FA6]  }
0x29: {  	s4 =	sld [smem:$0x3FA8]  }
0x2a: {  	p0 =	seq.s32 s5, $0x0;
	s5 =	sld [smem:$0x3FA9]  }
0x2b: {  	s6 =	sld [smem:$0x3FAA]  }
0x2c: {  	s7 =	sld [smem:$0x3FAB]  }
0x2d: {  	s3 =	simm.s32 $0x108;
	s8 =	sld [smem:$0x3FAC]  }
0x2e: {  	s3 =	simm.s32 @!p0 $0x1082;
	s9 =	sld [smem:$0x3FAD]  }
0x2f: {  	lr =	sadd.s32 s0, s3;
	s0 =	sld [smem:$0x3FA4]  }
0x30: {  	s3 =	sld [smem:$0x3FA7]  }
0x31: {  	[smem:$0x3FB0] =	sst s10  }
0x32: {  	s10 =	sld [smem:$0x3FAE];
	_ =	sdelay $0x3  }
0x33: {  	p0 =	seq.s32 s10, $0x1;
	s10 =	sld [smem:$0x3FB0];
	_ =	sdelay $0x3  }
0x34: {  	[smem:$0x3FB0] =	sst s10  }
0x35: {  	s10 =	sld [smem:$0x3FAF];
	_ =	sdelay $0x3  }
0x36: {  	p1 =	seq.s32 s10, $0x1;
	s10 =	sld [smem:$0x3FB0];
	_ =	sdelay $0x3  }
0x37: {  	[smem:$0x3FB0] =	sst s10  }
0x38: {  	s10 =	sld [smem:$0x3FB1]  }
0x39: {  	_ = 	snop;
	(pc) =	sbr.ind lr, $3  }
0x3a: {  	_ = 	snop  }
0x3b: {  	_ = 	snop  }
0x3c: {  	p2 =	seq.s32 s10, $0x1;
	s10 =	sld [smem:$0x3FB0]  }
0x3d: {  	_ =	shalt  }
0x3e: {  	_ =	shalt  }
0x3f: {  	_ =	shalt  }
0x40: {  	_ =	shalt  }
0x41: {  	_ =	shalt  }
0x42: {  	_ =	shalt  }
0x43: {  	_ =	shalt  }
0x44: {  	_ =	shalt  }
0x45: {  	_ =	shalt  }
0x46: {  	_ =	shalt  }
0x47: {  	_ =	shalt  }
0x48: {  	_ =	shalt  }
0x49: {  	_ =	shalt  }
0x4a: {  	_ =	shalt  }
0x4b: {  	_ =	shalt  }
0x4c: {  	_ =	shalt  }
0x4d: {  	_ =	shalt  }
0x4e: {  	_ =	shalt  }
0x4f: {  	_ =	shalt  }
0x50: {  	_ =	shalt  }
0x51: {  	_ =	shalt  }
0x52: {  	_ =	shalt  }
0x53: {  	_ =	shalt  }
0x54: {  	_ =	shalt  }
0x55: {  	_ =	shalt  }
0x56: {  	_ =	shalt  }
0x57: {  	_ =	shalt  }
0x58: {  	_ =	shalt  }
0x59: {  	_ =	shalt  }
0x5a: {  	_ =	shalt  }
0x5b: {  	_ =	shalt  }
0x5c: {  	_ =	shalt  }
0x5d: {  	_ =	shalt  }
0x5e: {  	_ =	shalt  }
0x5f: {  	_ =	shalt  }
0x60: {  	_ =	shalt  }
0x61: {  	_ =	shalt  }
0x62: {  	_ =	shalt  }
0x63: {  	_ =	shalt  }
0x64: {  	_ =	shalt  }
0x65: {  	_ =	shalt  }
0x66: {  	_ =	shalt  }
0x67: {  	_ =	shalt  }
0x68: {  	_ =	shalt  }
0x69: {  	_ =	shalt  }
0x6a: {  	_ =	shalt  }
0x6b: {  	_ =	shalt  }
0x6c: {  	_ =	shalt  }
0x6d: {  	_ =	shalt  }
0x6e: {  	_ =	shalt  }
0x6f: {  	_ =	shalt  }
0x70: {  	_ =	shalt  }
0x71: {  	_ =	shalt  }
0x72: {  	_ =	shalt  }
0x73: {  	_ =	shalt  }
0x74: {  	_ =	shalt  }
0x75: {  	_ =	shalt  }
0x76: {  	_ =	shalt  }
0x77: {  	_ =	shalt  }
0x78: {  	_ =	shalt  }
0x79: {  	_ =	shalt  }
0x7a: {  	_ =	shalt  }
0x7b: {  	_ =	shalt  }
0x7c: {  	_ =	shalt  }
0x7d: {  	_ =	shalt  }
0x7e: {  	_ =	shalt  }
0x7f: {  	_ =	shalt  }
0x80: {  	_ =	shalt  }
0x81: {  	_ =	shalt  }
0x82: {  	_ =	shalt  }
0x83: {  	_ =	shalt  }
0x84: {  	_ =	shalt  }
0x85: {  	_ =	shalt  }
0x86: {  	_ =	shalt  }
0x87: {  	_ =	shalt  }
.Lfunc_end0:
.L_simem_size_0:
called_computation.1_lowered:
.L_overlay_start_0:
0x88: {  	s2 =	sld [smem:$0x3FD9]  }
0x89: {  	s3 =	sld [smem:$0x3FFE];
	_ =	sdelay $0x1  }
0x8a: {  	s1 =	srdreg.scid  }
0x8b: {  	s0 =	sand.u32 $0x1, s1  }
0x8c: {  	s14 =	sshll.u32 s0, $0xA;
	s2 =	sadd.s32 s3, s2  }
0x8d: {  	s2 =	sadd.s32 s2, s14  }
0x8e: {  	[smem:$0x3FBC] =	sst s2  }
0x8f: {  	_ = 	snop  }
0x90: {  	s2 =	sld [smem:$0x3FD0];
	_ =	sdelay $0x2  }
0x91: {  	s15 =	simm.s32 $0xA;
	s4 =	simm.s32 $0x10  }
0x92: {  	[smem:s4], [sflag:s15] =	dma.local [hbm:s2], $0x1  }
0x93: {  	_ =	swait.eq [sflag:s15], $0x1  }
0x94: {  	[sflag:s15] =	ssyncset.done $0x0  }
0x95: {  	[sflag:s15] =	ssyncadd.s32 $0xFFFFFFFF  }
0x96: {  	s16 =	sld [smem:$0x11];
	(tm) =	ssettm $0x1  }
0x97: {  	s17 =	sld [smem:$0x3FFB];
	_ =	sdelay $0x3  }
0x98: {  	_ =	strace s17  }
0x99: {  	s3 =	sld [smem:$0x3FFC];
	_ =	sdelay $0x3  }
0x9a: {  	_ =	strace s3  }
0x9b: {  	s3 =	sld [smem:$0x3FFD];
	_ =	sdelay $0x3  }
0x9c: {  	_ =	strace s3  }
0x9d: {  	_ =	strace $0x8FFFFFFF  }
0x9e: {  	s18 =	sld [smem:$0x3FDB];
	_ =	sdelay $0x1  }
0x9f: {  	s19 =	simm.s32 $_scs_section_size  }
0xa0: {  	s5 =	simm.s32 $_size__tile_overlayer_lowered;
	s6 =	simm.s32 $_tile_overlayer_lowered  }
0xa1: {  	s22 =	simm.s32 $0x1BFF;
	s21 =	sshll.u32 s6, $0x1;
	s3 =	sadd.s32 s19, s18  }
0xa2: {  	s7 =	simm.s32 $0x0;
	s20 =	sshll.u32 s5, $0x1;
	s5 =	sadd.s32 s21, s3  }
0xa3: {  	[timem:s7], [sflag:s22] =	dma.local [hbm:s5], s20  }
0xa4: {  	_ =	swait.ge [sflag:s22], s20  }
0xa5: {  	s4 =	ssub.s32 $0x0, s20;
	[sflag:s22] =	ssyncset.done $0x0  }
0xa6: {  	[sflag:s22] =	ssyncadd.s32 s4;
	_ =	sdelay $0x1  }
0xa7: {  	s23 =	simm.s32 $0x1B8B  }
0xa8: {  	_ =	swait.ge [sflag:s23], $0x1  }
0xa9: {  	[sflag:s23] =	ssyncset.done $0x0  }
0xaa: {  	s25 =	simm.s32 $0x1B8E;
	s24 =	sld [smem:$0x3FFE];
	[sflag:s23] =	ssyncadd.s32 $0xFFFFFFFF  }
0xab: {  	s26 =	simm.s32 $execute0_lowered;
	[smem:$0x3FD2] =	sst s25  }
0xac: {  	s5 =	sshll.u32 s26, $0x1;
	_ =	strace $0x80000049;
	[dreg:$0x1] =	wrdreg $0xFFFFFFFF  }
0xad: {  	s28 =	simm.s32 $_size_execute0_lowered;
	s3 =	sadd.s32 s3, s5;
	[dreg:$0x0] =	wrdreg $0x0  }
0xae: {  	s5 =	sshll.u32 s28, $0x1;
	[dreg:$0x2] =	wrdreg s3  }
0xaf: {  	[dreg:$0x3] =	wrdreg s5  }
0xb0: {  	[dreg:$0x4] =	wrdreg $0xC0  }
0xb1: {  	_ =	task [dreg:s7], $0x5FFFF  }
0xb2: {  	[dreg:$0x1] =	wrdreg $0xFFFFFFFF  }
0xb3: {  	[dreg:$0x0] =	wrdreg $0x60  }
0xb4: {  	[dreg:$0x2] =	wrdreg s24  }
0xb5: {  	[dreg:$0x3] =	wrdreg s16  }
0xb6: {  	[dreg:$0x4] =	wrdreg $0x88000  }
0xb7: {  	[dreg:$0x5] =	wrdreg $0x9  }
0xb8: {  	_ =	task.clear_ibuf [dreg:s7], $0x6FFFF;
	_ =	strace $0x90000049  }
0xb9: {  	s29 =	simm.s32 $0x9;
	_ =	strace $0x8000004B  }
0xba: {  	_ =	swait.ge [sflag:s29], $0x1  }
0xbb: {  	[sflag:s29] =	ssyncadd.s32 $0xFFFFFFFF  }
0xbc: {  	_ =	strace $0x9000004B  }
0xbd: {  	_ =	sfence  }
0xbe: {  	s30 =	sld [smem:$0x0];
	_ =	sdelay $0x2  }
0xbf: {  	s31 =	sshll.u32 s1, $0xD;
	s1 =	sshrl.u32 s1, $0x2  }
0xc0: {  	s3 =	sand.u32 $0x4000, s31;
	s1 =	sadd.s32 s1, s30  }
0xc1: {  	s0 =	sor.u32 s3, s0;
	s1 =	sshll.u32 s1, $0x11  }
0xc2: {  	s0 =	sor.u32 s1, s0  }
0xc3: {  	s0 =	sadd.s32 $0x8F2B, s0  }
0xc4: {  	[sflag:s0] =	ssyncadd.remote.s32 $0x1  }
0xc5: {  	_ =	sfence.sel $0xFFFF  }
0xc6: {  	[dreg:$0x0] =	wrdreg $0xFFFFFFFF;
	(pc) =	sbr.abs _section_cstart, $3  }
0xc7: {  	[dreg:$0x1] =	wrdreg $0xFFFFFFFF  }
0xc8: {  	_ =	task.clear_ibuf [dreg:s7], $0x2FFFF;
	_ =	strace $0x9FFFFFFF  }
0xc9: {  	(tm) =	ssettm $0x7FFFFFFF  }
tec
execute0_lowered:
.L_overlay_start_1:
0x0: {  	(tag) =	ssettag $0x1  }
0x1: {  	s0 =	rddreg [dreg:$0x0]  }
0x2: {  	s3 =	rddreg [dreg:$0x1]  }
0x3: {  	s1 =	rddreg [dreg:$0x2];
	s2 =	simm.s32 $0x0;
	s5 =	srdreg.scid  }
0x4: {  	s14 =	stileid.u32;
	s15 =	simm.s32 $0x200;
	s16 =	simm.s32 $0x600  }
0x5: {  	s17 =	simm.s32 $0x80;
	s18 =	simm.s32 $0x800;
	s19 =	simm.s32 $0x4800  }
0x6: {  	s28 =	simm.s32 $0x280;
	s29 =	simm.s32 $0x300;
	s30 =	simm.s32 $0x680  }
0x7: {  	s31 =	simm.s32 $0x380;
	[smem:$0x7FF] =	sst s2;
	s4 =	sadd.s32 $0x1BC00, s0  }
0x8: {  	s7 =	sadd.s32 $0x4C00, s0;
	s5 =	sand.u32 $0x1, s5;
	s9 =	smul.u32 $0x50000, s14  }
0x9: {  	s8 =	sadd.s32 $0xEE00, s0;
	s0 =	sadd.s32 $0x19000, s0;
	s11 =	smul.u32 $0x14000, s14  }
0xa: {  	s21 =	sshll.u32 s14, $0x1;
	s12 =	sshll.u32 s14, $0x6;
	s22 =	smul.u32 $0xA00, s14  }
0xb: {  	s14 =	simm.s32 $0x400;
	_ =	strace $0x8000004A;
	s6 =	ssub.s32 $0x2, s5  }
0xc: {  	[dreg:$0x5] =	wrdreg s0;
	s10 =	smul.u32 $0x140000, s5;
	s12 =	sor.u32 $0x1C03, s12  }
0xd: {  	s20 =	sshrl.u32 s6, $0x1;
	s9 =	sshrl.u32 s9, $0x2;
	s24 =	sadd.s32 s22, s7  }
0xe: {  	s26 =	sadd.s32 s22, s8;
	s22 =	simm.s32 $0x480;
	[dreg:$0x6] =	wrdreg s12  }
0xf: {  	s0 =	ssub.s32 s6, s20;
	s6 =	sor.u32 s5, s21;
	s9 =	sadd.s32 s9, s1  }
0x10: {  	s10 =	sadd.s32 s11, s10;
	s5 =	smul.u32 $0x500, s5;
	s20 =	simm.s32 $0x1  }
0x11: {  	s21 =	simm.s32 $0x100;
	s10 =	sshrl.u32 s10, $0x3;
	s0 =	smax.u32 s0, $0x1  }
0x12: {  	s13 =	smul.u32 $0x500, s6;
	s3 =	sadd.s32 s3, s10;
	[dreg:$0xa] =	wrdreg s0  }
0x13: {  	s25 =	sadd.s32 s5, s24;
	s11 =	sadd.s32 s5, s26;
	s24 =	simm.s32 $0x500  }
0x14: {  	s26 =	simm.s32 $0x2;
	s0 =	simm.s32 $0x700;
	[dreg:$0x9] =	wrdreg s3  }
0x15: {  	s5 =	simm.s32 $0x0;
	s6 =	sadd.s32 s7, s13;
	[dreg:$0x4] =	wrdreg s25  }
0x16: {  	s23 =	sadd.s32 s8, s13;
	s7 =	sshrl.u32 s9, $0x3;
	[dreg:$0x7] =	wrdreg s6  }
0x17: {  	s13 =	simm.s32 $0x3;
	s25 =	simm.s32 $0x580;
	[dreg:$0x8] =	wrdreg s23  }
0x18: {  	s3 =	simm.s32 $0x780;
	s23 =	simm.s32 $0x180;
	[dreg:$0xb] =	wrdreg s7  }
.LBB2_1:
0x19: {  	s6 =	rddreg [dreg:$0x5]  }
0x1a: {  	[spmem:s7], [sflag:s12] =	dma.local [hbm:s6], $0x2800  }
0x1b: {  	_ =	swait.ge [sflag:s13], $0x2800  }
0x1c: {  	[sflag:s13] =	ssyncset.done $0x0  }
0x1d: {  	[sflag:s13] =	ssyncadd.s32 $0xFFFFD800  }
0x1e: {  	[bflag:$0x0] =	sbarrier.arrive $0xFFFF  }
0x1f: {  	s7 =	rddreg [dreg:$0x7]  }
0x20: {  	[tilespmem:s2], [sflag:$0x3] =	stream.linear.gather [hbm4b:s7+s2], $0x200, $0x38;
	[tilespmem:$0x1C800] =	vst v63  }
0x21: {  	_ =	swait.ge [sflag:s13], $0x200  }
0x22: {  	[sflag:s13] =	ssyncset.done $0x0  }
0x23: {  	s8 =	rddreg [dreg:$0x8];
	[sflag:s13] =	ssyncadd.s32 $0xFFFFFE00  }
0x24: {  	[tilespmem:s14], [sflag:$0x3] =	stream.linear.gather [hbm4b:s8+s2], $0x200, $0x38;
	[tilespmem:$0x1C800] =	vst v63  }
0x25: {  	_ =	swait.ge [sflag:s13], $0x200  }
0x26: {  	s9 =	rddreg [dreg:$0x4]  }
0x27: {  	[sflag:s13] =	ssyncset.done $0x0;
	s7 =	sadd.s32 $0x0, s9  }
0x28: {  	[sflag:s13] =	ssyncadd.s32 $0xFFFFFE00;
	s9 =	sadd.s32 $0x0, s11;
	s8 =	sadd.s32 $0x40, s7  }
0x29: {  	[tilespmem:s15], [sflag:$0x2] =	stream.linear.gather [hbm4b:s8+s2], $0x200, $0x38;
	[tilespmem:$0x1C800] =	vst v63  }
0x2a: {  	s10 =	sadd.s32 $0x40, s9  }
0x2b: {  	[tilespmem:s16], [sflag:$0x2] =	stream.linear.gather [hbm4b:s10+s2], $0x200, $0x38;
	[tilespmem:$0x1C800] =	vst v63  }
0x2c: {  	_ = 	snop  }
0x2d: {  	[tilespmem:s18], [sflag:$0x1] =	stream.indirect.gather [hbm4b:s4+s17], $0x80, s2, s17, $0xb8;
	[tilespmem:$0x1C800] =	vst v63  }
0x2e: {  	_ = 	snop  }
0x2f: {  	[tilespmem:s19], [sflag:$0x1] =	stream.indirect.gather [hbm4b:s4+s17], $0x80, s17, s17, $0xb8;
	[tilespmem:$0x1C800] =	vst v63  }
0x30: {  	_ =	swait.ge [sflag:s20], $0x4000  }
0x31: {  	[sflag:s20] =	ssyncset.done $0x0  }
0x32: {  	[sflag:s20] =	ssyncadd.s32 $0xFFFFC000  }
0x33: {  	[spmem:s1] =	stream.indirect.scatter.add.f32 [tilespmem:s18], [sflag:$0x3], $0x80, s14, s17, $0xb8;
	[tilespmem:$0x1C800] =	vst v63  }
0x34: {  	_ =	swait.ge [sflag:s13], $0x4000  }
0x35: {  	[sflag:s13] =	ssyncset.done $0x0  }
0x36: {  	[sflag:s13] =	ssyncadd.s32 $0xFFFFC000  }
0x37: {  	[tilespmem:s18], [sflag:$0x1] =	stream.indirect.gather [hbm4b:s4+s17], $0x80, s21, s17, $0xb8;
	[tilespmem:$0x1C800] =	vst v63  }
0x38: {  	_ =	swait.ge [sflag:s20], $0x4000  }
0x39: {  	[sflag:s20] =	ssyncset.done $0x0  }
0x3a: {  	[sflag:s20] =	ssyncadd.s32 $0xFFFFC000  }
0x3b: {  	[spmem:s1] =	stream.indirect.scatter.add.f32 [tilespmem:s19], [sflag:$0x3], $0x80, s22, s17, $0xb8;
	[tilespmem:$0x1C800] =	vst v63  }
0x3c: {  	_ =	swait.ge [sflag:s13], $0x4000  }
0x3d: {  	[sflag:s13] =	ssyncset.done $0x0  }
0x3e: {  	[sflag:s13] =	ssyncadd.s32 $0xFFFFC000  }
0x3f: {  	[tilespmem:s19], [sflag:$0x1] =	stream.indirect.gather [hbm4b:s4+s17], $0x80, s23, s17, $0xb8;
	[tilespmem:$0x1C800] =	vst v63  }
0x40: {  	_ =	swait.ge [sflag:s20], $0x4000  }
0x41: {  	[sflag:s20] =	ssyncset.done $0x0  }
0x42: {  	[sflag:s20] =	ssyncadd.s32 $0xFFFFC000  }
0x43: {  	[spmem:s1] =	stream.indirect.scatter.add.f32 [tilespmem:s18], [sflag:$0x3], $0x80, s24, s17, $0xb8;
	[tilespmem:$0x1C800] =	vst v63  }
0x44: {  	_ =	swait.ge [sflag:s13], $0x4000  }
0x45: {  	[sflag:s13] =	ssyncset.done $0x0  }
0x46: {  	[sflag:s13] =	ssyncadd.s32 $0xFFFFC000  }
0x47: {  	_ =	swait.ge [sflag:s20], $0x4000  }
0x48: {  	[sflag:s20] =	ssyncset.done $0x0  }
0x49: {  	[sflag:s20] =	ssyncadd.s32 $0xFFFFC000  }
0x4a: {  	[spmem:s1] =	stream.indirect.scatter.add.f32 [tilespmem:s19], [sflag:$0x3], $0x80, s25, s17, $0xb8;
	[tilespmem:$0x1C800] =	vst v63  }
0x4b: {  	_ =	swait.ge [sflag:s13], $0x4000  }
0x4c: {  	[sflag:s13] =	ssyncset.done $0x0  }
0x4d: {  	[sflag:s13] =	ssyncadd.s32 $0xFFFFC000  }
0x4e: {  	_ =	swait.ge [sflag:s26], $0x200  }
0x4f: {  	[sflag:s26] =	ssyncset.done $0x0  }
0x50: {  	[sflag:s26] =	ssyncadd.s32 $0xFFFFFE00  }
0x51: {  	_ =	swait.ge [sflag:s26], $0x200  }
0x52: {  	[sflag:s26] =	ssyncset.done $0x0  }
0x53: {  	s7 =	sadd.s32 $0x80, s7;
	[sflag:s26] =	ssyncadd.s32 $0xFFFFFE00  }
0x54: {  	[tilespmem:s2], [sflag:$0x2] =	stream.linear.gather [hbm4b:s7+s2], $0x200, $0x38;
	[tilespmem:$0x1C800] =	vst v63  }
0x55: {  	s12 =	sadd.s32 $0x80, s9  }
0x56: {  	[tilespmem:s14], [sflag:$0x2] =	stream.linear.gather [hbm4b:s12+s2], $0x200, $0x38;
	[tilespmem:$0x1C800] =	vst v63  }
0x57: {  	_ = 	snop  }
0x58: {  	[tilespmem:s18], [sflag:$0x1] =	stream.indirect.gather [hbm4b:s4+s17], $0x80, s15, s17, $0xb8;
	[tilespmem:$0x1C800] =	vst v63  }
0x59: {  	_ = 	snop  }
0x5a: {  	[tilespmem:s19], [sflag:$0x1] =	stream.indirect.gather [hbm4b:s4+s17], $0x80, s28, s17, $0xb8;
	[tilespmem:$0x1C800] =	vst v63  }
0x5b: {  	_ =	swait.ge [sflag:s20], $0x4000  }
0x5c: {  	[sflag:s20] =	ssyncset.done $0x0  }
0x5d: {  	[sflag:s20] =	ssyncadd.s32 $0xFFFFC000  }
0x5e: {  	[spmem:s1] =	stream.indirect.scatter.add.f32 [tilespmem:s18], [sflag:$0x3], $0x80, s16, s17, $0xb8;
	[tilespmem:$0x1C800] =	vst v63  }
0x5f: {  	_ =	swait.ge [sflag:s13], $0x4000  }
0x60: {  	[sflag:s13] =	ssyncset.done $0x0  }
0x61: {  	[sflag:s13] =	ssyncadd.s32 $0xFFFFC000  }
0x62: {  	[tilespmem:s18], [sflag:$0x1] =	stream.indirect.gather [hbm4b:s4+s17], $0x80, s29, s17, $0xb8;
	[tilespmem:$0x1C800] =	vst v63  }
0x63: {  	_ =	swait.ge [sflag:s20], $0x4000  }
0x64: {  	[sflag:s20] =	ssyncset.done $0x0  }
0x65: {  	[sflag:s20] =	ssyncadd.s32 $0xFFFFC000  }
0x66: {  	[spmem:s1] =	stream.indirect.scatter.add.f32 [tilespmem:s19], [sflag:$0x3], $0x80, s30, s17, $0xb8;
	[tilespmem:$0x1C800] =	vst v63  }
0x67: {  	_ =	swait.ge [sflag:s13], $0x4000  }
0x68: {  	[sflag:s13] =	ssyncset.done $0x0  }
0x69: {  	[sflag:s13] =	ssyncadd.s32 $0xFFFFC000  }
0x6a: {  	[tilespmem:s19], [sflag:$0x1] =	stream.indirect.gather [hbm4b:s4+s17], $0x80, s31, s17, $0xb8;
	[tilespmem:$0x1C800] =	vst v63  }
0x6b: {  	_ =	swait.ge [sflag:s20], $0x4000  }
0x6c: {  	[sflag:s20] =	ssyncset.done $0x0  }
0x6d: {  	[sflag:s20] =	ssyncadd.s32 $0xFFFFC000  }
0x6e: {  	[spmem:s1] =	stream.indirect.scatter.add.f32 [tilespmem:s18], [sflag:$0x3], $0x80, s0, s17, $0xb8;
	[tilespmem:$0x1C800] =	vst v63  }
0x6f: {  	_ =	swait.ge [sflag:s13], $0x4000  }
0x70: {  	[sflag:s13] =	ssyncset.done $0x0  }
0x71: {  	[sflag:s13] =	ssyncadd.s32 $0xFFFFC000  }
0x72: {  	_ =	swait.ge [sflag:s20], $0x4000  }
0x73: {  	[sflag:s20] =	ssyncset.done $0x0  }
0x74: {  	[sflag:s20] =	ssyncadd.s32 $0xFFFFC000  }
0x75: {  	[spmem:s1] =	stream.indirect.scatter.add.f32 [tilespmem:s19], [sflag:$0x3], $0x80, s3, s17, $0xb8;
	[tilespmem:$0x1C800] =	vst v63  }
0x76: {  	_ =	swait.ge [sflag:s13], $0x4000  }
0x77: {  	[sflag:s13] =	ssyncset.done $0x0  }
0x78: {  	[sflag:s13] =	ssyncadd.s32 $0xFFFFC000  }
0x79: {  	_ =	swait.ge [sflag:s26], $0x200  }
0x7a: {  	[sflag:s26] =	ssyncset.done $0x0  }
0x7b: {  	[sflag:s26] =	ssyncadd.s32 $0xFFFFFE00  }
0x7c: {  	s8 =	simm.s32 $0x100;
	_ =	swait.ge [sflag:s26], $0x200  }
0x7d: {  	s7 =	simm.s32 $0x80;
	s9 =	rddreg [dreg:$0x4];
	[sflag:s26] =	ssyncset.done $0x0  }
.LBB2_2:
0x7e: {  	s10 =	sadd.s32 s7, s9  }
0x7f: {  	[sflag:s26] =	ssyncadd.s32 $0xFFFFFE00;
	s9 =	sadd.s32 s7, s11;
	s12 =	sadd.s32 $0x40, s10  }
0x80: {  	[tilespmem:s15], [sflag:$0x2] =	stream.linear.gather [hbm4b:s12+s2], $0x200, $0x38;
	[tilespmem:$0x1C800] =	vst v63  }
0x81: {  	s12 =	sadd.s32 $0x40, s9  }
0x82: {  	[tilespmem:s16], [sflag:$0x2] =	stream.linear.gather [hbm4b:s12+s2], $0x200, $0x38;
	[tilespmem:$0x1C800] =	vst v63  }
0x83: {  	_ = 	snop  }
0x84: {  	[tilespmem:s18], [sflag:$0x1] =	stream.indirect.gather [hbm4b:s4+s17], $0x80, s2, s17, $0xb8;
	[tilespmem:$0x1C800] =	vst v63  }
0x85: {  	_ = 	snop  }
0x86: {  	[tilespmem:s19], [sflag:$0x1] =	stream.indirect.gather [hbm4b:s4+s17], $0x80, s17, s17, $0xb8;
	[tilespmem:$0x1C800] =	vst v63  }
0x87: {  	_ =	swait.ge [sflag:s20], $0x4000  }
0x88: {  	[sflag:s20] =	ssyncset.done $0x0  }
0x89: {  	[sflag:s20] =	ssyncadd.s32 $0xFFFFC000  }
0x8a: {  	[spmem:s1] =	stream.indirect.scatter.add.f32 [tilespmem:s18], [sflag:$0x3], $0x80, s14, s17, $0xb8;
	[tilespmem:$0x1C800] =	vst v63  }
0x8b: {  	_ =	swait.ge [sflag:s13], $0x4000  }
0x8c: {  	[sflag:s13] =	ssyncset.done $0x0  }
0x8d: {  	[sflag:s13] =	ssyncadd.s32 $0xFFFFC000  }
0x8e: {  	[tilespmem:s18], [sflag:$0x1] =	stream.indirect.gather [hbm4b:s4+s17], $0x80, s21, s17, $0xb8;
	[tilespmem:$0x1C800] =	vst v63  }
0x8f: {  	_ =	swait.ge [sflag:s20], $0x4000  }
0x90: {  	[sflag:s20] =	ssyncset.done $0x0  }
0x91: {  	[sflag:s20] =	ssyncadd.s32 $0xFFFFC000  }
0x92: {  	[spmem:s1] =	stream.indirect.scatter.add.f32 [tilespmem:s19], [sflag:$0x3], $0x80, s22, s17, $0xb8;
	[tilespmem:$0x1C800] =	vst v63  }
0x93: {  	_ =	swait.ge [sflag:s13], $0x4000  }
0x94: {  	[sflag:s13] =	ssyncset.done $0x0  }
0x95: {  	[sflag:s13] =	ssyncadd.s32 $0xFFFFC000  }
0x96: {  	[tilespmem:s19], [sflag:$0x1] =	stream.indirect.gather [hbm4b:s4+s17], $0x80, s23, s17, $0xb8;
	[tilespmem:$0x1C800] =	vst v63  }
0x97: {  	_ =	swait.ge [sflag:s20], $0x4000  }
0x98: {  	[sflag:s20] =	ssyncset.done $0x0  }
0x99: {  	[sflag:s20] =	ssyncadd.s32 $0xFFFFC000  }
0x9a: {  	[spmem:s1] =	stream.indirect.scatter.add.f32 [tilespmem:s18], [sflag:$0x3], $0x80, s24, s17, $0xb8;
	[tilespmem:$0x1C800] =	vst v63  }
0x9b: {  	_ =	swait.ge [sflag:s13], $0x4000  }
0x9c: {  	[sflag:s13] =	ssyncset.done $0x0  }
0x9d: {  	[sflag:s13] =	ssyncadd.s32 $0xFFFFC000  }
0x9e: {  	_ =	swait.ge [sflag:s20], $0x4000  }
0x9f: {  	[sflag:s20] =	ssyncset.done $0x0  }
0xa0: {  	[sflag:s20] =	ssyncadd.s32 $0xFFFFC000  }
0xa1: {  	[spmem:s1] =	stream.indirect.scatter.add.f32 [tilespmem:s19], [sflag:$0x3], $0x80, s25, s17, $0xb8;
	[tilespmem:$0x1C800] =	vst v63  }
0xa2: {  	_ =	swait.ge [sflag:s13], $0x4000  }
0xa3: {  	[sflag:s13] =	ssyncset.done $0x0  }
0xa4: {  	[sflag:s13] =	ssyncadd.s32 $0xFFFFC000  }
0xa5: {  	_ =	swait.ge [sflag:s26], $0x200  }
0xa6: {  	[sflag:s26] =	ssyncset.done $0x0  }
0xa7: {  	[sflag:s26] =	ssyncadd.s32 $0xFFFFFE00  }
0xa8: {  	_ =	swait.ge [sflag:s26], $0x200  }
0xa9: {  	[sflag:s26] =	ssyncset.done $0x0  }
0xaa: {  	s10 =	sadd.s32 $0x80, s10;
	[sflag:s26] =	ssyncadd.s32 $0xFFFFFE00  }
0xab: {  	[tilespmem:s2], [sflag:$0x2] =	stream.linear.gather [hbm4b:s10+s2], $0x200, $0x38;
	[tilespmem:$0x1C800] =	vst v63  }
0xac: {  	s12 =	sadd.s32 $0x80, s9  }
0xad: {  	[tilespmem:s14], [sflag:$0x2] =	stream.linear.gather [hbm4b:s12+s2], $0x200, $0x38;
	[tilespmem:$0x1C800] =	vst v63  }
0xae: {  	_ = 	snop  }
0xaf: {  	[tilespmem:s18], [sflag:$0x1] =	stream.indirect.gather [hbm4b:s4+s17], $0x80, s15, s17, $0xb8;
	[tilespmem:$0x1C800] =	vst v63  }
0xb0: {  	_ = 	snop  }
0xb1: {  	[tilespmem:s19], [sflag:$0x1] =	stream.indirect.gather [hbm4b:s4+s17], $0x80, s28, s17, $0xb8;
	[tilespmem:$0x1C800] =	vst v63  }
0xb2: {  	_ =	swait.ge [sflag:s20], $0x4000  }
0xb3: {  	[sflag:s20] =	ssyncset.done $0x0  }
0xb4: {  	[sflag:s20] =	ssyncadd.s32 $0xFFFFC000  }
0xb5: {  	[spmem:s1] =	stream.indirect.scatter.add.f32 [tilespmem:s18], [sflag:$0x3], $0x80, s16, s17, $0xb8;
	[tilespmem:$0x1C800] =	vst v63  }
0xb6: {  	_ =	swait.ge [sflag:s13], $0x4000  }
0xb7: {  	[sflag:s13] =	ssyncset.done $0x0  }
0xb8: {  	[sflag:s13] =	ssyncadd.s32 $0xFFFFC000  }
0xb9: {  	[tilespmem:s18], [sflag:$0x1] =	stream.indirect.gather [hbm4b:s4+s17], $0x80, s29, s17, $0xb8;
	[tilespmem:$0x1C800] =	vst v63  }
0xba: {  	_ =	swait.ge [sflag:s20], $0x4000  }
0xbb: {  	[sflag:s20] =	ssyncset.done $0x0  }
0xbc: {  	[sflag:s20] =	ssyncadd.s32 $0xFFFFC000  }
0xbd: {  	[spmem:s1] =	stream.indirect.scatter.add.f32 [tilespmem:s19], [sflag:$0x3], $0x80, s30, s17, $0xb8;
	[tilespmem:$0x1C800] =	vst v63  }
0xbe: {  	_ =	swait.ge [sflag:s13], $0x4000  }
0xbf: {  	[sflag:s13] =	ssyncset.done $0x0  }
0xc0: {  	[sflag:s13] =	ssyncadd.s32 $0xFFFFC000  }
0xc1: {  	[tilespmem:s19], [sflag:$0x1] =	stream.indirect.gather [hbm4b:s4+s17], $0x80, s31, s17, $0xb8;
	[tilespmem:$0x1C800] =	vst v63  }
0xc2: {  	_ =	swait.ge [sflag:s20], $0x4000  }
0xc3: {  	[sflag:s20] =	ssyncset.done $0x0  }
0xc4: {  	[sflag:s20] =	ssyncadd.s32 $0xFFFFC000  }
0xc5: {  	[spmem:s1] =	stream.indirect.scatter.add.f32 [tilespmem:s18], [sflag:$0x3], $0x80, s0, s17, $0xb8;
	[tilespmem:$0x1C800] =	vst v63  }
0xc6: {  	_ =	swait.ge [sflag:s13], $0x4000  }
0xc7: {  	[sflag:s13] =	ssyncset.done $0x0  }
0xc8: {  	[sflag:s13] =	ssyncadd.s32 $0xFFFFC000  }
0xc9: {  	_ =	swait.ge [sflag:s20], $0x4000  }
0xca: {  	[sflag:s20] =	ssyncset.done $0x0  }
0xcb: {  	[sflag:s20] =	ssyncadd.s32 $0xFFFFC000  }
0xcc: {  	[spmem:s1] =	stream.indirect.scatter.add.f32 [tilespmem:s19], [sflag:$0x3], $0x80, s3, s17, $0xb8;
	[tilespmem:$0x1C800] =	vst v63  }
0xcd: {  	_ =	swait.ge [sflag:s13], $0x4000  }
0xce: {  	[sflag:s13] =	ssyncset.done $0x0  }
0xcf: {  	p0 =	sne.s32 s8, $0x480;
	[sflag:s13] =	ssyncadd.s32 $0xFFFFC000  }
.Ltmp0:
0xd0: {  	_ =	swait.ge [sflag:s26], $0x200;
	(pc) =	sbr.rel @p0 .LBB2_2-.Ltmp0, $4  }
0xd1: {  	[sflag:s26] =	ssyncset.done $0x0  }
0xd2: {  	[sflag:s26] =	ssyncadd.s32 $0xFFFFFE00  }
0xd3: {  	s6 =	smov.u32 s8;
	s8 =	sadd.s32 $0x80, s8;
	_ =	swait.ge [sflag:s26], $0x200  }
0xd4: {  	s7 =	smov.u32 s6;
	s9 =	rddreg [dreg:$0x4];
	[sflag:s26] =	ssyncset.done $0x0  }
0xd5: {  	s6 =	sadd.s32 s7, s9  }
0xd6: {  	[sflag:s26] =	ssyncadd.s32 $0xFFFFFE00;
	s10 =	sadd.s32 s7, s11;
	s8 =	sadd.s32 $0x40, s6  }
0xd7: {  	[tilespmem:s15], [sflag:$0x2] =	stream.linear.gather [hbm4b:s8+s2], $0x200, $0x38;
	[tilespmem:$0x1C800] =	vst v63  }
0xd8: {  	s12 =	sadd.s32 $0x40, s10  }
0xd9: {  	[tilespmem:s16], [sflag:$0x2] =	stream.linear.gather [hbm4b:s12+s2], $0x200, $0x38;
	[tilespmem:$0x1C800] =	vst v63  }
0xda: {  	_ = 	snop  }
0xdb: {  	[tilespmem:s18], [sflag:$0x1] =	stream.indirect.gather [hbm4b:s4+s17], $0x80, s2, s17, $0xb8;
	[tilespmem:$0x1C800] =	vst v63  }
0xdc: {  	_ = 	snop  }
0xdd: {  	[tilespmem:s19], [sflag:$0x1] =	stream.indirect.gather [hbm4b:s4+s17], $0x80, s17, s17, $0xb8;
	[tilespmem:$0x1C800] =	vst v63  }
0xde: {  	_ =	swait.ge [sflag:s20], $0x4000  }
0xdf: {  	[sflag:s20] =	ssyncset.done $0x0  }
0xe0: {  	[sflag:s20] =	ssyncadd.s32 $0xFFFFC000  }
0xe1: {  	[spmem:s1] =	stream.indirect.scatter.add.f32 [tilespmem:s18], [sflag:$0x3], $0x80, s14, s17, $0xb8;
	[tilespmem:$0x1C800] =	vst v63  }
0xe2: {  	_ =	swait.ge [sflag:s13], $0x4000  }
0xe3: {  	[sflag:s13] =	ssyncset.done $0x0  }
0xe4: {  	[sflag:s13] =	ssyncadd.s32 $0xFFFFC000  }
0xe5: {  	[tilespmem:s18], [sflag:$0x1] =	stream.indirect.gather [hbm4b:s4+s17], $0x80, s21, s17, $0xb8;
	[tilespmem:$0x1C800] =	vst v63  }
0xe6: {  	_ =	swait.ge [sflag:s20], $0x4000  }
0xe7: {  	[sflag:s20] =	ssyncset.done $0x0  }
0xe8: {  	[sflag:s20] =	ssyncadd.s32 $0xFFFFC000  }
0xe9: {  	[spmem:s1] =	stream.indirect.scatter.add.f32 [tilespmem:s19], [sflag:$0x3], $0x80, s22, s17, $0xb8;
	[tilespmem:$0x1C800] =	vst v63  }
0xea: {  	_ =	swait.ge [sflag:s13], $0x4000  }
0xeb: {  	[sflag:s13] =	ssyncset.done $0x0  }
0xec: {  	[sflag:s13] =	ssyncadd.s32 $0xFFFFC000  }
0xed: {  	[tilespmem:s19], [sflag:$0x1] =	stream.indirect.gather [hbm4b:s4+s17], $0x80, s23, s17, $0xb8;
	[tilespmem:$0x1C800] =	vst v63  }
0xee: {  	_ =	swait.ge [sflag:s20], $0x4000  }
0xef: {  	[sflag:s20] =	ssyncset.done $0x0  }
0xf0: {  	[sflag:s20] =	ssyncadd.s32 $0xFFFFC000  }
0xf1: {  	[spmem:s1] =	stream.indirect.scatter.add.f32 [tilespmem:s18], [sflag:$0x3], $0x80, s24, s17, $0xb8;
	[tilespmem:$0x1C800] =	vst v63  }
0xf2: {  	_ =	swait.ge [sflag:s13], $0x4000  }
0xf3: {  	[sflag:s13] =	ssyncset.done $0x0  }
0xf4: {  	[sflag:s13] =	ssyncadd.s32 $0xFFFFC000  }
0xf5: {  	_ =	swait.ge [sflag:s20], $0x4000  }
0xf6: {  	[sflag:s20] =	ssyncset.done $0x0  }
0xf7: {  	[sflag:s20] =	ssyncadd.s32 $0xFFFFC000  }
0xf8: {  	[spmem:s1] =	stream.indirect.scatter.add.f32 [tilespmem:s19], [sflag:$0x3], $0x80, s25, s17, $0xb8;
	[tilespmem:$0x1C800] =	vst v63  }
0xf9: {  	_ =	swait.ge [sflag:s13], $0x4000  }
0xfa: {  	[sflag:s13] =	ssyncset.done $0x0  }
0xfb: {  	[sflag:s13] =	ssyncadd.s32 $0xFFFFC000  }
0xfc: {  	_ =	swait.ge [sflag:s26], $0x200  }
0xfd: {  	[sflag:s26] =	ssyncset.done $0x0  }
0xfe: {  	[sflag:s26] =	ssyncadd.s32 $0xFFFFFE00  }
0xff: {  	_ =	swait.ge [sflag:s26], $0x200  }
0x100: {  	[sflag:s26] =	ssyncset.done $0x0  }
0x101: {  	s6 =	sadd.s32 $0x80, s6;
	[sflag:s26] =	ssyncadd.s32 $0xFFFFFE00  }
0x102: {  	[tilespmem:s2], [sflag:$0x2] =	stream.linear.gather [hbm4b:s6+s2], $0x200, $0x38;
	[tilespmem:$0x1C800] =	vst v63  }
0x103: {  	s8 =	sadd.s32 $0x80, s10  }
0x104: {  	[tilespmem:s14], [sflag:$0x2] =	stream.linear.gather [hbm4b:s8+s2], $0x200, $0x38;
	[tilespmem:$0x1C800] =	vst v63  }
0x105: {  	_ = 	snop  }
0x106: {  	[tilespmem:s18], [sflag:$0x1] =	stream.indirect.gather [hbm4b:s4+s17], $0x80, s15, s17, $0xb8;
	[tilespmem:$0x1C800] =	vst v63  }
0x107: {  	_ = 	snop  }
0x108: {  	[tilespmem:s19], [sflag:$0x1] =	stream.indirect.gather [hbm4b:s4+s17], $0x80, s28, s17, $0xb8;
	[tilespmem:$0x1C800] =	vst v63  }
0x109: {  	_ =	swait.ge [sflag:s20], $0x4000  }
0x10a: {  	[sflag:s20] =	ssyncset.done $0x0  }
0x10b: {  	[sflag:s20] =	ssyncadd.s32 $0xFFFFC000  }
0x10c: {  	[spmem:s1] =	stream.indirect.scatter.add.f32 [tilespmem:s18], [sflag:$0x3], $0x80, s16, s17, $0xb8;
	[tilespmem:$0x1C800] =	vst v63  }
0x10d: {  	_ =	swait.ge [sflag:s13], $0x4000  }
0x10e: {  	[sflag:s13] =	ssyncset.done $0x0  }
0x10f: {  	[sflag:s13] =	ssyncadd.s32 $0xFFFFC000  }
0x110: {  	[tilespmem:s18], [sflag:$0x1] =	stream.indirect.gather [hbm4b:s4+s17], $0x80, s29, s17, $0xb8;
	[tilespmem:$0x1C800] =	vst v63  }
0x111: {  	_ =	swait.ge [sflag:s20], $0x4000  }
0x112: {  	[sflag:s20] =	ssyncset.done $0x0  }
0x113: {  	[sflag:s20] =	ssyncadd.s32 $0xFFFFC000  }
0x114: {  	[spmem:s1] =	stream.indirect.scatter.add.f32 [tilespmem:s19], [sflag:$0x3], $0x80, s30, s17, $0xb8;
	[tilespmem:$0x1C800] =	vst v63  }
0x115: {  	_ =	swait.ge [sflag:s13], $0x4000  }
0x116: {  	[sflag:s13] =	ssyncset.done $0x0  }
0x117: {  	[sflag:s13] =	ssyncadd.s32 $0xFFFFC000  }
0x118: {  	[tilespmem:s19], [sflag:$0x1] =	stream.indirect.gather [hbm4b:s4+s17], $0x80, s31, s17, $0xb8;
	[tilespmem:$0x1C800] =	vst v63  }
0x119: {  	_ =	swait.ge [sflag:s20], $0x4000  }
0x11a: {  	[sflag:s20] =	ssyncset.done $0x0  }
0x11b: {  	[sflag:s20] =	ssyncadd.s32 $0xFFFFC000  }
0x11c: {  	[spmem:s1] =	stream.indirect.scatter.add.f32 [tilespmem:s18], [sflag:$0x3], $0x80, s0, s17, $0xb8;
	[tilespmem:$0x1C800] =	vst v63  }
0x11d: {  	_ =	swait.ge [sflag:s13], $0x4000  }
0x11e: {  	[sflag:s13] =	ssyncset.done $0x0  }
0x11f: {  	[sflag:s13] =	ssyncadd.s32 $0xFFFFC000  }
0x120: {  	_ =	swait.ge [sflag:s20], $0x4000  }
0x121: {  	[sflag:s20] =	ssyncset.done $0x0  }
0x122: {  	[sflag:s20] =	ssyncadd.s32 $0xFFFFC000  }
0x123: {  	[spmem:s1] =	stream.indirect.scatter.add.f32 [tilespmem:s19], [sflag:$0x3], $0x80, s3, s17, $0xb8;
	[tilespmem:$0x1C800] =	vst v63  }
0x124: {  	_ =	swait.ge [sflag:s13], $0x4000  }
0x125: {  	[sflag:s13] =	ssyncset.done $0x0  }
0x126: {  	[sflag:s13] =	ssyncadd.s32 $0xFFFFC000  }
0x127: {  	_ =	swait.ge [sflag:s26], $0x200  }
0x128: {  	[sflag:s26] =	ssyncset.done $0x0  }
0x129: {  	[sflag:s26] =	ssyncadd.s32 $0xFFFFFE00  }
0x12a: {  	_ =	swait.ge [sflag:s26], $0x200  }
0x12b: {  	[sflag:s26] =	ssyncset.done $0x0  }
0x12c: {  	[sflag:s26] =	ssyncadd.s32 $0xFFFFFE00  }
0x12d: {  	[bflag:$0x0] =	sbarrier.arrive $0xFFFF  }
0x12e: {  	s12 =	rddreg [dreg:$0x6]  }
0x12f: {  	s9 =	rddreg [dreg:$0x9]  }
0x130: {  	s7 =	rddreg [dreg:$0xb]  }
0x131: {  	[hbm:s9], [sflag:s12] =	dma.local [spmem:s7], $0x2800  }
0x132: {  	_ =	swait.ge [sflag:s13], $0x2800  }
0x133: {  	s5 =	sadd.s32 $0x1, s5;
	s10 =	rddreg [dreg:$0xa]  }
0x134: {  	p0 =	sne.s32 s5, s10  }
.Ltmp1:
0x135: {  	_ = 	snop;
	(pc) =	sbr.rel @p0 .LBB2_1-.Ltmp1, $3  }
0x136: {  	_ =	sdelay $0x1  }
0x137: {  	[sflag:s13] =	ssyncset.done $0x0  }
0x138: {  	[sflag:s13] =	ssyncadd.s32 $0xFFFFD800  }
0x139: {  	_ =	sfence.sel $0x180000  }
0x13a: {  	[bflag:$0x0] =	sbarrier.arrive $0xFFFF  }
0x13b: {  	_ =	strace $0x9000004A  }
0x13c: {  	s0 =	stileid.u32;
	[bflag:$0x2] =	sbarrier.arrive $0xFFFF  }
0x13d: {  	p0 =	sne.s32 s0, $0x0;
	s0 =	rddreg [dreg:$0x3]  }
0x13e: {  	s0 =	sadd.s32 @!p0 $0x100000, s0  }
0x13f: {  	[sflag:s0] =	ssyncadd.tile.s32 @!p0 $0x1;
	_ =	shalt  }
.Lfunc_end2:
_tile_overlayer_lowered:
.L_overlay_start_2:
0x140: {  	(tag) =	ssettag $0x2  }
0x141: {  	s0 =	rddreg [dreg:$0x0];
	s2 =	stileid.u32  }
0x142: {  	s1 =	rddreg [dreg:$0x1];
	p0 =	sne.s32 s2, $0x0  }
0x143: {  	s3 =	rddreg [dreg:$0x2];
	[bflag:$0x3] =	sbarrier.arrive $0xFFFF;
	s2 =	simm.s32 @!p0 $0x1C03  }
0x144: {  	[timem:s3], [sflag:s2] =	dma.local @!p0 [hbm:s0], s1  }
0x145: {  	s0 =	simm.s32 @!p0 $0x3  }
0x146: {  	_ =	swait.ge @!p0 [sflag:s0], s1  }
0x147: {  	s1 =	ssub.s32 @!p0 $0x0, s1;
	[sflag:s0] =	ssyncset.done @!p0 $0x0  }
0x148: {  	[sflag:s0] =	ssyncadd.s32 @!p0 s1  }
0x149: {  	[bflag:$0x3] =	sbarrier.arrive $0xFFFF  }
0x14a: {  	_ =	shalt  }

// kernel: kernel.14.cloned.1.call-start
scs
__scs_entry_jumppad:
0x0: {  	(pc) =	sbr.rel $0x88, $3  }
0x1: {  	(tag) =	ssettag $0x0;
	lr =	simm.s32 $0x1  }
0x2: {  	[smem:$0x3F95] =	sst lr;
	_ =	strace $0xD0000000  }
0x3: {  	_ = 	snop  }
0x4: {  	_ = 	snop  }
0x5: {  	_ = 	snop  }
0x6: {  	_ = 	snop  }
0x7: {  	_ = 	snop  }
__scs_overlays_trampoline_lowered:
0x8: {  	[smem:$0x3FA4] =	sst s0  }
0x9: {  	[smem:$0x3FA5] =	sst s1  }
0xa: {  	[smem:$0x3FA6] =	sst s2  }
0xb: {  	[smem:$0x3FA7] =	sst s3  }
0xc: {  	[smem:$0x3FA8] =	sst s4  }
0xd: {  	[smem:$0x3FA9] =	sst s5  }
0xe: {  	[smem:$0x3FAA] =	sst s6  }
0xf: {  	[smem:$0x3FAB] =	sst s7  }
0x10: {  	[smem:$0x3FAC] =	sst s8  }
0x11: {  	[smem:$0x3FAD] =	sst s9;
	s0 =	simm.s32 @!p0 $0x0  }
0x12: {  	s1 =	sld [smem:$0x3F93];
	s0 =	simm.s32 @p0 $0x1  }
0x13: {  	[smem:$0x3FAE] =	sst s0;
	s0 =	simm.s32 @!p1 $0x0  }
0x14: {  	s2 =	sld [smem:$0x3F92];
	s0 =	simm.s32 @p1 $0x1  }
0x15: {  	[smem:$0x3FAF] =	sst s0;
	s0 =	simm.s32 @!p2 $0x0  }
0x16: {  	s3 =	sld [smem:$0x3FDB];
	s0 =	simm.s32 @p2 $0x1  }
0x17: {  	s4 =	simm.s32 $0x1BF5;
	[smem:$0x3FB1] =	sst s0  }
0x18: {  	s0 =	sld [smem:$0x3F94];
	_ =	swait.ge [sflag:s4], $0x0  }
0x19: {  	s7 =	sld [smem:$0x3F95]  }
0x1a: {  	s8 =	sadd.s32 $0xFFFFE003, lr  }
0x1b: {  	s9 =	sadd.s32 $0xFFFFFEF7, lr;
	s5 =	simm.s32 $0xFFFFFFFF;
	p2 =	slt.u32 s8, $0xFFFFF086  }
0x1c: {  	p1 =	slt.u32 s9, $0xF7A;
	s5 =	simm.s32 @!p2 $0x0  }
0x1d: {  	s5 =	simm.s32 @p1 $0x1;
	p0 =	seq.s32 s7, s2  }
0x1e: {  	s7 =	smul.u32 @!p0 $0xF7A, s2;
	p2 =	seq.s32 @!p0 s5, $0x0  }
0x1f: {  	s9 =	smul.u32 $0xF7A, s1;
	s8 =	simm.s32 @!p0 $0x1BF5;
	p2 =	por !p2, p0  }
0x20: {  	[sflag:s8] =	ssyncset.s32 @!p0 $0xFFFFF086;
	s6 =	sadd.s32 @!p0 s3, s7;
	s7 =	simm.s32 @!p0 $0x108  }
0x21: {  	s3 =	sadd.s32 s3, s9;
	s6 =	sadd.s32 @!p0 $0x88, s6;
	s7 =	simm.s32 @p2 $0x1082  }
0x22: {  	[simem:s7], [sflag:s8] =	dma.local @!p0 [hbm:s6], $0xF7A  }
0x23: {  	s9 =	sor.u32 $0xD0000000, s2;
	s6 =	simm.s32 $0x108;
	_ =	swait.ge @!p0 [sflag:s8], $0x0  }
0x24: {  	s3 =	sadd.s32 $0x88, s3;
	s6 =	simm.s32 @!p1 $0x1082;
	[sflag:s4] =	ssyncset.s32 $0xFFFFF086  }
0x25: {  	[simem:s6], [sflag:s4] =	dma.local [hbm:s3], $0xF7A  }
0x26: {  	[smem:$0x3F95] =	sst s1;
	(tag) =	ssettag s2;
	_ =	strace s9  }
0x27: {  	s1 =	sld [smem:$0x3FA5]  }
0x28: {  	s2 =	sld [smem:$0x3FA6]  }
0x29: {  	s4 =	sld [smem:$0x3FA8]  }
0x2a: {  	p0 =	seq.s32 s5, $0x0;
	s5 =	sld [smem:$0x3FA9]  }
0x2b: {  	s6 =	sld [smem:$0x3FAA]  }
0x2c: {  	s7 =	sld [smem:$0x3FAB]  }
0x2d: {  	s3 =	simm.s32 $0x108;
	s8 =	sld [smem:$0x3FAC]  }
0x2e: {  	s3 =	simm.s32 @!p0 $0x1082;
	s9 =	sld [smem:$0x3FAD]  }
0x2f: {  	lr =	sadd.s32 s0, s3;
	s0 =	sld [smem:$0x3FA4]  }
0x30: {  	s3 =	sld [smem:$0x3FA7]  }
0x31: {  	[smem:$0x3FB0] =	sst s10  }
0x32: {  	s10 =	sld [smem:$0x3FAE];
	_ =	sdelay $0x3  }
0x33: {  	p0 =	seq.s32 s10, $0x1;
	s10 =	sld [smem:$0x3FB0];
	_ =	sdelay $0x3  }
0x34: {  	[smem:$0x3FB0] =	sst s10  }
0x35: {  	s10 =	sld [smem:$0x3FAF];
	_ =	sdelay $0x3  }
0x36: {  	p1 =	seq.s32 s10, $0x1;
	s10 =	sld [smem:$0x3FB0];
	_ =	sdelay $0x3  }
0x37: {  	[smem:$0x3FB0] =	sst s10  }
0x38: {  	s10 =	sld [smem:$0x3FB1]  }
0x39: {  	_ = 	snop;
	(pc) =	sbr.ind lr, $3  }
0x3a: {  	_ = 	snop  }
0x3b: {  	_ = 	snop  }
0x3c: {  	p2 =	seq.s32 s10, $0x1;
	s10 =	sld [smem:$0x3FB0]  }
0x3d: {  	_ =	shalt  }
0x3e: {  	_ =	shalt  }
0x3f: {  	_ =	shalt  }
0x40: {  	_ =	shalt  }
0x41: {  	_ =	shalt  }
0x42: {  	_ =	shalt  }
0x43: {  	_ =	shalt  }
0x44: {  	_ =	shalt  }
0x45: {  	_ =	shalt  }
0x46: {  	_ =	shalt  }
0x47: {  	_ =	shalt  }
0x48: {  	_ =	shalt  }
0x49: {  	_ =	shalt  }
0x4a: {  	_ =	shalt  }
0x4b: {  	_ =	shalt  }
0x4c: {  	_ =	shalt  }
0x4d: {  	_ =	shalt  }
0x4e: {  	_ =	shalt  }
0x4f: {  	_ =	shalt  }
0x50: {  	_ =	shalt  }
0x51: {  	_ =	shalt  }
0x52: {  	_ =	shalt  }
0x53: {  	_ =	shalt  }
0x54: {  	_ =	shalt  }
0x55: {  	_ =	shalt  }
0x56: {  	_ =	shalt  }
0x57: {  	_ =	shalt  }
0x58: {  	_ =	shalt  }
0x59: {  	_ =	shalt  }
0x5a: {  	_ =	shalt  }
0x5b: {  	_ =	shalt  }
0x5c: {  	_ =	shalt  }
0x5d: {  	_ =	shalt  }
0x5e: {  	_ =	shalt  }
0x5f: {  	_ =	shalt  }
0x60: {  	_ =	shalt  }
0x61: {  	_ =	shalt  }
0x62: {  	_ =	shalt  }
0x63: {  	_ =	shalt  }
0x64: {  	_ =	shalt  }
0x65: {  	_ =	shalt  }
0x66: {  	_ =	shalt  }
0x67: {  	_ =	shalt  }
0x68: {  	_ =	shalt  }
0x69: {  	_ =	shalt  }
0x6a: {  	_ =	shalt  }
0x6b: {  	_ =	shalt  }
0x6c: {  	_ =	shalt  }
0x6d: {  	_ =	shalt  }
0x6e: {  	_ =	shalt  }
0x6f: {  	_ =	shalt  }
0x70: {  	_ =	shalt  }
0x71: {  	_ =	shalt  }
0x72: {  	_ =	shalt  }
0x73: {  	_ =	shalt  }
0x74: {  	_ =	shalt  }
0x75: {  	_ =	shalt  }
0x76: {  	_ =	shalt  }
0x77: {  	_ =	shalt  }
0x78: {  	_ =	shalt  }
0x79: {  	_ =	shalt  }
0x7a: {  	_ =	shalt  }
0x7b: {  	_ =	shalt  }
0x7c: {  	_ =	shalt  }
0x7d: {  	_ =	shalt  }
0x7e: {  	_ =	shalt  }
0x7f: {  	_ =	shalt  }
0x80: {  	_ =	shalt  }
0x81: {  	_ =	shalt  }
0x82: {  	_ =	shalt  }
0x83: {  	_ =	shalt  }
0x84: {  	_ =	shalt  }
0x85: {  	_ =	shalt  }
0x86: {  	_ =	shalt  }
0x87: {  	_ =	shalt  }
.Lfunc_end0:
.L_simem_size_0:
called_computation.2_lowered:
.L_overlay_start_0:
0x88: {  	s2 =	sld [smem:$0x3FD9]  }
0x89: {  	s3 =	sld [smem:$0x3FFE];
	_ =	sdelay $0x1  }
0x8a: {  	s1 =	srdreg.scid  }
0x8b: {  	s0 =	sand.u32 $0x1, s1  }
0x8c: {  	s14 =	sshll.u32 s0, $0xA;
	s2 =	sadd.s32 s3, s2  }
0x8d: {  	s2 =	sadd.s32 s2, s14  }
0x8e: {  	[smem:$0x3FBC] =	sst s2  }
0x8f: {  	_ = 	snop  }
0x90: {  	s2 =	sld [smem:$0x3FD0];
	_ =	sdelay $0x2  }
0x91: {  	s15 =	simm.s32 $0xA;
	s4 =	simm.s32 $0x10  }
0x92: {  	[smem:s4], [sflag:s15] =	dma.local [hbm:s2], $0x1  }
0x93: {  	_ =	swait.eq [sflag:s15], $0x1  }
0x94: {  	[sflag:s15] =	ssyncset.done $0x0  }
0x95: {  	[sflag:s15] =	ssyncadd.s32 $0xFFFFFFFF  }
0x96: {  	s16 =	sld [smem:$0x11];
	(tm) =	ssettm $0x1  }
0x97: {  	s17 =	sld [smem:$0x3FFB];
	_ =	sdelay $0x3  }
0x98: {  	_ =	strace s17  }
0x99: {  	s3 =	sld [smem:$0x3FFC];
	_ =	sdelay $0x3  }
0x9a: {  	_ =	strace s3  }
0x9b: {  	s3 =	sld [smem:$0x3FFD];
	_ =	sdelay $0x3  }
0x9c: {  	_ =	strace s3  }
0x9d: {  	_ =	strace $0x8FFFFFFF  }
0x9e: {  	s18 =	sld [smem:$0x3FDB];
	_ =	sdelay $0x1  }
0x9f: {  	s19 =	simm.s32 $_scs_section_size  }
0xa0: {  	s5 =	simm.s32 $_size__tile_overlayer_lowered;
	s6 =	simm.s32 $_tile_overlayer_lowered  }
0xa1: {  	s22 =	simm.s32 $0x1BFF;
	s21 =	sshll.u32 s6, $0x1;
	s3 =	sadd.s32 s19, s18  }
0xa2: {  	s7 =	simm.s32 $0x0;
	s20 =	sshll.u32 s5, $0x1;
	s5 =	sadd.s32 s21, s3  }
0xa3: {  	[timem:s7], [sflag:s22] =	dma.local [hbm:s5], s20  }
0xa4: {  	_ =	swait.ge [sflag:s22], s20  }
0xa5: {  	s4 =	ssub.s32 $0x0, s20;
	[sflag:s22] =	ssyncset.done $0x0  }
0xa6: {  	[sflag:s22] =	ssyncadd.s32 s4;
	_ =	sdelay $0x1  }
0xa7: {  	s23 =	simm.s32 $0x1B8B  }
0xa8: {  	_ =	swait.ge [sflag:s23], $0x1  }
0xa9: {  	[sflag:s23] =	ssyncset.done $0x0  }
0xaa: {  	s25 =	simm.s32 $0x1B8E;
	s24 =	sld [smem:$0x3FFE];
	[sflag:s23] =	ssyncadd.s32 $0xFFFFFFFF  }
0xab: {  	s26 =	simm.s32 $execute0_lowered;
	[smem:$0x3FD2] =	sst s25  }
0xac: {  	s5 =	sshll.u32 s26, $0x1;
	_ =	strace $0x8000004C;
	[dreg:$0x1] =	wrdreg $0xFFFFFFFF  }
0xad: {  	s28 =	simm.s32 $_size_execute0_lowered;
	s3 =	sadd.s32 s3, s5;
	[dreg:$0x0] =	wrdreg $0x0  }
0xae: {  	s5 =	sshll.u32 s28, $0x1;
	[dreg:$0x2] =	wrdreg s3  }
0xaf: {  	[dreg:$0x3] =	wrdreg s5  }
0xb0: {  	[dreg:$0x4] =	wrdreg $0xC0  }
0xb1: {  	_ =	task [dreg:s7], $0x5FFFF  }
0xb2: {  	[dreg:$0x1] =	wrdreg $0xFFFFFFFF  }
0xb3: {  	[dreg:$0x0] =	wrdreg $0x60  }
0xb4: {  	[dreg:$0x2] =	wrdreg s24  }
0xb5: {  	[dreg:$0x3] =	wrdreg s16  }
0xb6: {  	[dreg:$0x4] =	wrdreg $0x88000  }
0xb7: {  	[dreg:$0x5] =	wrdreg $0x9  }
0xb8: {  	_ =	task.clear_ibuf [dreg:s7], $0x6FFFF;
	_ =	strace $0x9000004C  }
0xb9: {  	s29 =	simm.s32 $0x9;
	_ =	strace $0x8000004E  }
0xba: {  	_ =	swait.ge [sflag:s29], $0x1  }
0xbb: {  	[sflag:s29] =	ssyncadd.s32 $0xFFFFFFFF  }
0xbc: {  	_ =	strace $0x9000004E  }
0xbd: {  	_ =	sfence  }
0xbe: {  	s30 =	sld [smem:$0x0];
	_ =	sdelay $0x2  }
0xbf: {  	s31 =	sshll.u32 s1, $0xD;
	s1 =	sshrl.u32 s1, $0x2  }
0xc0: {  	s3 =	sand.u32 $0x4000, s31;
	s1 =	sadd.s32 s1, s30  }
0xc1: {  	s0 =	sor.u32 s3, s0;
	s1 =	sshll.u32 s1, $0x11  }
0xc2: {  	s0 =	sor.u32 s1, s0  }
0xc3: {  	s0 =	sadd.s32 $0x8F2B, s0  }
0xc4: {  	[sflag:s0] =	ssyncadd.remote.s32 $0x1  }
0xc5: {  	_ =	sfence.sel $0xFFFF  }
0xc6: {  	[dreg:$0x0] =	wrdreg $0xFFFFFFFF;
	(pc) =	sbr.abs _section_cstart, $3  }
0xc7: {  	[dreg:$0x1] =	wrdreg $0xFFFFFFFF  }
0xc8: {  	_ =	task.clear_ibuf [dreg:s7], $0x2FFFF;
	_ =	strace $0x9FFFFFFF  }
0xc9: {  	(tm) =	ssettm $0x7FFFFFFF  }
tec
execute0_lowered:
.L_overlay_start_1:
0x0: {  	(tag) =	ssettag $0x1  }
0x1: {  	s0 =	rddreg [dreg:$0x0]  }
0x2: {  	s3 =	rddreg [dreg:$0x1]  }
0x3: {  	s1 =	rddreg [dreg:$0x2];
	s2 =	simm.s32 $0x0;
	s5 =	srdreg.scid  }
0x4: {  	s14 =	stileid.u32;
	s15 =	simm.s32 $0x200;
	s16 =	simm.s32 $0x600  }
0x5: {  	s17 =	simm.s32 $0x80;
	s18 =	simm.s32 $0x800;
	s19 =	simm.s32 $0x4800  }
0x6: {  	s28 =	simm.s32 $0x280;
	s29 =	simm.s32 $0x300;
	s30 =	simm.s32 $0x680  }
0x7: {  	s31 =	simm.s32 $0x380;
	[smem:$0x7FF] =	sst s2;
	s4 =	sadd.s32 $0x1BC00, s0  }
0x8: {  	s7 =	sadd.s32 $0x4C00, s0;
	s5 =	sand.u32 $0x1, s5;
	s9 =	smul.u32 $0x50000, s14  }
0x9: {  	s8 =	sadd.s32 $0xEE00, s0;
	s0 =	sadd.s32 $0x19000, s0;
	s11 =	smul.u32 $0x14000, s14  }
0xa: {  	s21 =	sshll.u32 s14, $0x1;
	s12 =	sshll.u32 s14, $0x6;
	s22 =	smul.u32 $0xA00, s14  }
0xb: {  	s14 =	simm.s32 $0x400;
	_ =	strace $0x8000004D;
	s6 =	ssub.s32 $0x2, s5  }
0xc: {  	[dreg:$0x5] =	wrdreg s0;
	s10 =	smul.u32 $0x140000, s5;
	s12 =	sor.u32 $0x1C03, s12  }
0xd: {  	s20 =	sshrl.u32 s6, $0x1;
	s9 =	sshrl.u32 s9, $0x2;
	s24 =	sadd.s32 s22, s7  }
0xe: {  	s26 =	sadd.s32 s22, s8;
	s22 =	simm.s32 $0x480;
	[dreg:$0x6] =	wrdreg s12  }
0xf: {  	s0 =	ssub.s32 s6, s20;
	s6 =	sor.u32 s5, s21;
	s9 =	sadd.s32 s9, s1  }
0x10: {  	s10 =	sadd.s32 s11, s10;
	s5 =	smul.u32 $0x500, s5;
	s20 =	simm.s32 $0x1  }
0x11: {  	s21 =	simm.s32 $0x100;
	s10 =	sshrl.u32 s10, $0x3;
	s0 =	smax.u32 s0, $0x1  }
0x12: {  	s13 =	smul.u32 $0x500, s6;
	s3 =	sadd.s32 s3, s10;
	[dreg:$0xa] =	wrdreg s0  }
0x13: {  	s25 =	sadd.s32 s5, s24;
	s11 =	sadd.s32 s5, s26;
	s24 =	simm.s32 $0x500  }
0x14: {  	s26 =	simm.s32 $0x2;
	s0 =	simm.s32 $0x700;
	[dreg:$0x9] =	wrdreg s3  }
0x15: {  	s5 =	simm.s32 $0x0;
	s6 =	sadd.s32 s7, s13;
	[dreg:$0x4] =	wrdreg s25  }
0x16: {  	s23 =	sadd.s32 s8, s13;
	s7 =	sshrl.u32 s9, $0x3;
	[dreg:$0x7] =	wrdreg s6  }
0x17: {  	s13 =	simm.s32 $0x3;
	s25 =	simm.s32 $0x580;
	[dreg:$0x8] =	wrdreg s23  }
0x18: {  	s3 =	simm.s32 $0x780;
	s23 =	simm.s32 $0x180;
	[dreg:$0xb] =	wrdreg s7  }
.LBB2_1:
0x19: {  	s6 =	rddreg [dreg:$0x5]  }
0x1a: {  	[spmem:s7], [sflag:s12] =	dma.local [hbm:s6], $0x2800  }
0x1b: {  	_ =	swait.ge [sflag:s13], $0x2800  }
0x1c: {  	[sflag:s13] =	ssyncset.done $0x0  }
0x1d: {  	[sflag:s13] =	ssyncadd.s32 $0xFFFFD800  }
0x1e: {  	[bflag:$0x0] =	sbarrier.arrive $0xFFFF  }
0x1f: {  	s7 =	rddreg [dreg:$0x7]  }
0x20: {  	[tilespmem:s2], [sflag:$0x3] =	stream.linear.gather [hbm4b:s7+s2], $0x200, $0x38;
	[tilespmem:$0x1C800] =	vst v63  }
0x21: {  	_ =	swait.ge [sflag:s13], $0x200  }
0x22: {  	[sflag:s13] =	ssyncset.done $0x0  }
0x23: {  	s8 =	rddreg [dreg:$0x8];
	[sflag:s13] =	ssyncadd.s32 $0xFFFFFE00  }
0x24: {  	[tilespmem:s14], [sflag:$0x3] =	stream.linear.gather [hbm4b:s8+s2], $0x200, $0x38;
	[tilespmem:$0x1C800] =	vst v63  }
0x25: {  	_ =	swait.ge [sflag:s13], $0x200  }
0x26: {  	s9 =	rddreg [dreg:$0x4]  }
0x27: {  	[sflag:s13] =	ssyncset.done $0x0;
	s7 =	sadd.s32 $0x0, s9  }
0x28: {  	[sflag:s13] =	ssyncadd.s32 $0xFFFFFE00;
	s9 =	sadd.s32 $0x0, s11;
	s8 =	sadd.s32 $0x40, s7  }
0x29: {  	[tilespmem:s15], [sflag:$0x2] =	stream.linear.gather [hbm4b:s8+s2], $0x200, $0x38;
	[tilespmem:$0x1C800] =	vst v63  }
0x2a: {  	s10 =	sadd.s32 $0x40, s9  }
0x2b: {  	[tilespmem:s16], [sflag:$0x2] =	stream.linear.gather [hbm4b:s10+s2], $0x200, $0x38;
	[tilespmem:$0x1C800] =	vst v63  }
0x2c: {  	_ = 	snop  }
0x2d: {  	[tilespmem:s18], [sflag:$0x1] =	stream.indirect.gather [hbm4b:s4+s17], $0x80, s2, s17, $0xb8;
	[tilespmem:$0x1C800] =	vst v63  }
0x2e: {  	_ = 	snop  }
0x2f: {  	[tilespmem:s19], [sflag:$0x1] =	stream.indirect.gather [hbm4b:s4+s17], $0x80, s17, s17, $0xb8;
	[tilespmem:$0x1C800] =	vst v63  }
0x30: {  	_ =	swait.ge [sflag:s20], $0x4000  }
0x31: {  	[sflag:s20] =	ssyncset.done $0x0  }
0x32: {  	[sflag:s20] =	ssyncadd.s32 $0xFFFFC000  }
0x33: {  	[spmem:s1] =	stream.indirect.scatter.add.f32 [tilespmem:s18], [sflag:$0x3], $0x80, s14, s17, $0xb8;
	[tilespmem:$0x1C800] =	vst v63  }
0x34: {  	_ =	swait.ge [sflag:s13], $0x4000  }
0x35: {  	[sflag:s13] =	ssyncset.done $0x0  }
0x36: {  	[sflag:s13] =	ssyncadd.s32 $0xFFFFC000  }
0x37: {  	[tilespmem:s18], [sflag:$0x1] =	stream.indirect.gather [hbm4b:s4+s17], $0x80, s21, s17, $0xb8;
	[tilespmem:$0x1C800] =	vst v63  }
0x38: {  	_ =	swait.ge [sflag:s20], $0x4000  }
0x39: {  	[sflag:s20] =	ssyncset.done $0x0  }
0x3a: {  	[sflag:s20] =	ssyncadd.s32 $0xFFFFC000  }
0x3b: {  	[spmem:s1] =	stream.indirect.scatter.add.f32 [tilespmem:s19], [sflag:$0x3], $0x80, s22, s17, $0xb8;
	[tilespmem:$0x1C800] =	vst v63  }
0x3c: {  	_ =	swait.ge [sflag:s13], $0x4000  }
0x3d: {  	[sflag:s13] =	ssyncset.done $0x0  }
0x3e: {  	[sflag:s13] =	ssyncadd.s32 $0xFFFFC000  }
0x3f: {  	[tilespmem:s19], [sflag:$0x1] =	stream.indirect.gather [hbm4b:s4+s17], $0x80, s23, s17, $0xb8;
	[tilespmem:$0x1C800] =	vst v63  }
0x40: {  	_ =	swait.ge [sflag:s20], $0x4000  }
0x41: {  	[sflag:s20] =	ssyncset.done $0x0  }
0x42: {  	[sflag:s20] =	ssyncadd.s32 $0xFFFFC000  }
0x43: {  	[spmem:s1] =	stream.indirect.scatter.add.f32 [tilespmem:s18], [sflag:$0x3], $0x80, s24, s17, $0xb8;
	[tilespmem:$0x1C800] =	vst v63  }
0x44: {  	_ =	swait.ge [sflag:s13], $0x4000  }
0x45: {  	[sflag:s13] =	ssyncset.done $0x0  }
0x46: {  	[sflag:s13] =	ssyncadd.s32 $0xFFFFC000  }
0x47: {  	_ =	swait.ge [sflag:s20], $0x4000  }
0x48: {  	[sflag:s20] =	ssyncset.done $0x0  }
0x49: {  	[sflag:s20] =	ssyncadd.s32 $0xFFFFC000  }
0x4a: {  	[spmem:s1] =	stream.indirect.scatter.add.f32 [tilespmem:s19], [sflag:$0x3], $0x80, s25, s17, $0xb8;
	[tilespmem:$0x1C800] =	vst v63  }
0x4b: {  	_ =	swait.ge [sflag:s13], $0x4000  }
0x4c: {  	[sflag:s13] =	ssyncset.done $0x0  }
0x4d: {  	[sflag:s13] =	ssyncadd.s32 $0xFFFFC000  }
0x4e: {  	_ =	swait.ge [sflag:s26], $0x200  }
0x4f: {  	[sflag:s26] =	ssyncset.done $0x0  }
0x50: {  	[sflag:s26] =	ssyncadd.s32 $0xFFFFFE00  }
0x51: {  	_ =	swait.ge [sflag:s26], $0x200  }
0x52: {  	[sflag:s26] =	ssyncset.done $0x0  }
0x53: {  	s7 =	sadd.s32 $0x80, s7;
	[sflag:s26] =	ssyncadd.s32 $0xFFFFFE00  }
0x54: {  	[tilespmem:s2], [sflag:$0x2] =	stream.linear.gather [hbm4b:s7+s2], $0x200, $0x38;
	[tilespmem:$0x1C800] =	vst v63  }
0x55: {  	s12 =	sadd.s32 $0x80, s9  }
0x56: {  	[tilespmem:s14], [sflag:$0x2] =	stream.linear.gather [hbm4b:s12+s2], $0x200, $0x38;
	[tilespmem:$0x1C800] =	vst v63  }
0x57: {  	_ = 	snop  }
0x58: {  	[tilespmem:s18], [sflag:$0x1] =	stream.indirect.gather [hbm4b:s4+s17], $0x80, s15, s17, $0xb8;
	[tilespmem:$0x1C800] =	vst v63  }
0x59: {  	_ = 	snop  }
0x5a: {  	[tilespmem:s19], [sflag:$0x1] =	stream.indirect.gather [hbm4b:s4+s17], $0x80, s28, s17, $0xb8;
	[tilespmem:$0x1C800] =	vst v63  }
0x5b: {  	_ =	swait.ge [sflag:s20], $0x4000  }
0x5c: {  	[sflag:s20] =	ssyncset.done $0x0  }
0x5d: {  	[sflag:s20] =	ssyncadd.s32 $0xFFFFC000  }
0x5e: {  	[spmem:s1] =	stream.indirect.scatter.add.f32 [tilespmem:s18], [sflag:$0x3], $0x80, s16, s17, $0xb8;
	[tilespmem:$0x1C800] =	vst v63  }
0x5f: {  	_ =	swait.ge [sflag:s13], $0x4000  }
0x60: {  	[sflag:s13] =	ssyncset.done $0x0  }
0x61: {  	[sflag:s13] =	ssyncadd.s32 $0xFFFFC000  }
0x62: {  	[tilespmem:s18], [sflag:$0x1] =	stream.indirect.gather [hbm4b:s4+s17], $0x80, s29, s17, $0xb8;
	[tilespmem:$0x1C800] =	vst v63  }
0x63: {  	_ =	swait.ge [sflag:s20], $0x4000  }
0x64: {  	[sflag:s20] =	ssyncset.done $0x0  }
0x65: {  	[sflag:s20] =	ssyncadd.s32 $0xFFFFC000  }
0x66: {  	[spmem:s1] =	stream.indirect.scatter.add.f32 [tilespmem:s19], [sflag:$0x3], $0x80, s30, s17, $0xb8;
	[tilespmem:$0x1C800] =	vst v63  }
0x67: {  	_ =	swait.ge [sflag:s13], $0x4000  }
0x68: {  	[sflag:s13] =	ssyncset.done $0x0  }
0x69: {  	[sflag:s13] =	ssyncadd.s32 $0xFFFFC000  }
0x6a: {  	[tilespmem:s19], [sflag:$0x1] =	stream.indirect.gather [hbm4b:s4+s17], $0x80, s31, s17, $0xb8;
	[tilespmem:$0x1C800] =	vst v63  }
0x6b: {  	_ =	swait.ge [sflag:s20], $0x4000  }
0x6c: {  	[sflag:s20] =	ssyncset.done $0x0  }
0x6d: {  	[sflag:s20] =	ssyncadd.s32 $0xFFFFC000  }
0x6e: {  	[spmem:s1] =	stream.indirect.scatter.add.f32 [tilespmem:s18], [sflag:$0x3], $0x80, s0, s17, $0xb8;
	[tilespmem:$0x1C800] =	vst v63  }
0x6f: {  	_ =	swait.ge [sflag:s13], $0x4000  }
0x70: {  	[sflag:s13] =	ssyncset.done $0x0  }
0x71: {  	[sflag:s13] =	ssyncadd.s32 $0xFFFFC000  }
0x72: {  	_ =	swait.ge [sflag:s20], $0x4000  }
0x73: {  	[sflag:s20] =	ssyncset.done $0x0  }
0x74: {  	[sflag:s20] =	ssyncadd.s32 $0xFFFFC000  }
0x75: {  	[spmem:s1] =	stream.indirect.scatter.add.f32 [tilespmem:s19], [sflag:$0x3], $0x80, s3, s17, $0xb8;
	[tilespmem:$0x1C800] =	vst v63  }
0x76: {  	_ =	swait.ge [sflag:s13], $0x4000  }
0x77: {  	[sflag:s13] =	ssyncset.done $0x0  }
0x78: {  	[sflag:s13] =	ssyncadd.s32 $0xFFFFC000  }
0x79: {  	_ =	swait.ge [sflag:s26], $0x200  }
0x7a: {  	[sflag:s26] =	ssyncset.done $0x0  }
0x7b: {  	[sflag:s26] =	ssyncadd.s32 $0xFFFFFE00  }
0x7c: {  	s8 =	simm.s32 $0x100;
	_ =	swait.ge [sflag:s26], $0x200  }
0x7d: {  	s7 =	simm.s32 $0x80;
	s9 =	rddreg [dreg:$0x4];
	[sflag:s26] =	ssyncset.done $0x0  }
.LBB2_2:
0x7e: {  	s10 =	sadd.s32 s7, s9  }
0x7f: {  	[sflag:s26] =	ssyncadd.s32 $0xFFFFFE00;
	s9 =	sadd.s32 s7, s11;
	s12 =	sadd.s32 $0x40, s10  }
0x80: {  	[tilespmem:s15], [sflag:$0x2] =	stream.linear.gather [hbm4b:s12+s2], $0x200, $0x38;
	[tilespmem:$0x1C800] =	vst v63  }
0x81: {  	s12 =	sadd.s32 $0x40, s9  }
0x82: {  	[tilespmem:s16], [sflag:$0x2] =	stream.linear.gather [hbm4b:s12+s2], $0x200, $0x38;
	[tilespmem:$0x1C800] =	vst v63  }
0x83: {  	_ = 	snop  }
0x84: {  	[tilespmem:s18], [sflag:$0x1] =	stream.indirect.gather [hbm4b:s4+s17], $0x80, s2, s17, $0xb8;
	[tilespmem:$0x1C800] =	vst v63  }
0x85: {  	_ = 	snop  }
0x86: {  	[tilespmem:s19], [sflag:$0x1] =	stream.indirect.gather [hbm4b:s4+s17], $0x80, s17, s17, $0xb8;
	[tilespmem:$0x1C800] =	vst v63  }
0x87: {  	_ =	swait.ge [sflag:s20], $0x4000  }
0x88: {  	[sflag:s20] =	ssyncset.done $0x0  }
0x89: {  	[sflag:s20] =	ssyncadd.s32 $0xFFFFC000  }
0x8a: {  	[spmem:s1] =	stream.indirect.scatter.add.f32 [tilespmem:s18], [sflag:$0x3], $0x80, s14, s17, $0xb8;
	[tilespmem:$0x1C800] =	vst v63  }
0x8b: {  	_ =	swait.ge [sflag:s13], $0x4000  }
0x8c: {  	[sflag:s13] =	ssyncset.done $0x0  }
0x8d: {  	[sflag:s13] =	ssyncadd.s32 $0xFFFFC000  }
0x8e: {  	[tilespmem:s18], [sflag:$0x1] =	stream.indirect.gather [hbm4b:s4+s17], $0x80, s21, s17, $0xb8;
	[tilespmem:$0x1C800] =	vst v63  }
0x8f: {  	_ =	swait.ge [sflag:s20], $0x4000  }
0x90: {  	[sflag:s20] =	ssyncset.done $0x0  }
0x91: {  	[sflag:s20] =	ssyncadd.s32 $0xFFFFC000  }
0x92: {  	[spmem:s1] =	stream.indirect.scatter.add.f32 [tilespmem:s19], [sflag:$0x3], $0x80, s22, s17, $0xb8;
	[tilespmem:$0x1C800] =	vst v63  }
0x93: {  	_ =	swait.ge [sflag:s13], $0x4000  }
0x94: {  	[sflag:s13] =	ssyncset.done $0x0  }
0x95: {  	[sflag:s13] =	ssyncadd.s32 $0xFFFFC000  }
0x96: {  	[tilespmem:s19], [sflag:$0x1] =	stream.indirect.gather [hbm4b:s4+s17], $0x80, s23, s17, $0xb8;
	[tilespmem:$0x1C800] =	vst v63  }
0x97: {  	_ =	swait.ge [sflag:s20], $0x4000  }
0x98: {  	[sflag:s20] =	ssyncset.done $0x0  }
0x99: {  	[sflag:s20] =	ssyncadd.s32 $0xFFFFC000  }
0x9a: {  	[spmem:s1] =	stream.indirect.scatter.add.f32 [tilespmem:s18], [sflag:$0x3], $0x80, s24, s17, $0xb8;
	[tilespmem:$0x1C800] =	vst v63  }
0x9b: {  	_ =	swait.ge [sflag:s13], $0x4000  }
0x9c: {  	[sflag:s13] =	ssyncset.done $0x0  }
0x9d: {  	[sflag:s13] =	ssyncadd.s32 $0xFFFFC000  }
0x9e: {  	_ =	swait.ge [sflag:s20], $0x4000  }
0x9f: {  	[sflag:s20] =	ssyncset.done $0x0  }
0xa0: {  	[sflag:s20] =	ssyncadd.s32 $0xFFFFC000  }
0xa1: {  	[spmem:s1] =	stream.indirect.scatter.add.f32 [tilespmem:s19], [sflag:$0x3], $0x80, s25, s17, $0xb8;
	[tilespmem:$0x1C800] =	vst v63  }
0xa2: {  	_ =	swait.ge [sflag:s13], $0x4000  }
0xa3: {  	[sflag:s13] =	ssyncset.done $0x0  }
0xa4: {  	[sflag:s13] =	ssyncadd.s32 $0xFFFFC000  }
0xa5: {  	_ =	swait.ge [sflag:s26], $0x200  }
0xa6: {  	[sflag:s26] =	ssyncset.done $0x0  }
0xa7: {  	[sflag:s26] =	ssyncadd.s32 $0xFFFFFE00  }
0xa8: {  	_ =	swait.ge [sflag:s26], $0x200  }
0xa9: {  	[sflag:s26] =	ssyncset.done $0x0  }
0xaa: {  	s10 =	sadd.s32 $0x80, s10;
	[sflag:s26] =	ssyncadd.s32 $0xFFFFFE00  }
0xab: {  	[tilespmem:s2], [sflag:$0x2] =	stream.linear.gather [hbm4b:s10+s2], $0x200, $0x38;
	[tilespmem:$0x1C800] =	vst v63  }
0xac: {  	s12 =	sadd.s32 $0x80, s9  }
0xad: {  	[tilespmem:s14], [sflag:$0x2] =	stream.linear.gather [hbm4b:s12+s2], $0x200, $0x38;
	[tilespmem:$0x1C800] =	vst v63  }
0xae: {  	_ = 	snop  }
0xaf: {  	[tilespmem:s18], [sflag:$0x1] =	stream.indirect.gather [hbm4b:s4+s17], $0x80, s15, s17, $0xb8;
	[tilespmem:$0x1C800] =	vst v63  }
0xb0: {  	_ = 	snop  }
0xb1: {  	[tilespmem:s19], [sflag:$0x1] =	stream.indirect.gather [hbm4b:s4+s17], $0x80, s28, s17, $0xb8;
	[tilespmem:$0x1C800] =	vst v63  }
0xb2: {  	_ =	swait.ge [sflag:s20], $0x4000  }
0xb3: {  	[sflag:s20] =	ssyncset.done $0x0  }
0xb4: {  	[sflag:s20] =	ssyncadd.s32 $0xFFFFC000  }
0xb5: {  	[spmem:s1] =	stream.indirect.scatter.add.f32 [tilespmem:s18], [sflag:$0x3], $0x80, s16, s17, $0xb8;
	[tilespmem:$0x1C800] =	vst v63  }
0xb6: {  	_ =	swait.ge [sflag:s13], $0x4000  }
0xb7: {  	[sflag:s13] =	ssyncset.done $0x0  }
0xb8: {  	[sflag:s13] =	ssyncadd.s32 $0xFFFFC000  }
0xb9: {  	[tilespmem:s18], [sflag:$0x1] =	stream.indirect.gather [hbm4b:s4+s17], $0x80, s29, s17, $0xb8;
	[tilespmem:$0x1C800] =	vst v63  }
0xba: {  	_ =	swait.ge [sflag:s20], $0x4000  }
0xbb: {  	[sflag:s20] =	ssyncset.done $0x0  }
0xbc: {  	[sflag:s20] =	ssyncadd.s32 $0xFFFFC000  }
0xbd: {  	[spmem:s1] =	stream.indirect.scatter.add.f32 [tilespmem:s19], [sflag:$0x3], $0x80, s30, s17, $0xb8;
	[tilespmem:$0x1C800] =	vst v63  }
0xbe: {  	_ =	swait.ge [sflag:s13], $0x4000  }
0xbf: {  	[sflag:s13] =	ssyncset.done $0x0  }
0xc0: {  	[sflag:s13] =	ssyncadd.s32 $0xFFFFC000  }
0xc1: {  	[tilespmem:s19], [sflag:$0x1] =	stream.indirect.gather [hbm4b:s4+s17], $0x80, s31, s17, $0xb8;
	[tilespmem:$0x1C800] =	vst v63  }
0xc2: {  	_ =	swait.ge [sflag:s20], $0x4000  }
0xc3: {  	[sflag:s20] =	ssyncset.done $0x0  }
0xc4: {  	[sflag:s20] =	ssyncadd.s32 $0xFFFFC000  }
0xc5: {  	[spmem:s1] =	stream.indirect.scatter.add.f32 [tilespmem:s18], [sflag:$0x3], $0x80, s0, s17, $0xb8;
	[tilespmem:$0x1C800] =	vst v63  }
0xc6: {  	_ =	swait.ge [sflag:s13], $0x4000  }
0xc7: {  	[sflag:s13] =	ssyncset.done $0x0  }
0xc8: {  	[sflag:s13] =	ssyncadd.s32 $0xFFFFC000  }
0xc9: {  	_ =	swait.ge [sflag:s20], $0x4000  }
0xca: {  	[sflag:s20] =	ssyncset.done $0x0  }
0xcb: {  	[sflag:s20] =	ssyncadd.s32 $0xFFFFC000  }
0xcc: {  	[spmem:s1] =	stream.indirect.scatter.add.f32 [tilespmem:s19], [sflag:$0x3], $0x80, s3, s17, $0xb8;
	[tilespmem:$0x1C800] =	vst v63  }
0xcd: {  	_ =	swait.ge [sflag:s13], $0x4000  }
0xce: {  	[sflag:s13] =	ssyncset.done $0x0  }
0xcf: {  	p0 =	sne.s32 s8, $0x480;
	[sflag:s13] =	ssyncadd.s32 $0xFFFFC000  }
.Ltmp0:
0xd0: {  	_ =	swait.ge [sflag:s26], $0x200;
	(pc) =	sbr.rel @p0 .LBB2_2-.Ltmp0, $4  }
0xd1: {  	[sflag:s26] =	ssyncset.done $0x0  }
0xd2: {  	[sflag:s26] =	ssyncadd.s32 $0xFFFFFE00  }
0xd3: {  	s6 =	smov.u32 s8;
	s8 =	sadd.s32 $0x80, s8;
	_ =	swait.ge [sflag:s26], $0x200  }
0xd4: {  	s7 =	smov.u32 s6;
	s9 =	rddreg [dreg:$0x4];
	[sflag:s26] =	ssyncset.done $0x0  }
0xd5: {  	s6 =	sadd.s32 s7, s9  }
0xd6: {  	[sflag:s26] =	ssyncadd.s32 $0xFFFFFE00;
	s10 =	sadd.s32 s7, s11;
	s8 =	sadd.s32 $0x40, s6  }
0xd7: {  	[tilespmem:s15], [sflag:$0x2] =	stream.linear.gather [hbm4b:s8+s2], $0x200, $0x38;
	[tilespmem:$0x1C800] =	vst v63  }
0xd8: {  	s12 =	sadd.s32 $0x40, s10  }
0xd9: {  	[tilespmem:s16], [sflag:$0x2] =	stream.linear.gather [hbm4b:s12+s2], $0x200, $0x38;
	[tilespmem:$0x1C800] =	vst v63  }
0xda: {  	_ = 	snop  }
0xdb: {  	[tilespmem:s18], [sflag:$0x1] =	stream.indirect.gather [hbm4b:s4+s17], $0x80, s2, s17, $0xb8;
	[tilespmem:$0x1C800] =	vst v63  }
0xdc: {  	_ = 	snop  }
0xdd: {  	[tilespmem:s19], [sflag:$0x1] =	stream.indirect.gather [hbm4b:s4+s17], $0x80, s17, s17, $0xb8;
	[tilespmem:$0x1C800] =	vst v63  }
0xde: {  	_ =	swait.ge [sflag:s20], $0x4000  }
0xdf: {  	[sflag:s20] =	ssyncset.done $0x0  }
0xe0: {  	[sflag:s20] =	ssyncadd.s32 $0xFFFFC000  }
0xe1: {  	[spmem:s1] =	stream.indirect.scatter.add.f32 [tilespmem:s18], [sflag:$0x3], $0x80, s14, s17, $0xb8;
	[tilespmem:$0x1C800] =	vst v63  }
0xe2: {  	_ =	swait.ge [sflag:s13], $0x4000  }
0xe3: {  	[sflag:s13] =	ssyncset.done $0x0  }
0xe4: {  	[sflag:s13] =	ssyncadd.s32 $0xFFFFC000  }
0xe5: {  	[tilespmem:s18], [sflag:$0x1] =	stream.indirect.gather [hbm4b:s4+s17], $0x80, s21, s17, $0xb8;
	[tilespmem:$0x1C800] =	vst v63  }
0xe6: {  	_ =	swait.ge [sflag:s20], $0x4000  }
0xe7: {  	[sflag:s20] =	ssyncset.done $0x0  }
0xe8: {  	[sflag:s20] =	ssyncadd.s32 $0xFFFFC000  }
0xe9: {  	[spmem:s1] =	stream.indirect.scatter.add.f32 [tilespmem:s19], [sflag:$0x3], $0x80, s22, s17, $0xb8;
	[tilespmem:$0x1C800] =	vst v63  }
0xea: {  	_ =	swait.ge [sflag:s13], $0x4000  }
0xeb: {  	[sflag:s13] =	ssyncset.done $0x0  }
0xec: {  	[sflag:s13] =	ssyncadd.s32 $0xFFFFC000  }
0xed: {  	[tilespmem:s19], [sflag:$0x1] =	stream.indirect.gather [hbm4b:s4+s17], $0x80, s23, s17, $0xb8;
	[tilespmem:$0x1C800] =	vst v63  }
0xee: {  	_ =	swait.ge [sflag:s20], $0x4000  }
0xef: {  	[sflag:s20] =	ssyncset.done $0x0  }
0xf0: {  	[sflag:s20] =	ssyncadd.s32 $0xFFFFC000  }
0xf1: {  	[spmem:s1] =	stream.indirect.scatter.add.f32 [tilespmem:s18], [sflag:$0x3], $0x80, s24, s17, $0xb8;
	[tilespmem:$0x1C800] =	vst v63  }
0xf2: {  	_ =	swait.ge [sflag:s13], $0x4000  }
0xf3: {  	[sflag:s13] =	ssyncset.done $0x0  }
0xf4: {  	[sflag:s13] =	ssyncadd.s32 $0xFFFFC000  }
0xf5: {  	_ =	swait.ge [sflag:s20], $0x4000  }
0xf6: {  	[sflag:s20] =	ssyncset.done $0x0  }
0xf7: {  	[sflag:s20] =	ssyncadd.s32 $0xFFFFC000  }
0xf8: {  	[spmem:s1] =	stream.indirect.scatter.add.f32 [tilespmem:s19], [sflag:$0x3], $0x80, s25, s17, $0xb8;
	[tilespmem:$0x1C800] =	vst v63  }
0xf9: {  	_ =	swait.ge [sflag:s13], $0x4000  }
0xfa: {  	[sflag:s13] =	ssyncset.done $0x0  }
0xfb: {  	[sflag:s13] =	ssyncadd.s32 $0xFFFFC000  }
0xfc: {  	_ =	swait.ge [sflag:s26], $0x200  }
0xfd: {  	[sflag:s26] =	ssyncset.done $0x0  }
0xfe: {  	[sflag:s26] =	ssyncadd.s32 $0xFFFFFE00  }
0xff: {  	_ =	swait.ge [sflag:s26], $0x200  }
0x100: {  	[sflag:s26] =	ssyncset.done $0x0  }
0x101: {  	s6 =	sadd.s32 $0x80, s6;
	[sflag:s26] =	ssyncadd.s32 $0xFFFFFE00  }
0x102: {  	[tilespmem:s2], [sflag:$0x2] =	stream.linear.gather [hbm4b:s6+s2], $0x200, $0x38;
	[tilespmem:$0x1C800] =	vst v63  }
0x103: {  	s8 =	sadd.s32 $0x80, s10  }
0x104: {  	[tilespmem:s14], [sflag:$0x2] =	stream.linear.gather [hbm4b:s8+s2], $0x200, $0x38;
	[tilespmem:$0x1C800] =	vst v63  }
0x105: {  	_ = 	snop  }
0x106: {  	[tilespmem:s18], [sflag:$0x1] =	stream.indirect.gather [hbm4b:s4+s17], $0x80, s15, s17, $0xb8;
	[tilespmem:$0x1C800] =	vst v63  }
0x107: {  	_ = 	snop  }
0x108: {  	[tilespmem:s19], [sflag:$0x1] =	stream.indirect.gather [hbm4b:s4+s17], $0x80, s28, s17, $0xb8;
	[tilespmem:$0x1C800] =	vst v63  }
0x109: {  	_ =	swait.ge [sflag:s20], $0x4000  }
0x10a: {  	[sflag:s20] =	ssyncset.done $0x0  }
0x10b: {  	[sflag:s20] =	ssyncadd.s32 $0xFFFFC000  }
0x10c: {  	[spmem:s1] =	stream.indirect.scatter.add.f32 [tilespmem:s18], [sflag:$0x3], $0x80, s16, s17, $0xb8;
	[tilespmem:$0x1C800] =	vst v63  }
0x10d: {  	_ =	swait.ge [sflag:s13], $0x4000  }
0x10e: {  	[sflag:s13] =	ssyncset.done $0x0  }
0x10f: {  	[sflag:s13] =	ssyncadd.s32 $0xFFFFC000  }
0x110: {  	[tilespmem:s18], [sflag:$0x1] =	stream.indirect.gather [hbm4b:s4+s17], $0x80, s29, s17, $0xb8;
	[tilespmem:$0x1C800] =	vst v63  }
0x111: {  	_ =	swait.ge [sflag:s20], $0x4000  }
0x112: {  	[sflag:s20] =	ssyncset.done $0x0  }
0x113: {  	[sflag:s20] =	ssyncadd.s32 $0xFFFFC000  }
0x114: {  	[spmem:s1] =	stream.indirect.scatter.add.f32 [tilespmem:s19], [sflag:$0x3], $0x80, s30, s17, $0xb8;
	[tilespmem:$0x1C800] =	vst v63  }
0x115: {  	_ =	swait.ge [sflag:s13], $0x4000  }
0x116: {  	[sflag:s13] =	ssyncset.done $0x0  }
0x117: {  	[sflag:s13] =	ssyncadd.s32 $0xFFFFC000  }
0x118: {  	[tilespmem:s19], [sflag:$0x1] =	stream.indirect.gather [hbm4b:s4+s17], $0x80, s31, s17, $0xb8;
	[tilespmem:$0x1C800] =	vst v63  }
0x119: {  	_ =	swait.ge [sflag:s20], $0x4000  }
0x11a: {  	[sflag:s20] =	ssyncset.done $0x0  }
0x11b: {  	[sflag:s20] =	ssyncadd.s32 $0xFFFFC000  }
0x11c: {  	[spmem:s1] =	stream.indirect.scatter.add.f32 [tilespmem:s18], [sflag:$0x3], $0x80, s0, s17, $0xb8;
	[tilespmem:$0x1C800] =	vst v63  }
0x11d: {  	_ =	swait.ge [sflag:s13], $0x4000  }
0x11e: {  	[sflag:s13] =	ssyncset.done $0x0  }
0x11f: {  	[sflag:s13] =	ssyncadd.s32 $0xFFFFC000  }
0x120: {  	_ =	swait.ge [sflag:s20], $0x4000  }
0x121: {  	[sflag:s20] =	ssyncset.done $0x0  }
0x122: {  	[sflag:s20] =	ssyncadd.s32 $0xFFFFC000  }
0x123: {  	[spmem:s1] =	stream.indirect.scatter.add.f32 [tilespmem:s19], [sflag:$0x3], $0x80, s3, s17, $0xb8;
	[tilespmem:$0x1C800] =	vst v63  }
0x124: {  	_ =	swait.ge [sflag:s13], $0x4000  }
0x125: {  	[sflag:s13] =	ssyncset.done $0x0  }
0x126: {  	[sflag:s13] =	ssyncadd.s32 $0xFFFFC000  }
0x127: {  	_ =	swait.ge [sflag:s26], $0x200  }
0x128: {  	[sflag:s26] =	ssyncset.done $0x0  }
0x129: {  	[sflag:s26] =	ssyncadd.s32 $0xFFFFFE00  }
0x12a: {  	_ =	swait.ge [sflag:s26], $0x200  }
0x12b: {  	[sflag:s26] =	ssyncset.done $0x0  }
0x12c: {  	[sflag:s26] =	ssyncadd.s32 $0xFFFFFE00  }
0x12d: {  	[bflag:$0x0] =	sbarrier.arrive $0xFFFF  }
0x12e: {  	s12 =	rddreg [dreg:$0x6]  }
0x12f: {  	s9 =	rddreg [dreg:$0x9]  }
0x130: {  	s7 =	rddreg [dreg:$0xb]  }
0x131: {  	[hbm:s9], [sflag:s12] =	dma.local [spmem:s7], $0x2800  }
0x132: {  	_ =	swait.ge [sflag:s13], $0x2800  }
0x133: {  	s5 =	sadd.s32 $0x1, s5;
	s10 =	rddreg [dreg:$0xa]  }
0x134: {  	p0 =	sne.s32 s5, s10  }
.Ltmp1:
0x135: {  	_ = 	snop;
	(pc) =	sbr.rel @p0 .LBB2_1-.Ltmp1, $3  }
0x136: {  	_ =	sdelay $0x1  }
0x137: {  	[sflag:s13] =	ssyncset.done $0x0  }
0x138: {  	[sflag:s13] =	ssyncadd.s32 $0xFFFFD800  }
0x139: {  	_ =	sfence.sel $0x180000  }
0x13a: {  	[bflag:$0x0] =	sbarrier.arrive $0xFFFF  }
0x13b: {  	_ =	strace $0x9000004D  }
0x13c: {  	s0 =	stileid.u32;
	[bflag:$0x2] =	sbarrier.arrive $0xFFFF  }
0x13d: {  	p0 =	sne.s32 s0, $0x0;
	s0 =	rddreg [dreg:$0x3]  }
0x13e: {  	s0 =	sadd.s32 @!p0 $0x100000, s0  }
0x13f: {  	[sflag:s0] =	ssyncadd.tile.s32 @!p0 $0x1;
	_ =	shalt  }
.Lfunc_end2:
_tile_overlayer_lowered:
.L_overlay_start_2:
0x140: {  	(tag) =	ssettag $0x2  }
0x141: {  	s0 =	rddreg [dreg:$0x0];
	s2 =	stileid.u32  }
0x142: {  	s1 =	rddreg [dreg:$0x1];
	p0 =	sne.s32 s2, $0x0  }
0x143: {  	s3 =	rddreg [dreg:$0x2];
	[bflag:$0x3] =	sbarrier.arrive $0xFFFF;
	s2 =	simm.s32 @!p0 $0x1C03  }
0x144: {  	[timem:s3], [sflag:s2] =	dma.local @!p0 [hbm:s0], s1  }
0x145: {  	s0 =	simm.s32 @!p0 $0x3  }
0x146: {  	_ =	swait.ge @!p0 [sflag:s0], s1  }
0x147: {  	s1 =	ssub.s32 @!p0 $0x0, s1;
	[sflag:s0] =	ssyncset.done @!p0 $0x0  }
0x148: {  	[sflag:s0] =	ssyncadd.s32 @!p0 s1  }
0x149: {  	[bflag:$0x3] =	sbarrier.arrive $0xFFFF  }
0x14a: {  	_ =	shalt  }

// kernel: kernel.8.cloned.1.call-start
scs
__scs_entry_jumppad:
0x0: {  	(pc) =	sbr.rel $0x88, $3  }
0x1: {  	(tag) =	ssettag $0x0;
	lr =	simm.s32 $0x1  }
0x2: {  	[smem:$0x3F95] =	sst lr;
	_ =	strace $0xD0000000  }
0x3: {  	_ = 	snop  }
0x4: {  	_ = 	snop  }
0x5: {  	_ = 	snop  }
0x6: {  	_ = 	snop  }
0x7: {  	_ = 	snop  }
__scs_overlays_trampoline_lowered:
0x8: {  	[smem:$0x3FA4] =	sst s0  }
0x9: {  	[smem:$0x3FA5] =	sst s1  }
0xa: {  	[smem:$0x3FA6] =	sst s2  }
0xb: {  	[smem:$0x3FA7] =	sst s3  }
0xc: {  	[smem:$0x3FA8] =	sst s4  }
0xd: {  	[smem:$0x3FA9] =	sst s5  }
0xe: {  	[smem:$0x3FAA] =	sst s6  }
0xf: {  	[smem:$0x3FAB] =	sst s7  }
0x10: {  	[smem:$0x3FAC] =	sst s8  }
0x11: {  	[smem:$0x3FAD] =	sst s9;
	s0 =	simm.s32 @!p0 $0x0  }
0x12: {  	s1 =	sld [smem:$0x3F93];
	s0 =	simm.s32 @p0 $0x1  }
0x13: {  	[smem:$0x3FAE] =	sst s0;
	s0 =	simm.s32 @!p1 $0x0  }
0x14: {  	s2 =	sld [smem:$0x3F92];
	s0 =	simm.s32 @p1 $0x1  }
0x15: {  	[smem:$0x3FAF] =	sst s0;
	s0 =	simm.s32 @!p2 $0x0  }
0x16: {  	s3 =	sld [smem:$0x3FDB];
	s0 =	simm.s32 @p2 $0x1  }
0x17: {  	s4 =	simm.s32 $0x1BF5;
	[smem:$0x3FB1] =	sst s0  }
0x18: {  	s0 =	sld [smem:$0x3F94];
	_ =	swait.ge [sflag:s4], $0x0  }
0x19: {  	s7 =	sld [smem:$0x3F95]  }
0x1a: {  	s8 =	sadd.s32 $0xFFFFE003, lr  }
0x1b: {  	s9 =	sadd.s32 $0xFFFFFEF7, lr;
	s5 =	simm.s32 $0xFFFFFFFF;
	p2 =	slt.u32 s8, $0xFFFFF086  }
0x1c: {  	p1 =	slt.u32 s9, $0xF7A;
	s5 =	simm.s32 @!p2 $0x0  }
0x1d: {  	s5 =	simm.s32 @p1 $0x1;
	p0 =	seq.s32 s7, s2  }
0x1e: {  	s7 =	smul.u32 @!p0 $0xF7A, s2;
	p2 =	seq.s32 @!p0 s5, $0x0  }
0x1f: {  	s9 =	smul.u32 $0xF7A, s1;
	s8 =	simm.s32 @!p0 $0x1BF5;
	p2 =	por !p2, p0  }
0x20: {  	[sflag:s8] =	ssyncset.s32 @!p0 $0xFFFFF086;
	s6 =	sadd.s32 @!p0 s3, s7;
	s7 =	simm.s32 @!p0 $0x108  }
0x21: {  	s3 =	sadd.s32 s3, s9;
	s6 =	sadd.s32 @!p0 $0x88, s6;
	s7 =	simm.s32 @p2 $0x1082  }
0x22: {  	[simem:s7], [sflag:s8] =	dma.local @!p0 [hbm:s6], $0xF7A  }
0x23: {  	s9 =	sor.u32 $0xD0000000, s2;
	s6 =	simm.s32 $0x108;
	_ =	swait.ge @!p0 [sflag:s8], $0x0  }
0x24: {  	s3 =	sadd.s32 $0x88, s3;
	s6 =	simm.s32 @!p1 $0x1082;
	[sflag:s4] =	ssyncset.s32 $0xFFFFF086  }
0x25: {  	[simem:s6], [sflag:s4] =	dma.local [hbm:s3], $0xF7A  }
0x26: {  	[smem:$0x3F95] =	sst s1;
	(tag) =	ssettag s2;
	_ =	strace s9  }
0x27: {  	s1 =	sld [smem:$0x3FA5]  }
0x28: {  	s2 =	sld [smem:$0x3FA6]  }
0x29: {  	s4 =	sld [smem:$0x3FA8]  }
0x2a: {  	p0 =	seq.s32 s5, $0x0;
	s5 =	sld [smem:$0x3FA9]  }
0x2b: {  	s6 =	sld [smem:$0x3FAA]  }
0x2c: {  	s7 =	sld [smem:$0x3FAB]  }
0x2d: {  	s3 =	simm.s32 $0x108;
	s8 =	sld [smem:$0x3FAC]  }
0x2e: {  	s3 =	simm.s32 @!p0 $0x1082;
	s9 =	sld [smem:$0x3FAD]  }
0x2f: {  	lr =	sadd.s32 s0, s3;
	s0 =	sld [smem:$0x3FA4]  }
0x30: {  	s3 =	sld [smem:$0x3FA7]  }
0x31: {  	[smem:$0x3FB0] =	sst s10  }
0x32: {  	s10 =	sld [smem:$0x3FAE];
	_ =	sdelay $0x3  }
0x33: {  	p0 =	seq.s32 s10, $0x1;
	s10 =	sld [smem:$0x3FB0];
	_ =	sdelay $0x3  }
0x34: {  	[smem:$0x3FB0] =	sst s10  }
0x35: {  	s10 =	sld [smem:$0x3FAF];
	_ =	sdelay $0x3  }
0x36: {  	p1 =	seq.s32 s10, $0x1;
	s10 =	sld [smem:$0x3FB0];
	_ =	sdelay $0x3  }
0x37: {  	[smem:$0x3FB0] =	sst s10  }
0x38: {  	s10 =	sld [smem:$0x3FB1]  }
0x39: {  	_ = 	snop;
	(pc) =	sbr.ind lr, $3  }
0x3a: {  	_ = 	snop  }
0x3b: {  	_ = 	snop  }
0x3c: {  	p2 =	seq.s32 s10, $0x1;
	s10 =	sld [smem:$0x3FB0]  }
0x3d: {  	_ =	shalt  }
0x3e: {  	_ =	shalt  }
0x3f: {  	_ =	shalt  }
0x40: {  	_ =	shalt  }
0x41: {  	_ =	shalt  }
0x42: {  	_ =	shalt  }
0x43: {  	_ =	shalt  }
0x44: {  	_ =	shalt  }
0x45: {  	_ =	shalt  }
0x46: {  	_ =	shalt  }
0x47: {  	_ =	shalt  }
0x48: {  	_ =	shalt  }
0x49: {  	_ =	shalt  }
0x4a: {  	_ =	shalt  }
0x4b: {  	_ =	shalt  }
0x4c: {  	_ =	shalt  }
0x4d: {  	_ =	shalt  }
0x4e: {  	_ =	shalt  }
0x4f: {  	_ =	shalt  }
0x50: {  	_ =	shalt  }
0x51: {  	_ =	shalt  }
0x52: {  	_ =	shalt  }
0x53: {  	_ =	shalt  }
0x54: {  	_ =	shalt  }
0x55: {  	_ =	shalt  }
0x56: {  	_ =	shalt  }
0x57: {  	_ =	shalt  }
0x58: {  	_ =	shalt  }
0x59: {  	_ =	shalt  }
0x5a: {  	_ =	shalt  }
0x5b: {  	_ =	shalt  }
0x5c: {  	_ =	shalt  }
0x5d: {  	_ =	shalt  }
0x5e: {  	_ =	shalt  }
0x5f: {  	_ =	shalt  }
0x60: {  	_ =	shalt  }
0x61: {  	_ =	shalt  }
0x62: {  	_ =	shalt  }
0x63: {  	_ =	shalt  }
0x64: {  	_ =	shalt  }
0x65: {  	_ =	shalt  }
0x66: {  	_ =	shalt  }
0x67: {  	_ =	shalt  }
0x68: {  	_ =	shalt  }
0x69: {  	_ =	shalt  }
0x6a: {  	_ =	shalt  }
0x6b: {  	_ =	shalt  }
0x6c: {  	_ =	shalt  }
0x6d: {  	_ =	shalt  }
0x6e: {  	_ =	shalt  }
0x6f: {  	_ =	shalt  }
0x70: {  	_ =	shalt  }
0x71: {  	_ =	shalt  }
0x72: {  	_ =	shalt  }
0x73: {  	_ =	shalt  }
0x74: {  	_ =	shalt  }
0x75: {  	_ =	shalt  }
0x76: {  	_ =	shalt  }
0x77: {  	_ =	shalt  }
0x78: {  	_ =	shalt  }
0x79: {  	_ =	shalt  }
0x7a: {  	_ =	shalt  }
0x7b: {  	_ =	shalt  }
0x7c: {  	_ =	shalt  }
0x7d: {  	_ =	shalt  }
0x7e: {  	_ =	shalt  }
0x7f: {  	_ =	shalt  }
0x80: {  	_ =	shalt  }
0x81: {  	_ =	shalt  }
0x82: {  	_ =	shalt  }
0x83: {  	_ =	shalt  }
0x84: {  	_ =	shalt  }
0x85: {  	_ =	shalt  }
0x86: {  	_ =	shalt  }
0x87: {  	_ =	shalt  }
.Lfunc_end0:
.L_simem_size_0:
called_computation_lowered:
.L_overlay_start_0:
0x88: {  	s2 =	sld [smem:$0x3FD9]  }
0x89: {  	s3 =	sld [smem:$0x3FFE];
	_ =	sdelay $0x1  }
0x8a: {  	s1 =	srdreg.scid  }
0x8b: {  	s0 =	sand.u32 $0x1, s1  }
0x8c: {  	s14 =	sshll.u32 s0, $0xA;
	s2 =	sadd.s32 s3, s2  }
0x8d: {  	s2 =	sadd.s32 s2, s14  }
0x8e: {  	[smem:$0x3FBC] =	sst s2  }
0x8f: {  	_ = 	snop  }
0x90: {  	s2 =	sld [smem:$0x3FD0];
	_ =	sdelay $0x2  }
0x91: {  	s4 =	simm.s32 $0xA;
	s5 =	simm.s32 $0x10;
	s15 =	sld [smem:$0x3FC9]  }
0x92: {  	[smem:s5], [sflag:s4] =	dma.local [hbm:s2], $0x1  }
0x93: {  	_ =	swait.eq [sflag:s4], $0x1  }
0x94: {  	[sflag:s4] =	ssyncset.done $0x0  }
0x95: {  	[sflag:s4] =	ssyncadd.s32 $0xFFFFFFFF  }
0x96: {  	s16 =	sld [smem:$0x11];
	(tm) =	ssettm $0x1  }
0x97: {  	s17 =	sld [smem:$0x3FFB];
	_ =	sdelay $0x3  }
0x98: {  	_ =	strace s17  }
0x99: {  	s4 =	sld [smem:$0x3FFC];
	_ =	sdelay $0x3  }
0x9a: {  	_ =	strace s4  }
0x9b: {  	s4 =	sld [smem:$0x3FFD];
	_ =	sdelay $0x3  }
0x9c: {  	_ =	strace s4  }
0x9d: {  	_ =	strace $0x8FFFFFFF  }
0x9e: {  	s18 =	sld [smem:$0x3FDB];
	_ =	sdelay $0x1  }
0x9f: {  	s19 =	simm.s32 $_scs_section_size  }
0xa0: {  	s6 =	simm.s32 $_size__tile_overlayer_lowered;
	s7 =	simm.s32 $_tile_overlayer_lowered  }
0xa1: {  	s22 =	simm.s32 $0x1BFF;
	s21 =	sshll.u32 s7, $0x1;
	s4 =	sadd.s32 s19, s18  }
0xa2: {  	s8 =	simm.s32 $0x0;
	s20 =	sshll.u32 s6, $0x1;
	s6 =	sadd.s32 s21, s4  }
0xa3: {  	[timem:s8], [sflag:s22] =	dma.local [hbm:s6], s20  }
0xa4: {  	_ =	swait.ge [sflag:s22], s20  }
0xa5: {  	s5 =	ssub.s32 $0x0, s20;
	[sflag:s22] =	ssyncset.done $0x0  }
0xa6: {  	[sflag:s22] =	ssyncadd.s32 s5;
	_ =	sdelay $0x1  }
0xa7: {  	s23 =	simm.s32 $0x1B8B  }
0xa8: {  	_ =	swait.ge [sflag:s23], $0x1  }
0xa9: {  	[sflag:s23] =	ssyncset.done $0x0  }
0xaa: {  	s25 =	simm.s32 $0x1B8E;
	s24 =	sld [smem:$0x3FFE];
	[sflag:s23] =	ssyncadd.s32 $0xFFFFFFFF  }
0xab: {  	s26 =	simm.s32 $execute0_lowered;
	[smem:$0x3FD2] =	sst s25  }
0xac: {  	s6 =	sshll.u32 s26, $0x1;
	_ =	strace $0x80000046;
	[dreg:$0x1] =	wrdreg $0xFFFFFFFF  }
0xad: {  	s28 =	simm.s32 $_size_execute0_lowered;
	s4 =	sadd.s32 s4, s6;
	[dreg:$0x0] =	wrdreg $0x0  }
0xae: {  	s6 =	sshll.u32 s28, $0x1;
	[dreg:$0x2] =	wrdreg s4  }
0xaf: {  	[dreg:$0x3] =	wrdreg s6  }
0xb0: {  	[dreg:$0x4] =	wrdreg $0xC0  }
0xb1: {  	_ =	task [dreg:s8], $0x5FFFF  }
0xb2: {  	[dreg:$0x1] =	wrdreg $0xFFFFFFFF  }
0xb3: {  	[dreg:$0x0] =	wrdreg $0x60  }
0xb4: {  	[dreg:$0x2] =	wrdreg s15  }
0xb5: {  	[dreg:$0x3] =	wrdreg s24  }
0xb6: {  	[dreg:$0x4] =	wrdreg s16  }
0xb7: {  	[dreg:$0x5] =	wrdreg $0x88000  }
0xb8: {  	[dreg:$0x6] =	wrdreg $0x9  }
0xb9: {  	_ =	task.clear_ibuf [dreg:s8], $0x7FFFF;
	_ =	strace $0x90000046  }
0xba: {  	s29 =	simm.s32 $0x9;
	_ =	strace $0x80000048  }
0xbb: {  	_ =	swait.ge [sflag:s29], $0x1  }
0xbc: {  	[sflag:s29] =	ssyncadd.s32 $0xFFFFFFFF  }
0xbd: {  	_ =	strace $0x90000048  }
0xbe: {  	_ =	sfence  }
0xbf: {  	s30 =	sld [smem:$0x0];
	_ =	sdelay $0x2  }
0xc0: {  	s31 =	sshll.u32 s1, $0xD;
	s1 =	sshrl.u32 s1, $0x2  }
0xc1: {  	s3 =	sand.u32 $0x4000, s31;
	s1 =	sadd.s32 s1, s30  }
0xc2: {  	s0 =	sor.u32 s3, s0;
	s1 =	sshll.u32 s1, $0x11  }
0xc3: {  	s0 =	sor.u32 s1, s0  }
0xc4: {  	s0 =	sadd.s32 $0x8F2B, s0  }
0xc5: {  	[sflag:s0] =	ssyncadd.remote.s32 $0x1  }
0xc6: {  	_ =	sfence.sel $0xFFFF  }
0xc7: {  	[dreg:$0x0] =	wrdreg $0xFFFFFFFF;
	(pc) =	sbr.abs _section_cstart, $3  }
0xc8: {  	[dreg:$0x1] =	wrdreg $0xFFFFFFFF  }
0xc9: {  	_ =	task.clear_ibuf [dreg:s8], $0x2FFFF;
	_ =	strace $0x9FFFFFFF  }
0xca: {  	(tm) =	ssettm $0x7FFFFFFF  }
0xcb: {  	_ =	shalt  }
tec
execute0_lowered:
.L_overlay_start_1:
0x0: {  	(tag) =	ssettag $0x1  }
0x1: {  	s1 =	rddreg [dreg:$0x0]  }
0x2: {  	s0 =	rddreg [dreg:$0x1]  }
0x3: {  	s4 =	rddreg [dreg:$0x2]  }
0x4: {  	s2 =	rddreg [dreg:$0x3];
	s3 =	simm.s32 $0x0  }
0x5: {  	s5 =	srdreg.scid;
	s14 =	stileid.u32;
	s15 =	simm.s32 $0x200  }
0x6: {  	s16 =	simm.s32 $0x600;
	s17 =	simm.s32 $0x80;
	s18 =	simm.s32 $0x800  }
0x7: {  	s19 =	simm.s32 $0x4800;
	s28 =	simm.s32 $0x280;
	s29 =	simm.s32 $0x300  }
0x8: {  	s30 =	simm.s32 $0x680;
	s31 =	simm.s32 $0x380;
	[smem:$0x7FF] =	sst s3  }
0x9: {  	s7 =	sadd.s32 $0x4C00, s0;
	s5 =	sand.u32 $0x1, s5;
	s9 =	smul.u32 $0x50000, s14  }
0xa: {  	s8 =	sadd.s32 $0xEE00, s0;
	s0 =	sadd.s32 $0x19000, s0;
	s11 =	smul.u32 $0x14000, s14  }
0xb: {  	s21 =	sshll.u32 s14, $0x1;
	s12 =	sshll.u32 s14, $0x6;
	s22 =	smul.u32 $0xA00, s14  }
0xc: {  	s14 =	simm.s32 $0x400;
	_ =	strace $0x80000047;
	s6 =	ssub.s32 $0x2, s5  }
0xd: {  	[dreg:$0x6] =	wrdreg s0;
	s10 =	smul.u32 $0x140000, s5;
	s12 =	sor.u32 $0x1C03, s12  }
0xe: {  	s20 =	sshrl.u32 s6, $0x1;
	s9 =	sshrl.u32 s9, $0x2;
	s24 =	sadd.s32 s22, s7  }
0xf: {  	s26 =	sadd.s32 s22, s8;
	s22 =	simm.s32 $0x480;
	[dreg:$0x7] =	wrdreg s12  }
0x10: {  	s0 =	ssub.s32 s6, s20;
	s6 =	sor.u32 s5, s21;
	s9 =	sadd.s32 s9, s2  }
0x11: {  	s10 =	sadd.s32 s11, s10;
	s5 =	smul.u32 $0x500, s5;
	s20 =	simm.s32 $0x1  }
0x12: {  	s21 =	simm.s32 $0x100;
	s10 =	sshrl.u32 s10, $0x3;
	s0 =	smax.u32 s0, $0x1  }
0x13: {  	s13 =	smul.u32 $0x500, s6;
	s4 =	sadd.s32 s4, s10;
	[dreg:$0xb] =	wrdreg s0  }
0x14: {  	s25 =	sadd.s32 s5, s24;
	s11 =	sadd.s32 s5, s26;
	s24 =	simm.s32 $0x500  }
0x15: {  	s26 =	simm.s32 $0x2;
	s0 =	simm.s32 $0x700;
	[dreg:$0xa] =	wrdreg s4  }
0x16: {  	s5 =	simm.s32 $0x0;
	s6 =	sadd.s32 s7, s13;
	[dreg:$0x5] =	wrdreg s25  }
0x17: {  	s23 =	sadd.s32 s8, s13;
	s7 =	sshrl.u32 s9, $0x3;
	[dreg:$0x8] =	wrdreg s6  }
0x18: {  	s13 =	simm.s32 $0x3;
	s25 =	simm.s32 $0x580;
	[dreg:$0x9] =	wrdreg s23  }
0x19: {  	s4 =	simm.s32 $0x780;
	s23 =	simm.s32 $0x180;
	[dreg:$0xc] =	wrdreg s7  }
.LBB2_1:
0x1a: {  	s6 =	rddreg [dreg:$0x6]  }
0x1b: {  	[spmem:s7], [sflag:s12] =	dma.local [hbm:s6], $0x2800  }
0x1c: {  	_ =	swait.ge [sflag:s13], $0x2800  }
0x1d: {  	[sflag:s13] =	ssyncset.done $0x0  }
0x1e: {  	[sflag:s13] =	ssyncadd.s32 $0xFFFFD800  }
0x1f: {  	[bflag:$0x0] =	sbarrier.arrive $0xFFFF  }
0x20: {  	s7 =	rddreg [dreg:$0x8]  }
0x21: {  	[tilespmem:s3], [sflag:$0x3] =	stream.linear.gather [hbm4b:s7+s3], $0x200, $0x38;
	[tilespmem:$0x1C800] =	vst v63  }
0x22: {  	_ =	swait.ge [sflag:s13], $0x200  }
0x23: {  	[sflag:s13] =	ssyncset.done $0x0  }
0x24: {  	s8 =	rddreg [dreg:$0x9];
	[sflag:s13] =	ssyncadd.s32 $0xFFFFFE00  }
0x25: {  	[tilespmem:s14], [sflag:$0x3] =	stream.linear.gather [hbm4b:s8+s3], $0x200, $0x38;
	[tilespmem:$0x1C800] =	vst v63  }
0x26: {  	_ =	swait.ge [sflag:s13], $0x200  }
0x27: {  	s9 =	rddreg [dreg:$0x5]  }
0x28: {  	[sflag:s13] =	ssyncset.done $0x0;
	s7 =	sadd.s32 $0x0, s9  }
0x29: {  	[sflag:s13] =	ssyncadd.s32 $0xFFFFFE00;
	s9 =	sadd.s32 $0x0, s11;
	s8 =	sadd.s32 $0x40, s7  }
0x2a: {  	[tilespmem:s15], [sflag:$0x2] =	stream.linear.gather [hbm4b:s8+s3], $0x200, $0x38;
	[tilespmem:$0x1C800] =	vst v63  }
0x2b: {  	s10 =	sadd.s32 $0x40, s9  }
0x2c: {  	[tilespmem:s16], [sflag:$0x2] =	stream.linear.gather [hbm4b:s10+s3], $0x200, $0x38;
	[tilespmem:$0x1C800] =	vst v63  }
0x2d: {  	_ = 	snop  }
0x2e: {  	[tilespmem:s18], [sflag:$0x1] =	stream.indirect.gather [hbm4b:s1+s17], $0x80, s3, s17, $0xb8;
	[tilespmem:$0x1C800] =	vst v63  }
0x2f: {  	_ = 	snop  }
0x30: {  	[tilespmem:s19], [sflag:$0x1] =	stream.indirect.gather [hbm4b:s1+s17], $0x80, s17, s17, $0xb8;
	[tilespmem:$0x1C800] =	vst v63  }
0x31: {  	_ =	swait.ge [sflag:s20], $0x4000  }
0x32: {  	[sflag:s20] =	ssyncset.done $0x0  }
0x33: {  	[sflag:s20] =	ssyncadd.s32 $0xFFFFC000  }
0x34: {  	[spmem:s2] =	stream.indirect.scatter.add.f32 [tilespmem:s18], [sflag:$0x3], $0x80, s14, s17, $0xb8;
	[tilespmem:$0x1C800] =	vst v63  }
0x35: {  	_ =	swait.ge [sflag:s13], $0x4000  }
0x36: {  	[sflag:s13] =	ssyncset.done $0x0  }
0x37: {  	[sflag:s13] =	ssyncadd.s32 $0xFFFFC000  }
0x38: {  	[tilespmem:s18], [sflag:$0x1] =	stream.indirect.gather [hbm4b:s1+s17], $0x80, s21, s17, $0xb8;
	[tilespmem:$0x1C800] =	vst v63  }
0x39: {  	_ =	swait.ge [sflag:s20], $0x4000  }
0x3a: {  	[sflag:s20] =	ssyncset.done $0x0  }
0x3b: {  	[sflag:s20] =	ssyncadd.s32 $0xFFFFC000  }
0x3c: {  	[spmem:s2] =	stream.indirect.scatter.add.f32 [tilespmem:s19], [sflag:$0x3], $0x80, s22, s17, $0xb8;
	[tilespmem:$0x1C800] =	vst v63  }
0x3d: {  	_ =	swait.ge [sflag:s13], $0x4000  }
0x3e: {  	[sflag:s13] =	ssyncset.done $0x0  }
0x3f: {  	[sflag:s13] =	ssyncadd.s32 $0xFFFFC000  }
0x40: {  	[tilespmem:s19], [sflag:$0x1] =	stream.indirect.gather [hbm4b:s1+s17], $0x80, s23, s17, $0xb8;
	[tilespmem:$0x1C800] =	vst v63  }
0x41: {  	_ =	swait.ge [sflag:s20], $0x4000  }
0x42: {  	[sflag:s20] =	ssyncset.done $0x0  }
0x43: {  	[sflag:s20] =	ssyncadd.s32 $0xFFFFC000  }
0x44: {  	[spmem:s2] =	stream.indirect.scatter.add.f32 [tilespmem:s18], [sflag:$0x3], $0x80, s24, s17, $0xb8;
	[tilespmem:$0x1C800] =	vst v63  }
0x45: {  	_ =	swait.ge [sflag:s13], $0x4000  }
0x46: {  	[sflag:s13] =	ssyncset.done $0x0  }
0x47: {  	[sflag:s13] =	ssyncadd.s32 $0xFFFFC000  }
0x48: {  	_ =	swait.ge [sflag:s20], $0x4000  }
0x49: {  	[sflag:s20] =	ssyncset.done $0x0  }
0x4a: {  	[sflag:s20] =	ssyncadd.s32 $0xFFFFC000  }
0x4b: {  	[spmem:s2] =	stream.indirect.scatter.add.f32 [tilespmem:s19], [sflag:$0x3], $0x80, s25, s17, $0xb8;
	[tilespmem:$0x1C800] =	vst v63  }
0x4c: {  	_ =	swait.ge [sflag:s13], $0x4000  }
0x4d: {  	[sflag:s13] =	ssyncset.done $0x0  }
0x4e: {  	[sflag:s13] =	ssyncadd.s32 $0xFFFFC000  }
0x4f: {  	_ =	swait.ge [sflag:s26], $0x200  }
0x50: {  	[sflag:s26] =	ssyncset.done $0x0  }
0x51: {  	[sflag:s26] =	ssyncadd.s32 $0xFFFFFE00  }
0x52: {  	_ =	swait.ge [sflag:s26], $0x200  }
0x53: {  	[sflag:s26] =	ssyncset.done $0x0  }
0x54: {  	s7 =	sadd.s32 $0x80, s7;
	[sflag:s26] =	ssyncadd.s32 $0xFFFFFE00  }
0x55: {  	[tilespmem:s3], [sflag:$0x2] =	stream.linear.gather [hbm4b:s7+s3], $0x200, $0x38;
	[tilespmem:$0x1C800] =	vst v63  }
0x56: {  	s12 =	sadd.s32 $0x80, s9  }
0x57: {  	[tilespmem:s14], [sflag:$0x2] =	stream.linear.gather [hbm4b:s12+s3], $0x200, $0x38;
	[tilespmem:$0x1C800] =	vst v63  }
0x58: {  	_ = 	snop  }
0x59: {  	[tilespmem:s18], [sflag:$0x1] =	stream.indirect.gather [hbm4b:s1+s17], $0x80, s15, s17, $0xb8;
	[tilespmem:$0x1C800] =	vst v63  }
0x5a: {  	_ = 	snop  }
0x5b: {  	[tilespmem:s19], [sflag:$0x1] =	stream.indirect.gather [hbm4b:s1+s17], $0x80, s28, s17, $0xb8;
	[tilespmem:$0x1C800] =	vst v63  }
0x5c: {  	_ =	swait.ge [sflag:s20], $0x4000  }
0x5d: {  	[sflag:s20] =	ssyncset.done $0x0  }
0x5e: {  	[sflag:s20] =	ssyncadd.s32 $0xFFFFC000  }
0x5f: {  	[spmem:s2] =	stream.indirect.scatter.add.f32 [tilespmem:s18], [sflag:$0x3], $0x80, s16, s17, $0xb8;
	[tilespmem:$0x1C800] =	vst v63  }
0x60: {  	_ =	swait.ge [sflag:s13], $0x4000  }
0x61: {  	[sflag:s13] =	ssyncset.done $0x0  }
0x62: {  	[sflag:s13] =	ssyncadd.s32 $0xFFFFC000  }
0x63: {  	[tilespmem:s18], [sflag:$0x1] =	stream.indirect.gather [hbm4b:s1+s17], $0x80, s29, s17, $0xb8;
	[tilespmem:$0x1C800] =	vst v63  }
0x64: {  	_ =	swait.ge [sflag:s20], $0x4000  }
0x65: {  	[sflag:s20] =	ssyncset.done $0x0  }
0x66: {  	[sflag:s20] =	ssyncadd.s32 $0xFFFFC000  }
0x67: {  	[spmem:s2] =	stream.indirect.scatter.add.f32 [tilespmem:s19], [sflag:$0x3], $0x80, s30, s17, $0xb8;
	[tilespmem:$0x1C800] =	vst v63  }
0x68: {  	_ =	swait.ge [sflag:s13], $0x4000  }
0x69: {  	[sflag:s13] =	ssyncset.done $0x0  }
0x6a: {  	[sflag:s13] =	ssyncadd.s32 $0xFFFFC000  }
0x6b: {  	[tilespmem:s19], [sflag:$0x1] =	stream.indirect.gather [hbm4b:s1+s17], $0x80, s31, s17, $0xb8;
	[tilespmem:$0x1C800] =	vst v63  }
0x6c: {  	_ =	swait.ge [sflag:s20], $0x4000  }
0x6d: {  	[sflag:s20] =	ssyncset.done $0x0  }
0x6e: {  	[sflag:s20] =	ssyncadd.s32 $0xFFFFC000  }
0x6f: {  	[spmem:s2] =	stream.indirect.scatter.add.f32 [tilespmem:s18], [sflag:$0x3], $0x80, s0, s17, $0xb8;
	[tilespmem:$0x1C800] =	vst v63  }
0x70: {  	_ =	swait.ge [sflag:s13], $0x4000  }
0x71: {  	[sflag:s13] =	ssyncset.done $0x0  }
0x72: {  	[sflag:s13] =	ssyncadd.s32 $0xFFFFC000  }
0x73: {  	_ =	swait.ge [sflag:s20], $0x4000  }
0x74: {  	[sflag:s20] =	ssyncset.done $0x0  }
0x75: {  	[sflag:s20] =	ssyncadd.s32 $0xFFFFC000  }
0x76: {  	[spmem:s2] =	stream.indirect.scatter.add.f32 [tilespmem:s19], [sflag:$0x3], $0x80, s4, s17, $0xb8;
	[tilespmem:$0x1C800] =	vst v63  }
0x77: {  	_ =	swait.ge [sflag:s13], $0x4000  }
0x78: {  	[sflag:s13] =	ssyncset.done $0x0  }
0x79: {  	[sflag:s13] =	ssyncadd.s32 $0xFFFFC000  }
0x7a: {  	_ =	swait.ge [sflag:s26], $0x200  }
0x7b: {  	[sflag:s26] =	ssyncset.done $0x0  }
0x7c: {  	[sflag:s26] =	ssyncadd.s32 $0xFFFFFE00  }
0x7d: {  	s8 =	simm.s32 $0x100;
	_ =	swait.ge [sflag:s26], $0x200  }
0x7e: {  	s7 =	simm.s32 $0x80;
	s9 =	rddreg [dreg:$0x5];
	[sflag:s26] =	ssyncset.done $0x0  }
.LBB2_2:
0x7f: {  	s10 =	sadd.s32 s7, s9  }
0x80: {  	[sflag:s26] =	ssyncadd.s32 $0xFFFFFE00;
	s9 =	sadd.s32 s7, s11;
	s12 =	sadd.s32 $0x40, s10  }
0x81: {  	[tilespmem:s15], [sflag:$0x2] =	stream.linear.gather [hbm4b:s12+s3], $0x200, $0x38;
	[tilespmem:$0x1C800] =	vst v63  }
0x82: {  	s12 =	sadd.s32 $0x40, s9  }
0x83: {  	[tilespmem:s16], [sflag:$0x2] =	stream.linear.gather [hbm4b:s12+s3], $0x200, $0x38;
	[tilespmem:$0x1C800] =	vst v63  }
0x84: {  	_ = 	snop  }
0x85: {  	[tilespmem:s18], [sflag:$0x1] =	stream.indirect.gather [hbm4b:s1+s17], $0x80, s3, s17, $0xb8;
	[tilespmem:$0x1C800] =	vst v63  }
0x86: {  	_ = 	snop  }
0x87: {  	[tilespmem:s19], [sflag:$0x1] =	stream.indirect.gather [hbm4b:s1+s17], $0x80, s17, s17, $0xb8;
	[tilespmem:$0x1C800] =	vst v63  }
0x88: {  	_ =	swait.ge [sflag:s20], $0x4000  }
0x89: {  	[sflag:s20] =	ssyncset.done $0x0  }
0x8a: {  	[sflag:s20] =	ssyncadd.s32 $0xFFFFC000  }
0x8b: {  	[spmem:s2] =	stream.indirect.scatter.add.f32 [tilespmem:s18], [sflag:$0x3], $0x80, s14, s17, $0xb8;
	[tilespmem:$0x1C800] =	vst v63  }
0x8c: {  	_ =	swait.ge [sflag:s13], $0x4000  }
0x8d: {  	[sflag:s13] =	ssyncset.done $0x0  }
0x8e: {  	[sflag:s13] =	ssyncadd.s32 $0xFFFFC000  }
0x8f: {  	[tilespmem:s18], [sflag:$0x1] =	stream.indirect.gather [hbm4b:s1+s17], $0x80, s21, s17, $0xb8;
	[tilespmem:$0x1C800] =	vst v63  }
0x90: {  	_ =	swait.ge [sflag:s20], $0x4000  }
0x91: {  	[sflag:s20] =	ssyncset.done $0x0  }
0x92: {  	[sflag:s20] =	ssyncadd.s32 $0xFFFFC000  }
0x93: {  	[spmem:s2] =	stream.indirect.scatter.add.f32 [tilespmem:s19], [sflag:$0x3], $0x80, s22, s17, $0xb8;
	[tilespmem:$0x1C800] =	vst v63  }
0x94: {  	_ =	swait.ge [sflag:s13], $0x4000  }
0x95: {  	[sflag:s13] =	ssyncset.done $0x0  }
0x96: {  	[sflag:s13] =	ssyncadd.s32 $0xFFFFC000  }
0x97: {  	[tilespmem:s19], [sflag:$0x1] =	stream.indirect.gather [hbm4b:s1+s17], $0x80, s23, s17, $0xb8;
	[tilespmem:$0x1C800] =	vst v63  }
0x98: {  	_ =	swait.ge [sflag:s20], $0x4000  }
0x99: {  	[sflag:s20] =	ssyncset.done $0x0  }
0x9a: {  	[sflag:s20] =	ssyncadd.s32 $0xFFFFC000  }
0x9b: {  	[spmem:s2] =	stream.indirect.scatter.add.f32 [tilespmem:s18], [sflag:$0x3], $0x80, s24, s17, $0xb8;
	[tilespmem:$0x1C800] =	vst v63  }
0x9c: {  	_ =	swait.ge [sflag:s13], $0x4000  }
0x9d: {  	[sflag:s13] =	ssyncset.done $0x0  }
0x9e: {  	[sflag:s13] =	ssyncadd.s32 $0xFFFFC000  }
0x9f: {  	_ =	swait.ge [sflag:s20], $0x4000  }
0xa0: {  	[sflag:s20] =	ssyncset.done $0x0  }
0xa1: {  	[sflag:s20] =	ssyncadd.s32 $0xFFFFC000  }
0xa2: {  	[spmem:s2] =	stream.indirect.scatter.add.f32 [tilespmem:s19], [sflag:$0x3], $0x80, s25, s17, $0xb8;
	[tilespmem:$0x1C800] =	vst v63  }
0xa3: {  	_ =	swait.ge [sflag:s13], $0x4000  }
0xa4: {  	[sflag:s13] =	ssyncset.done $0x0  }
0xa5: {  	[sflag:s13] =	ssyncadd.s32 $0xFFFFC000  }
0xa6: {  	_ =	swait.ge [sflag:s26], $0x200  }
0xa7: {  	[sflag:s26] =	ssyncset.done $0x0  }
0xa8: {  	[sflag:s26] =	ssyncadd.s32 $0xFFFFFE00  }
0xa9: {  	_ =	swait.ge [sflag:s26], $0x200  }
0xaa: {  	[sflag:s26] =	ssyncset.done $0x0  }
0xab: {  	s10 =	sadd.s32 $0x80, s10;
	[sflag:s26] =	ssyncadd.s32 $0xFFFFFE00  }
0xac: {  	[tilespmem:s3], [sflag:$0x2] =	stream.linear.gather [hbm4b:s10+s3], $0x200, $0x38;
	[tilespmem:$0x1C800] =	vst v63  }
0xad: {  	s12 =	sadd.s32 $0x80, s9  }
0xae: {  	[tilespmem:s14], [sflag:$0x2] =	stream.linear.gather [hbm4b:s12+s3], $0x200, $0x38;
	[tilespmem:$0x1C800] =	vst v63  }
0xaf: {  	_ = 	snop  }
0xb0: {  	[tilespmem:s18], [sflag:$0x1] =	stream.indirect.gather [hbm4b:s1+s17], $0x80, s15, s17, $0xb8;
	[tilespmem:$0x1C800] =	vst v63  }
0xb1: {  	_ = 	snop  }
0xb2: {  	[tilespmem:s19], [sflag:$0x1] =	stream.indirect.gather [hbm4b:s1+s17], $0x80, s28, s17, $0xb8;
	[tilespmem:$0x1C800] =	vst v63  }
0xb3: {  	_ =	swait.ge [sflag:s20], $0x4000  }
0xb4: {  	[sflag:s20] =	ssyncset.done $0x0  }
0xb5: {  	[sflag:s20] =	ssyncadd.s32 $0xFFFFC000  }
0xb6: {  	[spmem:s2] =	stream.indirect.scatter.add.f32 [tilespmem:s18], [sflag:$0x3], $0x80, s16, s17, $0xb8;
	[tilespmem:$0x1C800] =	vst v63  }
0xb7: {  	_ =	swait.ge [sflag:s13], $0x4000  }
0xb8: {  	[sflag:s13] =	ssyncset.done $0x0  }
0xb9: {  	[sflag:s13] =	ssyncadd.s32 $0xFFFFC000  }
0xba: {  	[tilespmem:s18], [sflag:$0x1] =	stream.indirect.gather [hbm4b:s1+s17], $0x80, s29, s17, $0xb8;
	[tilespmem:$0x1C800] =	vst v63  }
0xbb: {  	_ =	swait.ge [sflag:s20], $0x4000  }
0xbc: {  	[sflag:s20] =	ssyncset.done $0x0  }
0xbd: {  	[sflag:s20] =	ssyncadd.s32 $0xFFFFC000  }
0xbe: {  	[spmem:s2] =	stream.indirect.scatter.add.f32 [tilespmem:s19], [sflag:$0x3], $0x80, s30, s17, $0xb8;
	[tilespmem:$0x1C800] =	vst v63  }
0xbf: {  	_ =	swait.ge [sflag:s13], $0x4000  }
0xc0: {  	[sflag:s13] =	ssyncset.done $0x0  }
0xc1: {  	[sflag:s13] =	ssyncadd.s32 $0xFFFFC000  }
0xc2: {  	[tilespmem:s19], [sflag:$0x1] =	stream.indirect.gather [hbm4b:s1+s17], $0x80, s31, s17, $0xb8;
	[tilespmem:$0x1C800] =	vst v63  }
0xc3: {  	_ =	swait.ge [sflag:s20], $0x4000  }
0xc4: {  	[sflag:s20] =	ssyncset.done $0x0  }
0xc5: {  	[sflag:s20] =	ssyncadd.s32 $0xFFFFC000  }
0xc6: {  	[spmem:s2] =	stream.indirect.scatter.add.f32 [tilespmem:s18], [sflag:$0x3], $0x80, s0, s17, $0xb8;
	[tilespmem:$0x1C800] =	vst v63  }
0xc7: {  	_ =	swait.ge [sflag:s13], $0x4000  }
0xc8: {  	[sflag:s13] =	ssyncset.done $0x0  }
0xc9: {  	[sflag:s13] =	ssyncadd.s32 $0xFFFFC000  }
0xca: {  	_ =	swait.ge [sflag:s20], $0x4000  }
0xcb: {  	[sflag:s20] =	ssyncset.done $0x0  }
0xcc: {  	[sflag:s20] =	ssyncadd.s32 $0xFFFFC000  }
0xcd: {  	[spmem:s2] =	stream.indirect.scatter.add.f32 [tilespmem:s19], [sflag:$0x3], $0x80, s4, s17, $0xb8;
	[tilespmem:$0x1C800] =	vst v63  }
0xce: {  	_ =	swait.ge [sflag:s13], $0x4000  }
0xcf: {  	[sflag:s13] =	ssyncset.done $0x0  }
0xd0: {  	p0 =	sne.s32 s8, $0x480;
	[sflag:s13] =	ssyncadd.s32 $0xFFFFC000  }
.Ltmp0:
0xd1: {  	_ =	swait.ge [sflag:s26], $0x200;
	(pc) =	sbr.rel @p0 .LBB2_2-.Ltmp0, $4  }
0xd2: {  	[sflag:s26] =	ssyncset.done $0x0  }
0xd3: {  	[sflag:s26] =	ssyncadd.s32 $0xFFFFFE00  }
0xd4: {  	s6 =	smov.u32 s8;
	s8 =	sadd.s32 $0x80, s8;
	_ =	swait.ge [sflag:s26], $0x200  }
0xd5: {  	s7 =	smov.u32 s6;
	s9 =	rddreg [dreg:$0x5];
	[sflag:s26] =	ssyncset.done $0x0  }
0xd6: {  	s6 =	sadd.s32 s7, s9  }
0xd7: {  	[sflag:s26] =	ssyncadd.s32 $0xFFFFFE00;
	s10 =	sadd.s32 s7, s11;
	s8 =	sadd.s32 $0x40, s6  }
0xd8: {  	[tilespmem:s15], [sflag:$0x2] =	stream.linear.gather [hbm4b:s8+s3], $0x200, $0x38;
	[tilespmem:$0x1C800] =	vst v63  }
0xd9: {  	s12 =	sadd.s32 $0x40, s10  }
0xda: {  	[tilespmem:s16], [sflag:$0x2] =	stream.linear.gather [hbm4b:s12+s3], $0x200, $0x38;
	[tilespmem:$0x1C800] =	vst v63  }
0xdb: {  	_ = 	snop  }
0xdc: {  	[tilespmem:s18], [sflag:$0x1] =	stream.indirect.gather [hbm4b:s1+s17], $0x80, s3, s17, $0xb8;
	[tilespmem:$0x1C800] =	vst v63  }
0xdd: {  	_ = 	snop  }
0xde: {  	[tilespmem:s19], [sflag:$0x1] =	stream.indirect.gather [hbm4b:s1+s17], $0x80, s17, s17, $0xb8;
	[tilespmem:$0x1C800] =	vst v63  }
0xdf: {  	_ =	swait.ge [sflag:s20], $0x4000  }
0xe0: {  	[sflag:s20] =	ssyncset.done $0x0  }
0xe1: {  	[sflag:s20] =	ssyncadd.s32 $0xFFFFC000  }
0xe2: {  	[spmem:s2] =	stream.indirect.scatter.add.f32 [tilespmem:s18], [sflag:$0x3], $0x80, s14, s17, $0xb8;
	[tilespmem:$0x1C800] =	vst v63  }
0xe3: {  	_ =	swait.ge [sflag:s13], $0x4000  }
0xe4: {  	[sflag:s13] =	ssyncset.done $0x0  }
0xe5: {  	[sflag:s13] =	ssyncadd.s32 $0xFFFFC000  }
0xe6: {  	[tilespmem:s18], [sflag:$0x1] =	stream.indirect.gather [hbm4b:s1+s17], $0x80, s21, s17, $0xb8;
	[tilespmem:$0x1C800] =	vst v63  }
0xe7: {  	_ =	swait.ge [sflag:s20], $0x4000  }
0xe8: {  	[sflag:s20] =	ssyncset.done $0x0  }
0xe9: {  	[sflag:s20] =	ssyncadd.s32 $0xFFFFC000  }
0xea: {  	[spmem:s2] =	stream.indirect.scatter.add.f32 [tilespmem:s19], [sflag:$0x3], $0x80, s22, s17, $0xb8;
	[tilespmem:$0x1C800] =	vst v63  }
0xeb: {  	_ =	swait.ge [sflag:s13], $0x4000  }
0xec: {  	[sflag:s13] =	ssyncset.done $0x0  }
0xed: {  	[sflag:s13] =	ssyncadd.s32 $0xFFFFC000  }
0xee: {  	[tilespmem:s19], [sflag:$0x1] =	stream.indirect.gather [hbm4b:s1+s17], $0x80, s23, s17, $0xb8;
	[tilespmem:$0x1C800] =	vst v63  }
0xef: {  	_ =	swait.ge [sflag:s20], $0x4000  }
0xf0: {  	[sflag:s20] =	ssyncset.done $0x0  }
0xf1: {  	[sflag:s20] =	ssyncadd.s32 $0xFFFFC000  }
0xf2: {  	[spmem:s2] =	stream.indirect.scatter.add.f32 [tilespmem:s18], [sflag:$0x3], $0x80, s24, s17, $0xb8;
	[tilespmem:$0x1C800] =	vst v63  }
0xf3: {  	_ =	swait.ge [sflag:s13], $0x4000  }
0xf4: {  	[sflag:s13] =	ssyncset.done $0x0  }
0xf5: {  	[sflag:s13] =	ssyncadd.s32 $0xFFFFC000  }
0xf6: {  	_ =	swait.ge [sflag:s20], $0x4000  }
0xf7: {  	[sflag:s20] =	ssyncset.done $0x0  }
0xf8: {  	[sflag:s20] =	ssyncadd.s32 $0xFFFFC000  }
0xf9: {  	[spmem:s2] =	stream.indirect.scatter.add.f32 [tilespmem:s19], [sflag:$0x3], $0x80, s25, s17, $0xb8;
	[tilespmem:$0x1C800] =	vst v63  }
0xfa: {  	_ =	swait.ge [sflag:s13], $0x4000  }
0xfb: {  	[sflag:s13] =	ssyncset.done $0x0  }
0xfc: {  	[sflag:s13] =	ssyncadd.s32 $0xFFFFC000  }
0xfd: {  	_ =	swait.ge [sflag:s26], $0x200  }
0xfe: {  	[sflag:s26] =	ssyncset.done $0x0  }
0xff: {  	[sflag:s26] =	ssyncadd.s32 $0xFFFFFE00  }
0x100: {  	_ =	swait.ge [sflag:s26], $0x200  }
0x101: {  	[sflag:s26] =	ssyncset.done $0x0  }
0x102: {  	s6 =	sadd.s32 $0x80, s6;
	[sflag:s26] =	ssyncadd.s32 $0xFFFFFE00  }
0x103: {  	[tilespmem:s3], [sflag:$0x2] =	stream.linear.gather [hbm4b:s6+s3], $0x200, $0x38;
	[tilespmem:$0x1C800] =	vst v63  }
0x104: {  	s8 =	sadd.s32 $0x80, s10  }
0x105: {  	[tilespmem:s14], [sflag:$0x2] =	stream.linear.gather [hbm4b:s8+s3], $0x200, $0x38;
	[tilespmem:$0x1C800] =	vst v63  }
0x106: {  	_ = 	snop  }
0x107: {  	[tilespmem:s18], [sflag:$0x1] =	stream.indirect.gather [hbm4b:s1+s17], $0x80, s15, s17, $0xb8;
	[tilespmem:$0x1C800] =	vst v63  }
0x108: {  	_ = 	snop  }
0x109: {  	[tilespmem:s19], [sflag:$0x1] =	stream.indirect.gather [hbm4b:s1+s17], $0x80, s28, s17, $0xb8;
	[tilespmem:$0x1C800] =	vst v63  }
0x10a: {  	_ =	swait.ge [sflag:s20], $0x4000  }
0x10b: {  	[sflag:s20] =	ssyncset.done $0x0  }
0x10c: {  	[sflag:s20] =	ssyncadd.s32 $0xFFFFC000  }
0x10d: {  	[spmem:s2] =	stream.indirect.scatter.add.f32 [tilespmem:s18], [sflag:$0x3], $0x80, s16, s17, $0xb8;
	[tilespmem:$0x1C800] =	vst v63  }
0x10e: {  	_ =	swait.ge [sflag:s13], $0x4000  }
0x10f: {  	[sflag:s13] =	ssyncset.done $0x0  }
0x110: {  	[sflag:s13] =	ssyncadd.s32 $0xFFFFC000  }
0x111: {  	[tilespmem:s18], [sflag:$0x1] =	stream.indirect.gather [hbm4b:s1+s17], $0x80, s29, s17, $0xb8;
	[tilespmem:$0x1C800] =	vst v63  }
0x112: {  	_ =	swait.ge [sflag:s20], $0x4000  }
0x113: {  	[sflag:s20] =	ssyncset.done $0x0  }
0x114: {  	[sflag:s20] =	ssyncadd.s32 $0xFFFFC000  }
0x115: {  	[spmem:s2] =	stream.indirect.scatter.add.f32 [tilespmem:s19], [sflag:$0x3], $0x80, s30, s17, $0xb8;
	[tilespmem:$0x1C800] =	vst v63  }
0x116: {  	_ =	swait.ge [sflag:s13], $0x4000  }
0x117: {  	[sflag:s13] =	ssyncset.done $0x0  }
0x118: {  	[sflag:s13] =	ssyncadd.s32 $0xFFFFC000  }
0x119: {  	[tilespmem:s19], [sflag:$0x1] =	stream.indirect.gather [hbm4b:s1+s17], $0x80, s31, s17, $0xb8;
	[tilespmem:$0x1C800] =	vst v63  }
0x11a: {  	_ =	swait.ge [sflag:s20], $0x4000  }
0x11b: {  	[sflag:s20] =	ssyncset.done $0x0  }
0x11c: {  	[sflag:s20] =	ssyncadd.s32 $0xFFFFC000  }
0x11d: {  	[spmem:s2] =	stream.indirect.scatter.add.f32 [tilespmem:s18], [sflag:$0x3], $0x80, s0, s17, $0xb8;
	[tilespmem:$0x1C800] =	vst v63  }
0x11e: {  	_ =	swait.ge [sflag:s13], $0x4000  }
0x11f: {  	[sflag:s13] =	ssyncset.done $0x0  }
0x120: {  	[sflag:s13] =	ssyncadd.s32 $0xFFFFC000  }
0x121: {  	_ =	swait.ge [sflag:s20], $0x4000  }
0x122: {  	[sflag:s20] =	ssyncset.done $0x0  }
0x123: {  	[sflag:s20] =	ssyncadd.s32 $0xFFFFC000  }
0x124: {  	[spmem:s2] =	stream.indirect.scatter.add.f32 [tilespmem:s19], [sflag:$0x3], $0x80, s4, s17, $0xb8;
	[tilespmem:$0x1C800] =	vst v63  }
0x125: {  	_ =	swait.ge [sflag:s13], $0x4000  }
0x126: {  	[sflag:s13] =	ssyncset.done $0x0  }
0x127: {  	[sflag:s13] =	ssyncadd.s32 $0xFFFFC000  }
0x128: {  	_ =	swait.ge [sflag:s26], $0x200  }
0x129: {  	[sflag:s26] =	ssyncset.done $0x0  }
0x12a: {  	[sflag:s26] =	ssyncadd.s32 $0xFFFFFE00  }
0x12b: {  	_ =	swait.ge [sflag:s26], $0x200  }
0x12c: {  	[sflag:s26] =	ssyncset.done $0x0  }
0x12d: {  	[sflag:s26] =	ssyncadd.s32 $0xFFFFFE00  }
0x12e: {  	[bflag:$0x0] =	sbarrier.arrive $0xFFFF  }
0x12f: {  	s12 =	rddreg [dreg:$0x7]  }
0x130: {  	s9 =	rddreg [dreg:$0xa]  }
0x131: {  	s7 =	rddreg [dreg:$0xc]  }
0x132: {  	[hbm:s9], [sflag:s12] =	dma.local [spmem:s7], $0x2800  }
0x133: {  	_ =	swait.ge [sflag:s13], $0x2800  }
0x134: {  	s5 =	sadd.s32 $0x1, s5;
	s10 =	rddreg [dreg:$0xb]  }
0x135: {  	p0 =	sne.s32 s5, s10  }
.Ltmp1:
0x136: {  	_ = 	snop;
	(pc) =	sbr.rel @p0 .LBB2_1-.Ltmp1, $3  }
0x137: {  	_ =	sdelay $0x1  }
0x138: {  	[sflag:s13] =	ssyncset.done $0x0  }
0x139: {  	[sflag:s13] =	ssyncadd.s32 $0xFFFFD800  }
0x13a: {  	_ =	sfence.sel $0x180000  }
0x13b: {  	[bflag:$0x0] =	sbarrier.arrive $0xFFFF  }
0x13c: {  	_ =	strace $0x90000047  }
0x13d: {  	s0 =	stileid.u32;
	[bflag:$0x2] =	sbarrier.arrive $0xFFFF  }
0x13e: {  	p0 =	sne.s32 s0, $0x0;
	s0 =	rddreg [dreg:$0x4]  }
0x13f: {  	s0 =	sadd.s32 @!p0 $0x100000, s0  }
0x140: {  	[sflag:s0] =	ssyncadd.tile.s32 @!p0 $0x1;
	_ =	shalt  }
.Lfunc_end2:
_tile_overlayer_lowered:
.L_overlay_start_2:
0x141: {  	(tag) =	ssettag $0x2  }
0x142: {  	s0 =	rddreg [dreg:$0x0];
	s2 =	stileid.u32  }
0x143: {  	s1 =	rddreg [dreg:$0x1];
	p0 =	sne.s32 s2, $0x0  }
0x144: {  	s3 =	rddreg [dreg:$0x2];
	[bflag:$0x3] =	sbarrier.arrive $0xFFFF;
	s2 =	simm.s32 @!p0 $0x1C03  }
0x145: {  	[timem:s3], [sflag:s2] =	dma.local @!p0 [hbm:s0], s1  }
0x146: {  	s0 =	simm.s32 @!p0 $0x3  }
0x147: {  	_ =	swait.ge @!p0 [sflag:s0], s1  }
0x148: {  	s1 =	ssub.s32 @!p0 $0x0, s1;
	[sflag:s0] =	ssyncset.done @!p0 $0x0  }
0x149: {  	[sflag:s0] =	ssyncadd.s32 @!p0 s1  }
0x14a: {  	[bflag:$0x3] =	sbarrier.arrive $0xFFFF  }
0x14b: {  	_ =	shalt  }

</sc_bundles>
